<compile_context>
chip_gen: v7x
topology: tpu7x:2x2x1
jax: 0.10.2.dev20260603
libtpu: 0.0.44.dev20260713+nightly
codegen_flags: <defaults>
</compile_context>

<pallas_src>
import functools

import jax
import jax.numpy as jnp
from jax import lax
from jax.experimental import pallas as pl
from jax.experimental.pallas import tpu as pltpu
from jax.experimental.pallas import tpu_sc as plsc

N = 10000
E = 320000
D = 128
H = 128
C = 10
G = 256

NC = 2
NS = 16
FH = H // NC
K = 128
DCHUNKS = 80
DPAD = DCHUNKS * K * NC * NS
ECHUNKS = 160
EPAD = ECHUNKS * K * NS
NPAD = 10240
ZROWS = NPAD // NS
NB = 10
BN = N // NB


def _deg_body(dst_hbm, zeros_hbm, ones_hbm, out_hbm, dst_v, ones_v, acc, sem):
    c = lax.axis_index("c")
    s = lax.axis_index("s")
    pltpu.sync_copy(dst_hbm.at[c, s], dst_v)
    pltpu.sync_copy(ones_hbm, ones_v)
    pltpu.sync_copy(zeros_hbm, acc.at[pl.ds(s * ZROWS, ZROWS)])
    plsc.subcore_barrier()

    def group(g, carry):
        descs = [
            pltpu.async_copy(ones_v, acc.at[dst_v.at[g * 8 + b]], sem, add=True)
            for b in range(8)
        ]
        for d in descs:
            d.wait()
        return carry

    lax.fori_loop(0, DCHUNKS // 8, group, 0)
    plsc.subcore_barrier()
    pltpu.sync_copy(acc.at[pl.ds(s * ZROWS, ZROWS)],
                    out_hbm.at[c, pl.ds(s * ZROWS, ZROWS)])


NBUF = 4
EGROUPS = ECHUNKS // NBUF


def _edge_body(table_hbm, src_hbm, dst_hbm, zeros_hbm, out_hbm,
               src_v, dst_v, rows, acc, gsem, *ssems):
    c = lax.axis_index("c")
    s = lax.axis_index("s")
    d_src = pltpu.async_copy(src_hbm.at[c, s], src_v, gsem)
    d_dst = pltpu.async_copy(dst_hbm.at[c, s], dst_v, ssems[0])
    d_zero = pltpu.async_copy(zeros_hbm, acc.at[pl.ds(s * ZROWS, ZROWS)],
                              ssems[1])

    def gather(j, b):
        return pltpu.async_copy(table_hbm.at[src_v.at[j]], rows.at[b], gsem)

    def scatter(j, b):
        return pltpu.async_copy(rows.at[b], acc.at[dst_v.at[j]], ssems[b],
                                add=True)

    d_src.wait()
    for b in range(NBUF):
        gather(b, b)
    d_dst.wait()
    d_zero.wait()
    plsc.subcore_barrier()

    def group(g, carry):
        for b in range(NBUF):
            j = g * NBUF + b
            pltpu.make_async_copy(table_hbm.at[src_v.at[j]],
                                  rows.at[b], gsem).wait()
            scatter(j, b)
            bp = (b - 1) % NBUF
            jp = j - 1

            def refill(jp=jp, bp=bp):
                pltpu.make_async_copy(rows.at[bp],
                                      acc.at[dst_v.at[jp]], ssems[bp]).wait()
                gather(jp + NBUF, bp)

            if b == 0:
                pl.when(g >= 1)(refill)
            else:
                pl.when(g <= EGROUPS - 2)(refill)
        return carry

    lax.fori_loop(0, EGROUPS, group, 0)
    for b in range(NBUF):
        pltpu.make_async_copy(rows.at[b], acc.at[dst_v.at[ECHUNKS - 1]],
                              ssems[b]).wait()
    plsc.subcore_barrier()
    pltpu.sync_copy(acc.at[pl.ds(s * ZROWS, ZROWS)],
                    out_hbm.at[c, pl.ds(s * ZROWS, ZROWS)])


@functools.lru_cache(maxsize=1)
def _sc_kernels():
    mesh = plsc.VectorSubcoreMesh(
        core_axis_name="c", subcore_axis_name="s",
        num_cores=NC, num_subcores=NS)
    deg_kernel = pl.kernel(
        _deg_body,
        out_type=jax.ShapeDtypeStruct((NC, NPAD, 16), jnp.float32),
        mesh=mesh,
        compiler_params=pltpu.CompilerParams(use_tc_tiling_on_sc=False),
        scratch_types=[
            pltpu.VMEM((DCHUNKS, K), jnp.int32),
            pltpu.VMEM((K, 16), jnp.float32),
            pltpu.VMEM_SHARED((NPAD, 16), jnp.float32),
            pltpu.SemaphoreType.DMA,
        ],
    )
    edge_kernel = pl.kernel(
        _edge_body,
        out_type=jax.ShapeDtypeStruct((NC, NPAD, FH), jnp.float32),
        mesh=mesh,
        compiler_params=pltpu.CompilerParams(use_tc_tiling_on_sc=False),
        scratch_types=[
            pltpu.VMEM((ECHUNKS, K), jnp.int32),
            pltpu.VMEM((ECHUNKS, K), jnp.int32),
            pltpu.VMEM((NBUF, K, FH), jnp.float32),
            pltpu.VMEM_SHARED((NPAD, FH), jnp.float32),
            pltpu.SemaphoreType.DMA,
        ] + [pltpu.SemaphoreType.DMA] * NBUF,
    )
    return deg_kernel, edge_kernel



def _dinv_from(dp_ref):
    deg = dp_ref[0, :, 0:1] + dp_ref[1, :, 0:1] + 1.0
    return lax.rsqrt(deg)


def _split_halves(ref):
    return jnp.concatenate([ref[0], ref[1]], axis=-1)


def _write_split(o_ref, full):
    o_ref[0, :, :] = full[:, :FH]
    o_ref[1, :, :] = full[:, FH:]


def _stage1a_body(x_ref, w1_ref, o_ref):
    o_ref[...] = jnp.dot(x_ref[...], w1_ref[...],
                         preferred_element_type=jnp.float32)


def _stage1b_body(z_ref, dp_ref, o_ref):
    dinv = _dinv_from(dp_ref)
    _write_split(o_ref, z_ref[...] * dinv)


def _stage2_body(s1_ref, zt1_ref, dp_ref, w2_ref, b1_ref, o_ref):
    dinv = _dinv_from(dp_ref)
    agg = _split_halves(s1_ref) + _split_halves(zt1_ref)
    h1 = jnp.maximum(dinv * agg + b1_ref[...], 0.0)
    z2 = jnp.dot(h1, w2_ref[...], preferred_element_type=jnp.float32)
    _write_split(o_ref, z2 * dinv)


def _stage3_body(s2_ref, zt2_ref, dp_ref, b2_ref, bt_ref, wfc_ref, bfc_ref,
                 o_ref, accp, accc):
    i = pl.program_id(0)

    @pl.when(i == 0)
    def _():
        accp[...] = jnp.zeros_like(accp)
        accc[...] = jnp.zeros_like(accc)

    dinv = _dinv_from(dp_ref)
    agg = _split_halves(s2_ref) + _split_halves(zt2_ref)
    h2 = jnp.maximum(dinv * agg + b2_ref[...], 0.0)
    ids = bt_ref[0, 0, :]
    gids = lax.broadcasted_iota(jnp.int32, (G, BN), 0)
    mask = (gids == ids[None, :]).astype(jnp.float32)
    accp[...] += jnp.dot(mask, h2, preferred_element_type=jnp.float32)
    accc[...] += jnp.sum(mask, axis=1, keepdims=True)

    @pl.when(i == pl.num_programs(0) - 1)
    def _():
        p = accp[...] / jnp.maximum(accc[...][:, 0:1], 1.0)
        o_ref[...] = (jnp.dot(p, wfc_ref[...],
                              preferred_element_type=jnp.float32)
                      + bfc_ref[...])


def _node_spec():
    return pl.BlockSpec((BN, H), lambda i: (i, 0))


def _degp_spec():
    return pl.BlockSpec((NC, BN, 16), lambda i: (0, i, 0))


def _split_spec():
    return pl.BlockSpec((NC, BN, FH), lambda i: (0, i, 0))


def _full_spec(shape):
    nd = len(shape)
    return pl.BlockSpec(shape, lambda i: (0,) * nd)


def kernel(x, edge_index, batch, W1, b1, W2, b2, Wfc, bfc):
    f32 = jnp.float32
    src = edge_index[0].astype(jnp.int32)
    dst = edge_index[1].astype(jnp.int32)
    batch = batch.astype(jnp.int32)

    dpad = DPAD - E
    dst_deg = jnp.concatenate(
        [dst, N + (jnp.arange(dpad, dtype=jnp.int32) % (NPAD - N))])
    dst_deg = dst_deg.reshape(NC, NS, DCHUNKS, K)

    epad = EPAD - E
    src_e = jnp.concatenate([src, jnp.zeros((epad,), jnp.int32)])
    dst_e = jnp.concatenate(
        [dst, N + (jnp.arange(epad, dtype=jnp.int32) % (NPAD - N))])
    src_e = src_e.reshape(1, NS, ECHUNKS, K) + (
        N * jnp.arange(NC, dtype=jnp.int32)[:, None, None, None])
    dst_e = jnp.broadcast_to(dst_e.reshape(1, NS, ECHUNKS, K),
                             (NC, NS, ECHUNKS, K))

    zeros16 = jnp.zeros((ZROWS, 16), f32)
    ones16 = jnp.ones((K, 16), f32)
    zerosFH = jnp.zeros((ZROWS, FH), f32)

    deg_kernel, edge_kernel = _sc_kernels()
    degp = deg_kernel(dst_deg, zeros16, ones16)

    z1 = pl.pallas_call(
        _stage1a_body,
        grid=(NB,),
        in_specs=[_node_spec(), _full_spec((D, H))],
        out_specs=_node_spec(),
        out_shape=jax.ShapeDtypeStruct((N, H), f32),
    )(x, W1)

    zt1 = pl.pallas_call(
        _stage1b_body,
        grid=(NB,),
        in_specs=[_node_spec(), _degp_spec()],
        out_specs=_split_spec(),
        out_shape=jax.ShapeDtypeStruct((NC, N, FH), f32),
    )(z1, degp)

    s1 = edge_kernel(zt1.reshape(NC * N, FH), src_e, dst_e, zerosFH)

    zt2 = pl.pallas_call(
        _stage2_body,
        grid=(NB,),
        in_specs=[_split_spec(), _split_spec(), _degp_spec(),
                  _full_spec((H, H)), _full_spec((1, H))],
        out_specs=_split_spec(),
        out_shape=jax.ShapeDtypeStruct((NC, N, FH), f32),
    )(s1, zt1, degp, W2, b1.reshape(1, H))

    s2 = edge_kernel(zt2.reshape(NC * N, FH), src_e, dst_e, zerosFH)

    batch3 = batch.reshape(NB, 1, BN)
    out = pl.pallas_call(
        _stage3_body,
        grid=(NB,),
        in_specs=[_split_spec(), _split_spec(), _degp_spec(),
                  _full_spec((1, H)),
                  pl.BlockSpec((1, 1, BN), lambda i: (i, 0, 0)),
                  _full_spec((H, C)), _full_spec((1, C))],
        out_specs=pl.BlockSpec((G, C), lambda i: (0, 0)),
        out_shape=jax.ShapeDtypeStruct((G, C), f32),
        scratch_shapes=[pltpu.VMEM((G, H), f32), pltpu.VMEM((G, H), f32)],
    )(s2, zt2, degp, b2.reshape(1, H), batch3, Wfc, bfc.reshape(1, C))

    return out

# --- scband reference (transcript-rebuilt; emitter-appended) ---
"""Pipeline reference for scband-route-gnn-8701603742460 (READ-ONLY COPY).

The authoritative reference and input builder live on the scoring server;
editing this copy changes nothing except your own understanding.
"""

import jax, jax.numpy as jnp
import numpy as np

N = 10000   # nodes
E = 320000  # edges
D = 128     # in_channels
H = 128     # hidden_channels
C = 10      # num_classes
G = 256     # graphs in batch


def setup_inputs(seed: int = 0) -> dict:
    key = jax.random.key(seed)
    ks = jax.random.split(key, 9)
    x = jax.random.normal(ks[0], (N, D), dtype=jnp.float32)
    edge_index = jax.random.randint(ks[1], (2, E), 0, N, dtype=jnp.int64)
    batch = jnp.sort(jax.random.randint(ks[2], (N,), 0, G, dtype=jnp.int64))
    s = 1.0 / np.sqrt(D)
    W1 = jax.random.normal(ks[3], (D, H), dtype=jnp.float32) * s
    b1 = jnp.zeros((H,), dtype=jnp.float32)
    W2 = jax.random.normal(ks[4], (H, H), dtype=jnp.float32) * (1.0 / np.sqrt(H))
    b2 = jnp.zeros((H,), dtype=jnp.float32)
    Wfc = jax.random.normal(ks[5], (H, C), dtype=jnp.float32) * (1.0 / np.sqrt(H))
    bfc = jnp.zeros((C,), dtype=jnp.float32)
    return {"x": x, "edge_index": edge_index, "batch": batch,
            "W1": W1, "b1": b1, "W2": W2, "b2": b2, "Wfc": Wfc, "bfc": bfc}


def _gcn_conv(x, src, dst, W, b, n):
    # GCNConv with add_self_loops=True and symmetric D^{-1/2}(A+I)D^{-1/2} normalization
    h = x @ W
    deg = jnp.zeros((n,), dtype=h.dtype).at[dst].add(1.0) + 1.0  # in-degree + self loop
    dinv = 1.0 / jnp.sqrt(deg)
    norm = dinv[src] * dinv[dst]
    agg = jax.ops.segment_sum(h[src] * norm[:, None], dst, num_segments=n)
    agg = agg + h * (dinv * dinv)[:, None]  # self-loop messages
    return agg + b


def _global_mean_pool(x, batch, g):
    s = jax.ops.segment_sum(x, batch, num_segments=g)
    cnt = jax.ops.segment_sum(jnp.ones((x.shape[0],), dtype=x.dtype), batch, num_segments=g)
    return s / jnp.clip(cnt, 1.0)[:, None]


def reference(x, edge_index, batch, W1, b1, W2, b2, Wfc, bfc):
    src = edge_index[0]
    dst = edge_index[1]
    h = jax.nn.relu(_gcn_conv(x, src, dst, W1, b1, N))
    h = jax.nn.relu(_gcn_conv(h, src, dst, W2, b2, N))
    p = _global_mean_pool(h, batch, G)
    return p @ Wfc + bfc

if __name__ == "__main__":
    import jax
    _d = setup_inputs()
    print(jax.jit(kernel)(*tuple(_d.values())))

</pallas_src>

<mosaic_0001>
#map = affine_map<(d0, d1) -> (0, 0, 0, 0)>
#map1 = affine_map<(d0, d1) -> (0, 0)>
#map2 = affine_map<(d0, d1) -> (0, 0, 0)>
module attributes {stable_mosaic.version = 14 : i64} {
  func.func @_deg_body(%arg0: i32, %arg1: i32, %arg2: memref<2x16x80x128xi32, #tpu.memory_space<hbm>>, %arg3: memref<640x16xf32, #tpu.memory_space<hbm>>, %arg4: memref<128x16xf32, #tpu.memory_space<hbm>>, %arg5: memref<2x10240x16xf32, #tpu.memory_space<hbm>>, %arg6: memref<80x128xi32, #tpu.memory_space<vmem>>, %arg7: memref<128x16xf32, #tpu.memory_space<vmem>>, %arg8: memref<10240x16xf32, #tpu.memory_space<vmem_shared>>, %arg9: memref<!tpu.dma_semaphore, #tpu.memory_space<semaphore_mem>>) attributes {dimension_semantics = [#tpu.dimension_semantics<core_parallel>, #tpu.dimension_semantics<subcore_parallel>], iteration_bounds = array<i64: 2, 16>, scalar_prefetch = 0 : i64, scratch_operands = 4 : i64, tpu.core_type = #tpu.core_type<sc_vector_subcore>, window_params = [{transform_indices = #map}, {transform_indices = #map1}, {transform_indices = #map1}, {transform_indices = #map2}]} {
    "tpu.region"() ({
      %run_scoped3A = tpu.sem_alloc : memref<!tpu.dma_semaphore, #tpu.memory_space<semaphore_mem>>
      %dma_start3A = arith.constant 0 : i32
      %dma_start3A_11 = arith.constant 0 : i32
      %dma_start3A_12 = tpu.memref_slice %arg2[%arg0, %arg1, %dma_start3A, %dma_start3A_11] : memref<2x16x80x128xi32, #tpu.memory_space<hbm>> -> memref<1x1x80x128xi32, #tpu.memory_space<hbm>>
      %dma_start3A_13 = tpu.memref_squeeze %dma_start3A_12 : memref<1x1x80x128xi32, #tpu.memory_space<hbm>> -> memref<80x128xi32, #tpu.memory_space<hbm>>
      %dma_start3A_14 = arith.constant 0 : i32
      %dma_start3A_15 = arith.constant 0 : i32
      %dma_start3A_16 = tpu.memref_slice %arg2[%arg0, %arg1, %dma_start3A_14, %dma_start3A_15] : memref<2x16x80x128xi32, #tpu.memory_space<hbm>> -> memref<1x1x80x128xi32, #tpu.memory_space<hbm>>
      %dma_start3A_17 = tpu.memref_squeeze %dma_start3A_16 : memref<1x1x80x128xi32, #tpu.memory_space<hbm>> -> memref<80x128xi32, #tpu.memory_space<hbm>>
      tpu.enqueue_dma source(%dma_start3A_17 : memref<80x128xi32, #tpu.memory_space<hbm>>) target(%arg6 : memref<80x128xi32, #tpu.memory_space<vmem>>) target_semaphore(%run_scoped3A : memref<!tpu.dma_semaphore, #tpu.memory_space<semaphore_mem>>)
      %dma_wait3A = arith.constant 0 : i32
      %dma_wait3A_18 = arith.constant 0 : i32
      %dma_wait3A_19 = tpu.memref_slice %arg2[%arg0, %arg1, %dma_wait3A, %dma_wait3A_18] : memref<2x16x80x128xi32, #tpu.memory_space<hbm>> -> memref<1x1x80x128xi32, #tpu.memory_space<hbm>>
      %dma_wait3A_20 = tpu.memref_squeeze %dma_wait3A_19 : memref<1x1x80x128xi32, #tpu.memory_space<hbm>> -> memref<80x128xi32, #tpu.memory_space<hbm>>
      %dma_wait3A_21 = arith.constant 0 : i32
      %dma_wait3A_22 = arith.constant 0 : i32
      %dma_wait3A_23 = tpu.memref_slice %arg2[%arg0, %arg1, %dma_wait3A_21, %dma_wait3A_22] : memref<2x16x80x128xi32, #tpu.memory_space<hbm>> -> memref<1x1x80x128xi32, #tpu.memory_space<hbm>>
      %dma_wait3A_24 = tpu.memref_squeeze %dma_wait3A_23 : memref<1x1x80x128xi32, #tpu.memory_space<hbm>> -> memref<80x128xi32, #tpu.memory_space<hbm>>
      tpu.wait_dma2 semaphore(%run_scoped3A : memref<!tpu.dma_semaphore, #tpu.memory_space<semaphore_mem>>) src(%dma_wait3A_24 : memref<80x128xi32, #tpu.memory_space<hbm>>) dst(%arg6 : memref<80x128xi32, #tpu.memory_space<vmem>>)
      tpu.yield
    }) : () -> ()
    "tpu.region"() ({
      %run_scoped3A = tpu.sem_alloc : memref<!tpu.dma_semaphore, #tpu.memory_space<semaphore_mem>>
      tpu.enqueue_dma source(%arg4 : memref<128x16xf32, #tpu.memory_space<hbm>>) target(%arg7 : memref<128x16xf32, #tpu.memory_space<vmem>>) target_semaphore(%run_scoped3A : memref<!tpu.dma_semaphore, #tpu.memory_space<semaphore_mem>>)
      tpu.wait_dma2 semaphore(%run_scoped3A : memref<!tpu.dma_semaphore, #tpu.memory_space<semaphore_mem>>) src(%arg4 : memref<128x16xf32, #tpu.memory_space<hbm>>) dst(%arg7 : memref<128x16xf32, #tpu.memory_space<vmem>>)
      tpu.yield
    }) : () -> ()
    %mul3A = arith.constant 640 : i32
    %mul3A_0 = arith.muli %arg1, %mul3A : i32
    "tpu.region"() ({
      %run_scoped3A = tpu.sem_alloc : memref<!tpu.dma_semaphore, #tpu.memory_space<semaphore_mem>>
      %dma_start3A = arith.constant 0 : i32
      %dma_start3A_11 = tpu.memref_slice %arg8[%mul3A_0, %dma_start3A] : memref<10240x16xf32, #tpu.memory_space<vmem_shared>> -> memref<640x16xf32, #tpu.memory_space<vmem_shared>>
      tpu.enqueue_dma source(%arg3 : memref<640x16xf32, #tpu.memory_space<hbm>>) target(%dma_start3A_11 : memref<640x16xf32, #tpu.memory_space<vmem_shared>>) target_semaphore(%run_scoped3A : memref<!tpu.dma_semaphore, #tpu.memory_space<semaphore_mem>>)
      %dma_wait3A = arith.constant 0 : i32
      %dma_wait3A_12 = tpu.memref_slice %arg8[%mul3A_0, %dma_wait3A] : memref<10240x16xf32, #tpu.memory_space<vmem_shared>> -> memref<640x16xf32, #tpu.memory_space<vmem_shared>>
      tpu.wait_dma2 semaphore(%run_scoped3A : memref<!tpu.dma_semaphore, #tpu.memory_space<semaphore_mem>>) src(%arg3 : memref<640x16xf32, #tpu.memory_space<hbm>>) dst(%dma_wait3A_12 : memref<640x16xf32, #tpu.memory_space<vmem_shared>>)
      tpu.yield
    }) : () -> ()
    %barrier3A = arith.constant 0 : index
    tpu.barrier barrier_id(%barrier3A)
    %scan3A = arith.constant 0 : i32
    %scan3A_1 = arith.constant 0 : i32
    %scan3A_2 = arith.constant 10 : i32
    %scan3A_3 = arith.addi %scan3A_1, %scan3A_2 : i32
    %scan3A_4 = arith.constant 1 : i32
    scf.for %scan3A_11 = %scan3A_1 to %scan3A_3 step %scan3A_4  : i32 {
      %mul3A_12 = arith.constant 8 : i32
      %mul3A_13 = arith.muli %scan3A_11, %mul3A_12 : i32
      %add3A = arith.constant 0 : i32
      %add3A_14 = arith.addi %mul3A_13, %add3A : i32
      %dma_start3A = arith.constant 0 : i32
      %dma_start3A_15 = tpu.memref_slice %arg6[%add3A_14, %dma_start3A] : memref<80x128xi32, #tpu.memory_space<vmem>> -> memref<1x128xi32, #tpu.memory_space<vmem>>
      %dma_start3A_16 = tpu.memref_squeeze %dma_start3A_15 : memref<1x128xi32, #tpu.memory_space<vmem>> -> memref<128xi32, #tpu.memory_space<vmem>>
      %dma_start3A_17 = arith.constant 0 : i32
      %dma_start3A_18 = arith.constant 0 : i32
      %dma_start3A_19 = tpu.memref_slice %arg8[%dma_start3A_17, %dma_start3A_18] : memref<10240x16xf32, #tpu.memory_space<vmem_shared>> -> memref<10240x16xf32, #tpu.memory_space<vmem_shared>>
      tpu.enqueue_indirect_dma source(%arg7 : memref<128x16xf32, #tpu.memory_space<vmem>>) target(%dma_start3A_19 : memref<10240x16xf32, #tpu.memory_space<vmem_shared>>) offsets(%dma_start3A_16 : memref<128xi32, #tpu.memory_space<vmem>>) semaphore(%arg9 : memref<!tpu.dma_semaphore, #tpu.memory_space<semaphore_mem>>) {add = true}
      %mul3A_20 = arith.constant 8 : i32
      %mul3A_21 = arith.muli %scan3A_11, %mul3A_20 : i32
      %add3A_22 = arith.constant 1 : i32
      %add3A_23 = arith.addi %mul3A_21, %add3A_22 : i32
      %dma_start3A_24 = arith.constant 0 : i32
      %dma_start3A_25 = tpu.memref_slice %arg6[%add3A_23, %dma_start3A_24] : memref<80x128xi32, #tpu.memory_space<vmem>> -> memref<1x128xi32, #tpu.memory_space<vmem>>
      %dma_start3A_26 = tpu.memref_squeeze %dma_start3A_25 : memref<1x128xi32, #tpu.memory_space<vmem>> -> memref<128xi32, #tpu.memory_space<vmem>>
      %dma_start3A_27 = arith.constant 0 : i32
      %dma_start3A_28 = arith.constant 0 : i32
      %dma_start3A_29 = tpu.memref_slice %arg8[%dma_start3A_27, %dma_start3A_28] : memref<10240x16xf32, #tpu.memory_space<vmem_shared>> -> memref<10240x16xf32, #tpu.memory_space<vmem_shared>>
      tpu.enqueue_indirect_dma source(%arg7 : memref<128x16xf32, #tpu.memory_space<vmem>>) target(%dma_start3A_29 : memref<10240x16xf32, #tpu.memory_space<vmem_shared>>) offsets(%dma_start3A_26 : memref<128xi32, #tpu.memory_space<vmem>>) semaphore(%arg9 : memref<!tpu.dma_semaphore, #tpu.memory_space<semaphore_mem>>) {add = true}
      %mul3A_30 = arith.constant 8 : i32
      %mul3A_31 = arith.muli %scan3A_11, %mul3A_30 : i32
      %add3A_32 = arith.constant 2 : i32
      %add3A_33 = arith.addi %mul3A_31, %add3A_32 : i32
      %dma_start3A_34 = arith.constant 0 : i32
      %dma_start3A_35 = tpu.memref_slice %arg6[%add3A_33, %dma_start3A_34] : memref<80x128xi32, #tpu.memory_space<vmem>> -> memref<1x128xi32, #tpu.memory_space<vmem>>
      %dma_start3A_36 = tpu.memref_squeeze %dma_start3A_35 : memref<1x128xi32, #tpu.memory_space<vmem>> -> memref<128xi32, #tpu.memory_space<vmem>>
      %dma_start3A_37 = arith.constant 0 : i32
      %dma_start3A_38 = arith.constant 0 : i32
      %dma_start3A_39 = tpu.memref_slice %arg8[%dma_start3A_37, %dma_start3A_38] : memref<10240x16xf32, #tpu.memory_space<vmem_shared>> -> memref<10240x16xf32, #tpu.memory_space<vmem_shared>>
      tpu.enqueue_indirect_dma source(%arg7 : memref<128x16xf32, #tpu.memory_space<vmem>>) target(%dma_start3A_39 : memref<10240x16xf32, #tpu.memory_space<vmem_shared>>) offsets(%dma_start3A_36 : memref<128xi32, #tpu.memory_space<vmem>>) semaphore(%arg9 : memref<!tpu.dma_semaphore, #tpu.memory_space<semaphore_mem>>) {add = true}
      %mul3A_40 = arith.constant 8 : i32
      %mul3A_41 = arith.muli %scan3A_11, %mul3A_40 : i32
      %add3A_42 = arith.constant 3 : i32
      %add3A_43 = arith.addi %mul3A_41, %add3A_42 : i32
      %dma_start3A_44 = arith.constant 0 : i32
      %dma_start3A_45 = tpu.memref_slice %arg6[%add3A_43, %dma_start3A_44] : memref<80x128xi32, #tpu.memory_space<vmem>> -> memref<1x128xi32, #tpu.memory_space<vmem>>
      %dma_start3A_46 = tpu.memref_squeeze %dma_start3A_45 : memref<1x128xi32, #tpu.memory_space<vmem>> -> memref<128xi32, #tpu.memory_space<vmem>>
      %dma_start3A_47 = arith.constant 0 : i32
      %dma_start3A_48 = arith.constant 0 : i32
      %dma_start3A_49 = tpu.memref_slice %arg8[%dma_start3A_47, %dma_start3A_48] : memref<10240x16xf32, #tpu.memory_space<vmem_shared>> -> memref<10240x16xf32, #tpu.memory_space<vmem_shared>>
      tpu.enqueue_indirect_dma source(%arg7 : memref<128x16xf32, #tpu.memory_space<vmem>>) target(%dma_start3A_49 : memref<10240x16xf32, #tpu.memory_space<vmem_shared>>) offsets(%dma_start3A_46 : memref<128xi32, #tpu.memory_space<vmem>>) semaphore(%arg9 : memref<!tpu.dma_semaphore, #tpu.memory_space<semaphore_mem>>) {add = true}
      %mul3A_50 = arith.constant 8 : i32
      %mul3A_51 = arith.muli %scan3A_11, %mul3A_50 : i32
      %add3A_52 = arith.constant 4 : i32
      %add3A_53 = arith.addi %mul3A_51, %add3A_52 : i32
      %dma_start3A_54 = arith.constant 0 : i32
      %dma_start3A_55 = tpu.memref_slice %arg6[%add3A_53, %dma_start3A_54] : memref<80x128xi32, #tpu.memory_space<vmem>> -> memref<1x128xi32, #tpu.memory_space<vmem>>
      %dma_start3A_56 = tpu.memref_squeeze %dma_start3A_55 : memref<1x128xi32, #tpu.memory_space<vmem>> -> memref<128xi32, #tpu.memory_space<vmem>>
      %dma_start3A_57 = arith.constant 0 : i32
      %dma_start3A_58 = arith.constant 0 : i32
      %dma_start3A_59 = tpu.memref_slice %arg8[%dma_start3A_57, %dma_start3A_58] : memref<10240x16xf32, #tpu.memory_space<vmem_shared>> -> memref<10240x16xf32, #tpu.memory_space<vmem_shared>>
      tpu.enqueue_indirect_dma source(%arg7 : memref<128x16xf32, #tpu.memory_space<vmem>>) target(%dma_start3A_59 : memref<10240x16xf32, #tpu.memory_space<vmem_shared>>) offsets(%dma_start3A_56 : memref<128xi32, #tpu.memory_space<vmem>>) semaphore(%arg9 : memref<!tpu.dma_semaphore, #tpu.memory_space<semaphore_mem>>) {add = true}
      %mul3A_60 = arith.constant 8 : i32
      %mul3A_61 = arith.muli %scan3A_11, %mul3A_60 : i32
      %add3A_62 = arith.constant 5 : i32
      %add3A_63 = arith.addi %mul3A_61, %add3A_62 : i32
      %dma_start3A_64 = arith.constant 0 : i32
      %dma_start3A_65 = tpu.memref_slice %arg6[%add3A_63, %dma_start3A_64] : memref<80x128xi32, #tpu.memory_space<vmem>> -> memref<1x128xi32, #tpu.memory_space<vmem>>
      %dma_start3A_66 = tpu.memref_squeeze %dma_start3A_65 : memref<1x128xi32, #tpu.memory_space<vmem>> -> memref<128xi32, #tpu.memory_space<vmem>>
      %dma_start3A_67 = arith.constant 0 : i32
      %dma_start3A_68 = arith.constant 0 : i32
      %dma_start3A_69 = tpu.memref_slice %arg8[%dma_start3A_67, %dma_start3A_68] : memref<10240x16xf32, #tpu.memory_space<vmem_shared>> -> memref<10240x16xf32, #tpu.memory_space<vmem_shared>>
      tpu.enqueue_indirect_dma source(%arg7 : memref<128x16xf32, #tpu.memory_space<vmem>>) target(%dma_start3A_69 : memref<10240x16xf32, #tpu.memory_space<vmem_shared>>) offsets(%dma_start3A_66 : memref<128xi32, #tpu.memory_space<vmem>>) semaphore(%arg9 : memref<!tpu.dma_semaphore, #tpu.memory_space<semaphore_mem>>) {add = true}
      %mul3A_70 = arith.constant 8 : i32
      %mul3A_71 = arith.muli %scan3A_11, %mul3A_70 : i32
      %add3A_72 = arith.constant 6 : i32
      %add3A_73 = arith.addi %mul3A_71, %add3A_72 : i32
      %dma_start3A_74 = arith.constant 0 : i32
      %dma_start3A_75 = tpu.memref_slice %arg6[%add3A_73, %dma_start3A_74] : memref<80x128xi32, #tpu.memory_space<vmem>> -> memref<1x128xi32, #tpu.memory_space<vmem>>
      %dma_start3A_76 = tpu.memref_squeeze %dma_start3A_75 : memref<1x128xi32, #tpu.memory_space<vmem>> -> memref<128xi32, #tpu.memory_space<vmem>>
      %dma_start3A_77 = arith.constant 0 : i32
      %dma_start3A_78 = arith.constant 0 : i32
      %dma_start3A_79 = tpu.memref_slice %arg8[%dma_start3A_77, %dma_start3A_78] : memref<10240x16xf32, #tpu.memory_space<vmem_shared>> -> memref<10240x16xf32, #tpu.memory_space<vmem_shared>>
      tpu.enqueue_indirect_dma source(%arg7 : memref<128x16xf32, #tpu.memory_space<vmem>>) target(%dma_start3A_79 : memref<10240x16xf32, #tpu.memory_space<vmem_shared>>) offsets(%dma_start3A_76 : memref<128xi32, #tpu.memory_space<vmem>>) semaphore(%arg9 : memref<!tpu.dma_semaphore, #tpu.memory_space<semaphore_mem>>) {add = true}
      %mul3A_80 = arith.constant 8 : i32
      %mul3A_81 = arith.muli %scan3A_11, %mul3A_80 : i32
      %add3A_82 = arith.constant 7 : i32
      %add3A_83 = arith.addi %mul3A_81, %add3A_82 : i32
      %dma_start3A_84 = arith.constant 0 : i32
      %dma_start3A_85 = tpu.memref_slice %arg6[%add3A_83, %dma_start3A_84] : memref<80x128xi32, #tpu.memory_space<vmem>> -> memref<1x128xi32, #tpu.memory_space<vmem>>
      %dma_start3A_86 = tpu.memref_squeeze %dma_start3A_85 : memref<1x128xi32, #tpu.memory_space<vmem>> -> memref<128xi32, #tpu.memory_space<vmem>>
      %dma_start3A_87 = arith.constant 0 : i32
      %dma_start3A_88 = arith.constant 0 : i32
      %dma_start3A_89 = tpu.memref_slice %arg8[%dma_start3A_87, %dma_start3A_88] : memref<10240x16xf32, #tpu.memory_space<vmem_shared>> -> memref<10240x16xf32, #tpu.memory_space<vmem_shared>>
      tpu.enqueue_indirect_dma source(%arg7 : memref<128x16xf32, #tpu.memory_space<vmem>>) target(%dma_start3A_89 : memref<10240x16xf32, #tpu.memory_space<vmem_shared>>) offsets(%dma_start3A_86 : memref<128xi32, #tpu.memory_space<vmem>>) semaphore(%arg9 : memref<!tpu.dma_semaphore, #tpu.memory_space<semaphore_mem>>) {add = true}
      %dma_wait3A = arith.constant 0 : i32
      %dma_wait3A_90 = tpu.memref_slice %arg6[%add3A_14, %dma_wait3A] : memref<80x128xi32, #tpu.memory_space<vmem>> -> memref<1x128xi32, #tpu.memory_space<vmem>>
      %dma_wait3A_91 = tpu.memref_squeeze %dma_wait3A_90 : memref<1x128xi32, #tpu.memory_space<vmem>> -> memref<128xi32, #tpu.memory_space<vmem>>
      %dma_wait3A_92 = arith.constant 0 : i32
      %dma_wait3A_93 = arith.constant 0 : i32
      %dma_wait3A_94 = tpu.memref_slice %arg8[%dma_wait3A_92, %dma_wait3A_93] : memref<10240x16xf32, #tpu.memory_space<vmem_shared>> -> memref<10240x16xf32, #tpu.memory_space<vmem_shared>>
      tpu.wait_indirect_dma semaphore(%arg9 : memref<!tpu.dma_semaphore, #tpu.memory_space<semaphore_mem>>) src(%arg7 : memref<128x16xf32, #tpu.memory_space<vmem>>) dst(%dma_wait3A_94 : memref<10240x16xf32, #tpu.memory_space<vmem_shared>>)
      %dma_wait3A_95 = arith.constant 0 : i32
      %dma_wait3A_96 = tpu.memref_slice %arg6[%add3A_23, %dma_wait3A_95] : memref<80x128xi32, #tpu.memory_space<vmem>> -> memref<1x128xi32, #tpu.memory_space<vmem>>
      %dma_wait3A_97 = tpu.memref_squeeze %dma_wait3A_96 : memref<1x128xi32, #tpu.memory_space<vmem>> -> memref<128xi32, #tpu.memory_space<vmem>>
      %dma_wait3A_98 = arith.constant 0 : i32
      %dma_wait3A_99 = arith.constant 0 : i32
      %dma_wait3A_100 = tpu.memref_slice %arg8[%dma_wait3A_98, %dma_wait3A_99] : memref<10240x16xf32, #tpu.memory_space<vmem_shared>> -> memref<10240x16xf32, #tpu.memory_space<vmem_shared>>
      tpu.wait_indirect_dma semaphore(%arg9 : memref<!tpu.dma_semaphore, #tpu.memory_space<semaphore_mem>>) src(%arg7 : memref<128x16xf32, #tpu.memory_space<vmem>>) dst(%dma_wait3A_100 : memref<10240x16xf32, #tpu.memory_space<vmem_shared>>)
      %dma_wait3A_101 = arith.constant 0 : i32
      %dma_wait3A_102 = tpu.memref_slice %arg6[%add3A_33, %dma_wait3A_101] : memref<80x128xi32, #tpu.memory_space<vmem>> -> memref<1x128xi32, #tpu.memory_space<vmem>>
      %dma_wait3A_103 = tpu.memref_squeeze %dma_wait3A_102 : memref<1x128xi32, #tpu.memory_space<vmem>> -> memref<128xi32, #tpu.memory_space<vmem>>
      %dma_wait3A_104 = arith.constant 0 : i32
      %dma_wait3A_105 = arith.constant 0 : i32
      %dma_wait3A_106 = tpu.memref_slice %arg8[%dma_wait3A_104, %dma_wait3A_105] : memref<10240x16xf32, #tpu.memory_space<vmem_shared>> -> memref<10240x16xf32, #tpu.memory_space<vmem_shared>>
      tpu.wait_indirect_dma semaphore(%arg9 : memref<!tpu.dma_semaphore, #tpu.memory_space<semaphore_mem>>) src(%arg7 : memref<128x16xf32, #tpu.memory_space<vmem>>) dst(%dma_wait3A_106 : memref<10240x16xf32, #tpu.memory_space<vmem_shared>>)
      %dma_wait3A_107 = arith.constant 0 : i32
      %dma_wait3A_108 = tpu.memref_slice %arg6[%add3A_43, %dma_wait3A_107] : memref<80x128xi32, #tpu.memory_space<vmem>> -> memref<1x128xi32, #tpu.memory_space<vmem>>
      %dma_wait3A_109 = tpu.memref_squeeze %dma_wait3A_108 : memref<1x128xi32, #tpu.memory_space<vmem>> -> memref<128xi32, #tpu.memory_space<vmem>>
      %dma_wait3A_110 = arith.constant 0 : i32
      %dma_wait3A_111 = arith.constant 0 : i32
      %dma_wait3A_112 = tpu.memref_slice %arg8[%dma_wait3A_110, %dma_wait3A_111] : memref<10240x16xf32, #tpu.memory_space<vmem_shared>> -> memref<10240x16xf32, #tpu.memory_space<vmem_shared>>
      tpu.wait_indirect_dma semaphore(%arg9 : memref<!tpu.dma_semaphore, #tpu.memory_space<semaphore_mem>>) src(%arg7 : memref<128x16xf32, #tpu.memory_space<vmem>>) dst(%dma_wait3A_112 : memref<10240x16xf32, #tpu.memory_space<vmem_shared>>)
      %dma_wait3A_113 = arith.constant 0 : i32
      %dma_wait3A_114 = tpu.memref_slice %arg6[%add3A_53, %dma_wait3A_113] : memref<80x128xi32, #tpu.memory_space<vmem>> -> memref<1x128xi32, #tpu.memory_space<vmem>>
      %dma_wait3A_115 = tpu.memref_squeeze %dma_wait3A_114 : memref<1x128xi32, #tpu.memory_space<vmem>> -> memref<128xi32, #tpu.memory_space<vmem>>
      %dma_wait3A_116 = arith.constant 0 : i32
      %dma_wait3A_117 = arith.constant 0 : i32
      %dma_wait3A_118 = tpu.memref_slice %arg8[%dma_wait3A_116, %dma_wait3A_117] : memref<10240x16xf32, #tpu.memory_space<vmem_shared>> -> memref<10240x16xf32, #tpu.memory_space<vmem_shared>>
      tpu.wait_indirect_dma semaphore(%arg9 : memref<!tpu.dma_semaphore, #tpu.memory_space<semaphore_mem>>) src(%arg7 : memref<128x16xf32, #tpu.memory_space<vmem>>) dst(%dma_wait3A_118 : memref<10240x16xf32, #tpu.memory_space<vmem_shared>>)
      %dma_wait3A_119 = arith.constant 0 : i32
      %dma_wait3A_120 = tpu.memref_slice %arg6[%add3A_63, %dma_wait3A_119] : memref<80x128xi32, #tpu.memory_space<vmem>> -> memref<1x128xi32, #tpu.memory_space<vmem>>
      %dma_wait3A_121 = tpu.memref_squeeze %dma_wait3A_120 : memref<1x128xi32, #tpu.memory_space<vmem>> -> memref<128xi32, #tpu.memory_space<vmem>>
      %dma_wait3A_122 = arith.constant 0 : i32
      %dma_wait3A_123 = arith.constant 0 : i32
      %dma_wait3A_124 = tpu.memref_slice %arg8[%dma_wait3A_122, %dma_wait3A_123] : memref<10240x16xf32, #tpu.memory_space<vmem_shared>> -> memref<10240x16xf32, #tpu.memory_space<vmem_shared>>
      tpu.wait_indirect_dma semaphore(%arg9 : memref<!tpu.dma_semaphore, #tpu.memory_space<semaphore_mem>>) src(%arg7 : memref<128x16xf32, #tpu.memory_space<vmem>>) dst(%dma_wait3A_124 : memref<10240x16xf32, #tpu.memory_space<vmem_shared>>)
      %dma_wait3A_125 = arith.constant 0 : i32
      %dma_wait3A_126 = tpu.memref_slice %arg6[%add3A_73, %dma_wait3A_125] : memref<80x128xi32, #tpu.memory_space<vmem>> -> memref<1x128xi32, #tpu.memory_space<vmem>>
      %dma_wait3A_127 = tpu.memref_squeeze %dma_wait3A_126 : memref<1x128xi32, #tpu.memory_space<vmem>> -> memref<128xi32, #tpu.memory_space<vmem>>
      %dma_wait3A_128 = arith.constant 0 : i32
      %dma_wait3A_129 = arith.constant 0 : i32
      %dma_wait3A_130 = tpu.memref_slice %arg8[%dma_wait3A_128, %dma_wait3A_129] : memref<10240x16xf32, #tpu.memory_space<vmem_shared>> -> memref<10240x16xf32, #tpu.memory_space<vmem_shared>>
      tpu.wait_indirect_dma semaphore(%arg9 : memref<!tpu.dma_semaphore, #tpu.memory_space<semaphore_mem>>) src(%arg7 : memref<128x16xf32, #tpu.memory_space<vmem>>) dst(%dma_wait3A_130 : memref<10240x16xf32, #tpu.memory_space<vmem_shared>>)
      %dma_wait3A_131 = arith.constant 0 : i32
      %dma_wait3A_132 = tpu.memref_slice %arg6[%add3A_83, %dma_wait3A_131] : memref<80x128xi32, #tpu.memory_space<vmem>> -> memref<1x128xi32, #tpu.memory_space<vmem>>
      %dma_wait3A_133 = tpu.memref_squeeze %dma_wait3A_132 : memref<1x128xi32, #tpu.memory_space<vmem>> -> memref<128xi32, #tpu.memory_space<vmem>>
      %dma_wait3A_134 = arith.constant 0 : i32
      %dma_wait3A_135 = arith.constant 0 : i32
      %dma_wait3A_136 = tpu.memref_slice %arg8[%dma_wait3A_134, %dma_wait3A_135] : memref<10240x16xf32, #tpu.memory_space<vmem_shared>> -> memref<10240x16xf32, #tpu.memory_space<vmem_shared>>
      tpu.wait_indirect_dma semaphore(%arg9 : memref<!tpu.dma_semaphore, #tpu.memory_space<semaphore_mem>>) src(%arg7 : memref<128x16xf32, #tpu.memory_space<vmem>>) dst(%dma_wait3A_136 : memref<10240x16xf32, #tpu.memory_space<vmem_shared>>)
    }
    %scan3A_5 = arith.constant 10 : i32
    %barrier3A_6 = arith.constant 0 : index
    tpu.barrier barrier_id(%barrier3A_6)
    %mul3A_7 = arith.constant 640 : i32
    %mul3A_8 = arith.muli %arg1, %mul3A_7 : i32
    %mul3A_9 = arith.constant 640 : i32
    %mul3A_10 = arith.muli %arg1, %mul3A_9 : i32
    "tpu.region"() ({
      %run_scoped3A = tpu.sem_alloc : memref<!tpu.dma_semaphore, #tpu.memory_space<semaphore_mem>>
      %dma_start3A = arith.constant 0 : i32
      %dma_start3A_11 = tpu.memref_slice %arg5[%arg0, %mul3A_10, %dma_start3A] : memref<2x10240x16xf32, #tpu.memory_space<hbm>> -> memref<1x640x16xf32, #tpu.memory_space<hbm>>
      %dma_start3A_12 = tpu.memref_squeeze %dma_start3A_11 : memref<1x640x16xf32, #tpu.memory_space<hbm>> -> memref<640x16xf32, #tpu.memory_space<hbm>>
      %dma_start3A_13 = arith.constant 0 : i32
      %dma_start3A_14 = tpu.memref_slice %arg8[%mul3A_8, %dma_start3A_13] : memref<10240x16xf32, #tpu.memory_space<vmem_shared>> -> memref<640x16xf32, #tpu.memory_space<vmem_shared>>
      tpu.enqueue_dma source(%dma_start3A_14 : memref<640x16xf32, #tpu.memory_space<vmem_shared>>) target(%dma_start3A_12 : memref<640x16xf32, #tpu.memory_space<hbm>>) target_semaphore(%run_scoped3A : memref<!tpu.dma_semaphore, #tpu.memory_space<semaphore_mem>>)
      %dma_wait3A = arith.constant 0 : i32
      %dma_wait3A_15 = tpu.memref_slice %arg5[%arg0, %mul3A_10, %dma_wait3A] : memref<2x10240x16xf32, #tpu.memory_space<hbm>> -> memref<1x640x16xf32, #tpu.memory_space<hbm>>
      %dma_wait3A_16 = tpu.memref_squeeze %dma_wait3A_15 : memref<1x640x16xf32, #tpu.memory_space<hbm>> -> memref<640x16xf32, #tpu.memory_space<hbm>>
      %dma_wait3A_17 = arith.constant 0 : i32
      %dma_wait3A_18 = tpu.memref_slice %arg8[%mul3A_8, %dma_wait3A_17] : memref<10240x16xf32, #tpu.memory_space<vmem_shared>> -> memref<640x16xf32, #tpu.memory_space<vmem_shared>>
      tpu.wait_dma2 semaphore(%run_scoped3A : memref<!tpu.dma_semaphore, #tpu.memory_space<semaphore_mem>>) src(%dma_wait3A_18 : memref<640x16xf32, #tpu.memory_space<vmem_shared>>) dst(%dma_wait3A_16 : memref<640x16xf32, #tpu.memory_space<hbm>>)
      tpu.yield
    }) : () -> ()
    return
  }
}

#map = affine_map<(d0, d1) -> (0, 0)>
#map1 = affine_map<(d0, d1) -> (0, 0, 0, 0)>
#map2 = affine_map<(d0, d1) -> (0, 0, 0)>
module attributes {stable_mosaic.version = 14 : i64} {
  func.func @_edge_body(%arg0: i32, %arg1: i32, %arg2: memref<20000x64xf32, #tpu.memory_space<hbm>>, %arg3: memref<2x16x160x128xi32, #tpu.memory_space<hbm>>, %arg4: memref<2x16x160x128xi32, #tpu.memory_space<hbm>>, %arg5: memref<640x64xf32, #tpu.memory_space<hbm>>, %arg6: memref<2x10240x64xf32, #tpu.memory_space<hbm>>, %arg7: memref<160x128xi32, #tpu.memory_space<vmem>>, %arg8: memref<160x128xi32, #tpu.memory_space<vmem>>, %arg9: memref<4x128x64xf32, #tpu.memory_space<vmem>>, %arg10: memref<10240x64xf32, #tpu.memory_space<vmem_shared>>, %arg11: memref<!tpu.dma_semaphore, #tpu.memory_space<semaphore_mem>>, %arg12: memref<!tpu.dma_semaphore, #tpu.memory_space<semaphore_mem>>, %arg13: memref<!tpu.dma_semaphore, #tpu.memory_space<semaphore_mem>>, %arg14: memref<!tpu.dma_semaphore, #tpu.memory_space<semaphore_mem>>, %arg15: memref<!tpu.dma_semaphore, #tpu.memory_space<semaphore_mem>>) attributes {dimension_semantics = [#tpu.dimension_semantics<core_parallel>, #tpu.dimension_semantics<subcore_parallel>], iteration_bounds = array<i64: 2, 16>, scalar_prefetch = 0 : i64, scratch_operands = 9 : i64, tpu.core_type = #tpu.core_type<sc_vector_subcore>, window_params = [{transform_indices = #map}, {transform_indices = #map1}, {transform_indices = #map1}, {transform_indices = #map}, {transform_indices = #map2}]} {
    %dma_start3A = arith.constant 0 : i32
    %dma_start3A_0 = arith.constant 0 : i32
    %dma_start3A_1 = tpu.memref_slice %arg3[%arg0, %arg1, %dma_start3A, %dma_start3A_0] : memref<2x16x160x128xi32, #tpu.memory_space<hbm>> -> memref<1x1x160x128xi32, #tpu.memory_space<hbm>>
    %dma_start3A_2 = tpu.memref_squeeze %dma_start3A_1 : memref<1x1x160x128xi32, #tpu.memory_space<hbm>> -> memref<160x128xi32, #tpu.memory_space<hbm>>
    %dma_start3A_3 = arith.constant 0 : i32
    %dma_start3A_4 = arith.constant 0 : i32
    %dma_start3A_5 = tpu.memref_slice %arg3[%arg0, %arg1, %dma_start3A_3, %dma_start3A_4] : memref<2x16x160x128xi32, #tpu.memory_space<hbm>> -> memref<1x1x160x128xi32, #tpu.memory_space<hbm>>
    %dma_start3A_6 = tpu.memref_squeeze %dma_start3A_5 : memref<1x1x160x128xi32, #tpu.memory_space<hbm>> -> memref<160x128xi32, #tpu.memory_space<hbm>>
    tpu.enqueue_dma source(%dma_start3A_6 : memref<160x128xi32, #tpu.memory_space<hbm>>) target(%arg7 : memref<160x128xi32, #tpu.memory_space<vmem>>) target_semaphore(%arg11 : memref<!tpu.dma_semaphore, #tpu.memory_space<semaphore_mem>>)
    %dma_start3A_7 = arith.constant 0 : i32
    %dma_start3A_8 = arith.constant 0 : i32
    %dma_start3A_9 = tpu.memref_slice %arg4[%arg0, %arg1, %dma_start3A_7, %dma_start3A_8] : memref<2x16x160x128xi32, #tpu.memory_space<hbm>> -> memref<1x1x160x128xi32, #tpu.memory_space<hbm>>
    %dma_start3A_10 = tpu.memref_squeeze %dma_start3A_9 : memref<1x1x160x128xi32, #tpu.memory_space<hbm>> -> memref<160x128xi32, #tpu.memory_space<hbm>>
    %dma_start3A_11 = arith.constant 0 : i32
    %dma_start3A_12 = arith.constant 0 : i32
    %dma_start3A_13 = tpu.memref_slice %arg4[%arg0, %arg1, %dma_start3A_11, %dma_start3A_12] : memref<2x16x160x128xi32, #tpu.memory_space<hbm>> -> memref<1x1x160x128xi32, #tpu.memory_space<hbm>>
    %dma_start3A_14 = tpu.memref_squeeze %dma_start3A_13 : memref<1x1x160x128xi32, #tpu.memory_space<hbm>> -> memref<160x128xi32, #tpu.memory_space<hbm>>
    tpu.enqueue_dma source(%dma_start3A_14 : memref<160x128xi32, #tpu.memory_space<hbm>>) target(%arg8 : memref<160x128xi32, #tpu.memory_space<vmem>>) target_semaphore(%arg12 : memref<!tpu.dma_semaphore, #tpu.memory_space<semaphore_mem>>)
    %mul3A = arith.constant 640 : i32
    %mul3A_15 = arith.muli %arg1, %mul3A : i32
    %dma_start3A_16 = arith.constant 0 : i32
    %dma_start3A_17 = tpu.memref_slice %arg10[%mul3A_15, %dma_start3A_16] : memref<10240x64xf32, #tpu.memory_space<vmem_shared>> -> memref<640x64xf32, #tpu.memory_space<vmem_shared>>
    tpu.enqueue_dma source(%arg5 : memref<640x64xf32, #tpu.memory_space<hbm>>) target(%dma_start3A_17 : memref<640x64xf32, #tpu.memory_space<vmem_shared>>) target_semaphore(%arg13 : memref<!tpu.dma_semaphore, #tpu.memory_space<semaphore_mem>>)
    %dma_wait3A = arith.constant 0 : i32
    %dma_wait3A_18 = arith.constant 0 : i32
    %dma_wait3A_19 = tpu.memref_slice %arg3[%arg0, %arg1, %dma_wait3A, %dma_wait3A_18] : memref<2x16x160x128xi32, #tpu.memory_space<hbm>> -> memref<1x1x160x128xi32, #tpu.memory_space<hbm>>
    %dma_wait3A_20 = tpu.memref_squeeze %dma_wait3A_19 : memref<1x1x160x128xi32, #tpu.memory_space<hbm>> -> memref<160x128xi32, #tpu.memory_space<hbm>>
    %dma_wait3A_21 = arith.constant 0 : i32
    %dma_wait3A_22 = arith.constant 0 : i32
    %dma_wait3A_23 = tpu.memref_slice %arg3[%arg0, %arg1, %dma_wait3A_21, %dma_wait3A_22] : memref<2x16x160x128xi32, #tpu.memory_space<hbm>> -> memref<1x1x160x128xi32, #tpu.memory_space<hbm>>
    %dma_wait3A_24 = tpu.memref_squeeze %dma_wait3A_23 : memref<1x1x160x128xi32, #tpu.memory_space<hbm>> -> memref<160x128xi32, #tpu.memory_space<hbm>>
    tpu.wait_dma2 semaphore(%arg11 : memref<!tpu.dma_semaphore, #tpu.memory_space<semaphore_mem>>) src(%dma_wait3A_24 : memref<160x128xi32, #tpu.memory_space<hbm>>) dst(%arg7 : memref<160x128xi32, #tpu.memory_space<vmem>>)
    %dma_start3A_25 = arith.constant 0 : i32
    %dma_start3A_26 = arith.constant 0 : i32
    %dma_start3A_27 = arith.constant 0 : i32
    %dma_start3A_28 = arith.constant 0 : i32
    %dma_start3A_29 = tpu.memref_slice %arg9[%dma_start3A_26, %dma_start3A_27, %dma_start3A_28] : memref<4x128x64xf32, #tpu.memory_space<vmem>> -> memref<1x128x64xf32, #tpu.memory_space<vmem>>
    %dma_start3A_30 = tpu.memref_squeeze %dma_start3A_29 : memref<1x128x64xf32, #tpu.memory_space<vmem>> -> memref<128x64xf32, #tpu.memory_space<vmem>>
    %dma_start3A_31 = arith.constant 0 : i32
    %dma_start3A_32 = tpu.memref_slice %arg7[%dma_start3A_25, %dma_start3A_31] : memref<160x128xi32, #tpu.memory_space<vmem>> -> memref<1x128xi32, #tpu.memory_space<vmem>>
    %dma_start3A_33 = tpu.memref_squeeze %dma_start3A_32 : memref<1x128xi32, #tpu.memory_space<vmem>> -> memref<128xi32, #tpu.memory_space<vmem>>
    %dma_start3A_34 = arith.constant 0 : i32
    %dma_start3A_35 = arith.constant 0 : i32
    %dma_start3A_36 = tpu.memref_slice %arg2[%dma_start3A_34, %dma_start3A_35] : memref<20000x64xf32, #tpu.memory_space<hbm>> -> memref<20000x64xf32, #tpu.memory_space<hbm>>
    tpu.enqueue_indirect_dma source(%dma_start3A_36 : memref<20000x64xf32, #tpu.memory_space<hbm>>) target(%dma_start3A_30 : memref<128x64xf32, #tpu.memory_space<vmem>>) offsets(%dma_start3A_33 : memref<128xi32, #tpu.memory_space<vmem>>) semaphore(%arg11 : memref<!tpu.dma_semaphore, #tpu.memory_space<semaphore_mem>>)
    %dma_start3A_37 = arith.constant 1 : i32
    %dma_start3A_38 = arith.constant 1 : i32
    %dma_start3A_39 = arith.constant 0 : i32
    %dma_start3A_40 = arith.constant 0 : i32
    %dma_start3A_41 = tpu.memref_slice %arg9[%dma_start3A_38, %dma_start3A_39, %dma_start3A_40] : memref<4x128x64xf32, #tpu.memory_space<vmem>> -> memref<1x128x64xf32, #tpu.memory_space<vmem>>
    %dma_start3A_42 = tpu.memref_squeeze %dma_start3A_41 : memref<1x128x64xf32, #tpu.memory_space<vmem>> -> memref<128x64xf32, #tpu.memory_space<vmem>>
    %dma_start3A_43 = arith.constant 0 : i32
    %dma_start3A_44 = tpu.memref_slice %arg7[%dma_start3A_37, %dma_start3A_43] : memref<160x128xi32, #tpu.memory_space<vmem>> -> memref<1x128xi32, #tpu.memory_space<vmem>>
    %dma_start3A_45 = tpu.memref_squeeze %dma_start3A_44 : memref<1x128xi32, #tpu.memory_space<vmem>> -> memref<128xi32, #tpu.memory_space<vmem>>
    %dma_start3A_46 = arith.constant 0 : i32
    %dma_start3A_47 = arith.constant 0 : i32
    %dma_start3A_48 = tpu.memref_slice %arg2[%dma_start3A_46, %dma_start3A_47] : memref<20000x64xf32, #tpu.memory_space<hbm>> -> memref<20000x64xf32, #tpu.memory_space<hbm>>
    tpu.enqueue_indirect_dma source(%dma_start3A_48 : memref<20000x64xf32, #tpu.memory_space<hbm>>) target(%dma_start3A_42 : memref<128x64xf32, #tpu.memory_space<vmem>>) offsets(%dma_start3A_45 : memref<128xi32, #tpu.memory_space<vmem>>) semaphore(%arg11 : memref<!tpu.dma_semaphore, #tpu.memory_space<semaphore_mem>>)
    %dma_start3A_49 = arith.constant 2 : i32
    %dma_start3A_50 = arith.constant 2 : i32
    %dma_start3A_51 = arith.constant 0 : i32
    %dma_start3A_52 = arith.constant 0 : i32
    %dma_start3A_53 = tpu.memref_slice %arg9[%dma_start3A_50, %dma_start3A_51, %dma_start3A_52] : memref<4x128x64xf32, #tpu.memory_space<vmem>> -> memref<1x128x64xf32, #tpu.memory_space<vmem>>
    %dma_start3A_54 = tpu.memref_squeeze %dma_start3A_53 : memref<1x128x64xf32, #tpu.memory_space<vmem>> -> memref<128x64xf32, #tpu.memory_space<vmem>>
    %dma_start3A_55 = arith.constant 0 : i32
    %dma_start3A_56 = tpu.memref_slice %arg7[%dma_start3A_49, %dma_start3A_55] : memref<160x128xi32, #tpu.memory_space<vmem>> -> memref<1x128xi32, #tpu.memory_space<vmem>>
    %dma_start3A_57 = tpu.memref_squeeze %dma_start3A_56 : memref<1x128xi32, #tpu.memory_space<vmem>> -> memref<128xi32, #tpu.memory_space<vmem>>
    %dma_start3A_58 = arith.constant 0 : i32
    %dma_start3A_59 = arith.constant 0 : i32
    %dma_start3A_60 = tpu.memref_slice %arg2[%dma_start3A_58, %dma_start3A_59] : memref<20000x64xf32, #tpu.memory_space<hbm>> -> memref<20000x64xf32, #tpu.memory_space<hbm>>
    tpu.enqueue_indirect_dma source(%dma_start3A_60 : memref<20000x64xf32, #tpu.memory_space<hbm>>) target(%dma_start3A_54 : memref<128x64xf32, #tpu.memory_space<vmem>>) offsets(%dma_start3A_57 : memref<128xi32, #tpu.memory_space<vmem>>) semaphore(%arg11 : memref<!tpu.dma_semaphore, #tpu.memory_space<semaphore_mem>>)
    %dma_start3A_61 = arith.constant 3 : i32
    %dma_start3A_62 = arith.constant 3 : i32
    %dma_start3A_63 = arith.constant 0 : i32
    %dma_start3A_64 = arith.constant 0 : i32
    %dma_start3A_65 = tpu.memref_slice %arg9[%dma_start3A_62, %dma_start3A_63, %dma_start3A_64] : memref<4x128x64xf32, #tpu.memory_space<vmem>> -> memref<1x128x64xf32, #tpu.memory_space<vmem>>
    %dma_start3A_66 = tpu.memref_squeeze %dma_start3A_65 : memref<1x128x64xf32, #tpu.memory_space<vmem>> -> memref<128x64xf32, #tpu.memory_space<vmem>>
    %dma_start3A_67 = arith.constant 0 : i32
    %dma_start3A_68 = tpu.memref_slice %arg7[%dma_start3A_61, %dma_start3A_67] : memref<160x128xi32, #tpu.memory_space<vmem>> -> memref<1x128xi32, #tpu.memory_space<vmem>>
    %dma_start3A_69 = tpu.memref_squeeze %dma_start3A_68 : memref<1x128xi32, #tpu.memory_space<vmem>> -> memref<128xi32, #tpu.memory_space<vmem>>
    %dma_start3A_70 = arith.constant 0 : i32
    %dma_start3A_71 = arith.constant 0 : i32
    %dma_start3A_72 = tpu.memref_slice %arg2[%dma_start3A_70, %dma_start3A_71] : memref<20000x64xf32, #tpu.memory_space<hbm>> -> memref<20000x64xf32, #tpu.memory_space<hbm>>
    tpu.enqueue_indirect_dma source(%dma_start3A_72 : memref<20000x64xf32, #tpu.memory_space<hbm>>) target(%dma_start3A_66 : memref<128x64xf32, #tpu.memory_space<vmem>>) offsets(%dma_start3A_69 : memref<128xi32, #tpu.memory_space<vmem>>) semaphore(%arg11 : memref<!tpu.dma_semaphore, #tpu.memory_space<semaphore_mem>>)
    %dma_wait3A_73 = arith.constant 0 : i32
    %dma_wait3A_74 = arith.constant 0 : i32
    %dma_wait3A_75 = tpu.memref_slice %arg4[%arg0, %arg1, %dma_wait3A_73, %dma_wait3A_74] : memref<2x16x160x128xi32, #tpu.memory_space<hbm>> -> memref<1x1x160x128xi32, #tpu.memory_space<hbm>>
    %dma_wait3A_76 = tpu.memref_squeeze %dma_wait3A_75 : memref<1x1x160x128xi32, #tpu.memory_space<hbm>> -> memref<160x128xi32, #tpu.memory_space<hbm>>
    %dma_wait3A_77 = arith.constant 0 : i32
    %dma_wait3A_78 = arith.constant 0 : i32
    %dma_wait3A_79 = tpu.memref_slice %arg4[%arg0, %arg1, %dma_wait3A_77, %dma_wait3A_78] : memref<2x16x160x128xi32, #tpu.memory_space<hbm>> -> memref<1x1x160x128xi32, #tpu.memory_space<hbm>>
    %dma_wait3A_80 = tpu.memref_squeeze %dma_wait3A_79 : memref<1x1x160x128xi32, #tpu.memory_space<hbm>> -> memref<160x128xi32, #tpu.memory_space<hbm>>
    tpu.wait_dma2 semaphore(%arg12 : memref<!tpu.dma_semaphore, #tpu.memory_space<semaphore_mem>>) src(%dma_wait3A_80 : memref<160x128xi32, #tpu.memory_space<hbm>>) dst(%arg8 : memref<160x128xi32, #tpu.memory_space<vmem>>)
    %dma_wait3A_81 = arith.constant 0 : i32
    %dma_wait3A_82 = tpu.memref_slice %arg10[%mul3A_15, %dma_wait3A_81] : memref<10240x64xf32, #tpu.memory_space<vmem_shared>> -> memref<640x64xf32, #tpu.memory_space<vmem_shared>>
    tpu.wait_dma2 semaphore(%arg13 : memref<!tpu.dma_semaphore, #tpu.memory_space<semaphore_mem>>) src(%arg5 : memref<640x64xf32, #tpu.memory_space<hbm>>) dst(%dma_wait3A_82 : memref<640x64xf32, #tpu.memory_space<vmem_shared>>)
    %barrier3A = arith.constant 0 : index
    tpu.barrier barrier_id(%barrier3A)
    %scan3A = arith.constant 0 : i32
    %scan3A_83 = arith.constant 0 : i32
    %scan3A_84 = arith.constant 40 : i32
    %scan3A_85 = arith.addi %scan3A_83, %scan3A_84 : i32
    %scan3A_86 = arith.constant 1 : i32
    scf.for %scan3A_141 = %scan3A_83 to %scan3A_85 step %scan3A_86  : i32 {
      %mul3A_142 = arith.constant 4 : i32
      %mul3A_143 = arith.muli %scan3A_141, %mul3A_142 : i32
      %add3A = arith.constant 0 : i32
      %add3A_144 = arith.addi %mul3A_143, %add3A : i32
      %dma_wait3A_145 = arith.constant 0 : i32
      %dma_wait3A_146 = arith.constant 0 : i32
      %dma_wait3A_147 = arith.constant 0 : i32
      %dma_wait3A_148 = tpu.memref_slice %arg9[%dma_wait3A_145, %dma_wait3A_146, %dma_wait3A_147] : memref<4x128x64xf32, #tpu.memory_space<vmem>> -> memref<1x128x64xf32, #tpu.memory_space<vmem>>
      %dma_wait3A_149 = tpu.memref_squeeze %dma_wait3A_148 : memref<1x128x64xf32, #tpu.memory_space<vmem>> -> memref<128x64xf32, #tpu.memory_space<vmem>>
      %dma_wait3A_150 = arith.constant 0 : i32
      %dma_wait3A_151 = tpu.memref_slice %arg7[%add3A_144, %dma_wait3A_150] : memref<160x128xi32, #tpu.memory_space<vmem>> -> memref<1x128xi32, #tpu.memory_space<vmem>>
      %dma_wait3A_152 = tpu.memref_squeeze %dma_wait3A_151 : memref<1x128xi32, #tpu.memory_space<vmem>> -> memref<128xi32, #tpu.memory_space<vmem>>
      %dma_wait3A_153 = arith.constant 0 : i32
      %dma_wait3A_154 = arith.constant 0 : i32
      %dma_wait3A_155 = tpu.memref_slice %arg2[%dma_wait3A_153, %dma_wait3A_154] : memref<20000x64xf32, #tpu.memory_space<hbm>> -> memref<20000x64xf32, #tpu.memory_space<hbm>>
      tpu.wait_indirect_dma semaphore(%arg11 : memref<!tpu.dma_semaphore, #tpu.memory_space<semaphore_mem>>) src(%dma_wait3A_155 : memref<20000x64xf32, #tpu.memory_space<hbm>>) dst(%dma_wait3A_149 : memref<128x64xf32, #tpu.memory_space<vmem>>)
      %dma_start3A_156 = arith.constant 0 : i32
      %dma_start3A_157 = arith.constant 0 : i32
      %dma_start3A_158 = arith.constant 0 : i32
      %dma_start3A_159 = tpu.memref_slice %arg9[%dma_start3A_156, %dma_start3A_157, %dma_start3A_158] : memref<4x128x64xf32, #tpu.memory_space<vmem>> -> memref<1x128x64xf32, #tpu.memory_space<vmem>>
      %dma_start3A_160 = tpu.memref_squeeze %dma_start3A_159 : memref<1x128x64xf32, #tpu.memory_space<vmem>> -> memref<128x64xf32, #tpu.memory_space<vmem>>
      %dma_start3A_161 = arith.constant 0 : i32
      %dma_start3A_162 = tpu.memref_slice %arg8[%add3A_144, %dma_start3A_161] : memref<160x128xi32, #tpu.memory_space<vmem>> -> memref<1x128xi32, #tpu.memory_space<vmem>>
      %dma_start3A_163 = tpu.memref_squeeze %dma_start3A_162 : memref<1x128xi32, #tpu.memory_space<vmem>> -> memref<128xi32, #tpu.memory_space<vmem>>
      %dma_start3A_164 = arith.constant 0 : i32
      %dma_start3A_165 = arith.constant 0 : i32
      %dma_start3A_166 = tpu.memref_slice %arg10[%dma_start3A_164, %dma_start3A_165] : memref<10240x64xf32, #tpu.memory_space<vmem_shared>> -> memref<10240x64xf32, #tpu.memory_space<vmem_shared>>
      tpu.enqueue_indirect_dma source(%dma_start3A_160 : memref<128x64xf32, #tpu.memory_space<vmem>>) target(%dma_start3A_166 : memref<10240x64xf32, #tpu.memory_space<vmem_shared>>) offsets(%dma_start3A_163 : memref<128xi32, #tpu.memory_space<vmem>>) semaphore(%arg12 : memref<!tpu.dma_semaphore, #tpu.memory_space<semaphore_mem>>) {add = true}
      %sub3A = arith.constant 1 : i32
      %sub3A_167 = arith.subi %add3A_144, %sub3A : i32
      %ge3A = arith.constant 1 : i32
      %ge3A_168 = arith.cmpi sge, %scan3A_141, %ge3A : i32
      %convert_element_type3A = arith.extui %ge3A_168 : i1 to i32
      %cond3A = arith.constant 0 : i32
      %cond3A_169 = arith.cmpi ne, %convert_element_type3A, %cond3A : i32
      scf.if %cond3A_169 {
        %dma_wait3A_268 = arith.constant 3 : i32
        %dma_wait3A_269 = arith.constant 0 : i32
        %dma_wait3A_270 = arith.constant 0 : i32
        %dma_wait3A_271 = tpu.memref_slice %arg9[%dma_wait3A_268, %dma_wait3A_269, %dma_wait3A_270] : memref<4x128x64xf32, #tpu.memory_space<vmem>> -> memref<1x128x64xf32, #tpu.memory_space<vmem>>
        %dma_wait3A_272 = tpu.memref_squeeze %dma_wait3A_271 : memref<1x128x64xf32, #tpu.memory_space<vmem>> -> memref<128x64xf32, #tpu.memory_space<vmem>>
        %dma_wait3A_273 = arith.constant 0 : i32
        %dma_wait3A_274 = tpu.memref_slice %arg8[%sub3A_167, %dma_wait3A_273] : memref<160x128xi32, #tpu.memory_space<vmem>> -> memref<1x128xi32, #tpu.memory_space<vmem>>
        %dma_wait3A_275 = tpu.memref_squeeze %dma_wait3A_274 : memref<1x128xi32, #tpu.memory_space<vmem>> -> memref<128xi32, #tpu.memory_space<vmem>>
        %dma_wait3A_276 = arith.constant 0 : i32
        %dma_wait3A_277 = arith.constant 0 : i32
        %dma_wait3A_278 = tpu.memref_slice %arg10[%dma_wait3A_276, %dma_wait3A_277] : memref<10240x64xf32, #tpu.memory_space<vmem_shared>> -> memref<10240x64xf32, #tpu.memory_space<vmem_shared>>
        tpu.wait_indirect_dma semaphore(%arg15 : memref<!tpu.dma_semaphore, #tpu.memory_space<semaphore_mem>>) src(%dma_wait3A_272 : memref<128x64xf32, #tpu.memory_space<vmem>>) dst(%dma_wait3A_278 : memref<10240x64xf32, #tpu.memory_space<vmem_shared>>)
        %add3A_279 = arith.constant 4 : i32
        %add3A_280 = arith.addi %sub3A_167, %add3A_279 : i32
        %dma_start3A_281 = arith.constant 3 : i32
        %dma_start3A_282 = arith.constant 0 : i32
        %dma_start3A_283 = arith.constant 0 : i32
        %dma_start3A_284 = tpu.memref_slice %arg9[%dma_start3A_281, %dma_start3A_282, %dma_start3A_283] : memref<4x128x64xf32, #tpu.memory_space<vmem>> -> memref<1x128x64xf32, #tpu.memory_space<vmem>>
        %dma_start3A_285 = tpu.memref_squeeze %dma_start3A_284 : memref<1x128x64xf32, #tpu.memory_space<vmem>> -> memref<128x64xf32, #tpu.memory_space<vmem>>
        %dma_start3A_286 = arith.constant 0 : i32
        %dma_start3A_287 = tpu.memref_slice %arg7[%add3A_280, %dma_start3A_286] : memref<160x128xi32, #tpu.memory_space<vmem>> -> memref<1x128xi32, #tpu.memory_space<vmem>>
        %dma_start3A_288 = tpu.memref_squeeze %dma_start3A_287 : memref<1x128xi32, #tpu.memory_space<vmem>> -> memref<128xi32, #tpu.memory_space<vmem>>
        %dma_start3A_289 = arith.constant 0 : i32
        %dma_start3A_290 = arith.constant 0 : i32
        %dma_start3A_291 = tpu.memref_slice %arg2[%dma_start3A_289, %dma_start3A_290] : memref<20000x64xf32, #tpu.memory_space<hbm>> -> memref<20000x64xf32, #tpu.memory_space<hbm>>
        tpu.enqueue_indirect_dma source(%dma_start3A_291 : memref<20000x64xf32, #tpu.memory_space<hbm>>) target(%dma_start3A_285 : memref<128x64xf32, #tpu.memory_space<vmem>>) offsets(%dma_start3A_288 : memref<128xi32, #tpu.memory_space<vmem>>) semaphore(%arg11 : memref<!tpu.dma_semaphore, #tpu.memory_space<semaphore_mem>>)
      } else {
      }
      %mul3A_170 = arith.constant 4 : i32
      %mul3A_171 = arith.muli %scan3A_141, %mul3A_170 : i32
      %add3A_172 = arith.constant 1 : i32
      %add3A_173 = arith.addi %mul3A_171, %add3A_172 : i32
      %dma_wait3A_174 = arith.constant 1 : i32
      %dma_wait3A_175 = arith.constant 0 : i32
      %dma_wait3A_176 = arith.constant 0 : i32
      %dma_wait3A_177 = tpu.memref_slice %arg9[%dma_wait3A_174, %dma_wait3A_175, %dma_wait3A_176] : memref<4x128x64xf32, #tpu.memory_space<vmem>> -> memref<1x128x64xf32, #tpu.memory_space<vmem>>
      %dma_wait3A_178 = tpu.memref_squeeze %dma_wait3A_177 : memref<1x128x64xf32, #tpu.memory_space<vmem>> -> memref<128x64xf32, #tpu.memory_space<vmem>>
      %dma_wait3A_179 = arith.constant 0 : i32
      %dma_wait3A_180 = tpu.memref_slice %arg7[%add3A_173, %dma_wait3A_179] : memref<160x128xi32, #tpu.memory_space<vmem>> -> memref<1x128xi32, #tpu.memory_space<vmem>>
      %dma_wait3A_181 = tpu.memref_squeeze %dma_wait3A_180 : memref<1x128xi32, #tpu.memory_space<vmem>> -> memref<128xi32, #tpu.memory_space<vmem>>
      %dma_wait3A_182 = arith.constant 0 : i32
      %dma_wait3A_183 = arith.constant 0 : i32
      %dma_wait3A_184 = tpu.memref_slice %arg2[%dma_wait3A_182, %dma_wait3A_183] : memref<20000x64xf32, #tpu.memory_space<hbm>> -> memref<20000x64xf32, #tpu.memory_space<hbm>>
      tpu.wait_indirect_dma semaphore(%arg11 : memref<!tpu.dma_semaphore, #tpu.memory_space<semaphore_mem>>) src(%dma_wait3A_184 : memref<20000x64xf32, #tpu.memory_space<hbm>>) dst(%dma_wait3A_178 : memref<128x64xf32, #tpu.memory_space<vmem>>)
      %dma_start3A_185 = arith.constant 1 : i32
      %dma_start3A_186 = arith.constant 0 : i32
      %dma_start3A_187 = arith.constant 0 : i32
      %dma_start3A_188 = tpu.memref_slice %arg9[%dma_start3A_185, %dma_start3A_186, %dma_start3A_187] : memref<4x128x64xf32, #tpu.memory_space<vmem>> -> memref<1x128x64xf32, #tpu.memory_space<vmem>>
      %dma_start3A_189 = tpu.memref_squeeze %dma_start3A_188 : memref<1x128x64xf32, #tpu.memory_space<vmem>> -> memref<128x64xf32, #tpu.memory_space<vmem>>
      %dma_start3A_190 = arith.constant 0 : i32
      %dma_start3A_191 = tpu.memref_slice %arg8[%add3A_173, %dma_start3A_190] : memref<160x128xi32, #tpu.memory_space<vmem>> -> memref<1x128xi32, #tpu.memory_space<vmem>>
      %dma_start3A_192 = tpu.memref_squeeze %dma_start3A_191 : memref<1x128xi32, #tpu.memory_space<vmem>> -> memref<128xi32, #tpu.memory_space<vmem>>
      %dma_start3A_193 = arith.constant 0 : i32
      %dma_start3A_194 = arith.constant 0 : i32
      %dma_start3A_195 = tpu.memref_slice %arg10[%dma_start3A_193, %dma_start3A_194] : memref<10240x64xf32, #tpu.memory_space<vmem_shared>> -> memref<10240x64xf32, #tpu.memory_space<vmem_shared>>
      tpu.enqueue_indirect_dma source(%dma_start3A_189 : memref<128x64xf32, #tpu.memory_space<vmem>>) target(%dma_start3A_195 : memref<10240x64xf32, #tpu.memory_space<vmem_shared>>) offsets(%dma_start3A_192 : memref<128xi32, #tpu.memory_space<vmem>>) semaphore(%arg13 : memref<!tpu.dma_semaphore, #tpu.memory_space<semaphore_mem>>) {add = true}
      %sub3A_196 = arith.constant 1 : i32
      %sub3A_197 = arith.subi %add3A_173, %sub3A_196 : i32
      %le3A = arith.constant 38 : i32
      %le3A_198 = arith.cmpi sle, %scan3A_141, %le3A : i32
      %convert_element_type3A_199 = arith.extui %le3A_198 : i1 to i32
      %cond3A_200 = arith.constant 0 : i32
      %cond3A_201 = arith.cmpi ne, %convert_element_type3A_199, %cond3A_200 : i32
      scf.if %cond3A_201 {
        %dma_wait3A_268 = arith.constant 0 : i32
        %dma_wait3A_269 = arith.constant 0 : i32
        %dma_wait3A_270 = arith.constant 0 : i32
        %dma_wait3A_271 = tpu.memref_slice %arg9[%dma_wait3A_268, %dma_wait3A_269, %dma_wait3A_270] : memref<4x128x64xf32, #tpu.memory_space<vmem>> -> memref<1x128x64xf32, #tpu.memory_space<vmem>>
        %dma_wait3A_272 = tpu.memref_squeeze %dma_wait3A_271 : memref<1x128x64xf32, #tpu.memory_space<vmem>> -> memref<128x64xf32, #tpu.memory_space<vmem>>
        %dma_wait3A_273 = arith.constant 0 : i32
        %dma_wait3A_274 = tpu.memref_slice %arg8[%sub3A_197, %dma_wait3A_273] : memref<160x128xi32, #tpu.memory_space<vmem>> -> memref<1x128xi32, #tpu.memory_space<vmem>>
        %dma_wait3A_275 = tpu.memref_squeeze %dma_wait3A_274 : memref<1x128xi32, #tpu.memory_space<vmem>> -> memref<128xi32, #tpu.memory_space<vmem>>
        %dma_wait3A_276 = arith.constant 0 : i32
        %dma_wait3A_277 = arith.constant 0 : i32
        %dma_wait3A_278 = tpu.memref_slice %arg10[%dma_wait3A_276, %dma_wait3A_277] : memref<10240x64xf32, #tpu.memory_space<vmem_shared>> -> memref<10240x64xf32, #tpu.memory_space<vmem_shared>>
        tpu.wait_indirect_dma semaphore(%arg12 : memref<!tpu.dma_semaphore, #tpu.memory_space<semaphore_mem>>) src(%dma_wait3A_272 : memref<128x64xf32, #tpu.memory_space<vmem>>) dst(%dma_wait3A_278 : memref<10240x64xf32, #tpu.memory_space<vmem_shared>>)
        %add3A_279 = arith.constant 4 : i32
        %add3A_280 = arith.addi %sub3A_197, %add3A_279 : i32
        %dma_start3A_281 = arith.constant 0 : i32
        %dma_start3A_282 = arith.constant 0 : i32
        %dma_start3A_283 = arith.constant 0 : i32
        %dma_start3A_284 = tpu.memref_slice %arg9[%dma_start3A_281, %dma_start3A_282, %dma_start3A_283] : memref<4x128x64xf32, #tpu.memory_space<vmem>> -> memref<1x128x64xf32, #tpu.memory_space<vmem>>
        %dma_start3A_285 = tpu.memref_squeeze %dma_start3A_284 : memref<1x128x64xf32, #tpu.memory_space<vmem>> -> memref<128x64xf32, #tpu.memory_space<vmem>>
        %dma_start3A_286 = arith.constant 0 : i32
        %dma_start3A_287 = tpu.memref_slice %arg7[%add3A_280, %dma_start3A_286] : memref<160x128xi32, #tpu.memory_space<vmem>> -> memref<1x128xi32, #tpu.memory_space<vmem>>
        %dma_start3A_288 = tpu.memref_squeeze %dma_start3A_287 : memref<1x128xi32, #tpu.memory_space<vmem>> -> memref<128xi32, #tpu.memory_space<vmem>>
        %dma_start3A_289 = arith.constant 0 : i32
        %dma_start3A_290 = arith.constant 0 : i32
        %dma_start3A_291 = tpu.memref_slice %arg2[%dma_start3A_289, %dma_start3A_290] : memref<20000x64xf32, #tpu.memory_space<hbm>> -> memref<20000x64xf32, #tpu.memory_space<hbm>>
        tpu.enqueue_indirect_dma source(%dma_start3A_291 : memref<20000x64xf32, #tpu.memory_space<hbm>>) target(%dma_start3A_285 : memref<128x64xf32, #tpu.memory_space<vmem>>) offsets(%dma_start3A_288 : memref<128xi32, #tpu.memory_space<vmem>>) semaphore(%arg11 : memref<!tpu.dma_semaphore, #tpu.memory_space<semaphore_mem>>)
      } else {
      }
      %mul3A_202 = arith.constant 4 : i32
      %mul3A_203 = arith.muli %scan3A_141, %mul3A_202 : i32
      %add3A_204 = arith.constant 2 : i32
      %add3A_205 = arith.addi %mul3A_203, %add3A_204 : i32
      %dma_wait3A_206 = arith.constant 2 : i32
      %dma_wait3A_207 = arith.constant 0 : i32
      %dma_wait3A_208 = arith.constant 0 : i32
      %dma_wait3A_209 = tpu.memref_slice %arg9[%dma_wait3A_206, %dma_wait3A_207, %dma_wait3A_208] : memref<4x128x64xf32, #tpu.memory_space<vmem>> -> memref<1x128x64xf32, #tpu.memory_space<vmem>>
      %dma_wait3A_210 = tpu.memref_squeeze %dma_wait3A_209 : memref<1x128x64xf32, #tpu.memory_space<vmem>> -> memref<128x64xf32, #tpu.memory_space<vmem>>
      %dma_wait3A_211 = arith.constant 0 : i32
      %dma_wait3A_212 = tpu.memref_slice %arg7[%add3A_205, %dma_wait3A_211] : memref<160x128xi32, #tpu.memory_space<vmem>> -> memref<1x128xi32, #tpu.memory_space<vmem>>
      %dma_wait3A_213 = tpu.memref_squeeze %dma_wait3A_212 : memref<1x128xi32, #tpu.memory_space<vmem>> -> memref<128xi32, #tpu.memory_space<vmem>>
      %dma_wait3A_214 = arith.constant 0 : i32
      %dma_wait3A_215 = arith.constant 0 : i32
      %dma_wait3A_216 = tpu.memref_slice %arg2[%dma_wait3A_214, %dma_wait3A_215] : memref<20000x64xf32, #tpu.memory_space<hbm>> -> memref<20000x64xf32, #tpu.memory_space<hbm>>
      tpu.wait_indirect_dma semaphore(%arg11 : memref<!tpu.dma_semaphore, #tpu.memory_space<semaphore_mem>>) src(%dma_wait3A_216 : memref<20000x64xf32, #tpu.memory_space<hbm>>) dst(%dma_wait3A_210 : memref<128x64xf32, #tpu.memory_space<vmem>>)
      %dma_start3A_217 = arith.constant 2 : i32
      %dma_start3A_218 = arith.constant 0 : i32
      %dma_start3A_219 = arith.constant 0 : i32
      %dma_start3A_220 = tpu.memref_slice %arg9[%dma_start3A_217, %dma_start3A_218, %dma_start3A_219] : memref<4x128x64xf32, #tpu.memory_space<vmem>> -> memref<1x128x64xf32, #tpu.memory_space<vmem>>
      %dma_start3A_221 = tpu.memref_squeeze %dma_start3A_220 : memref<1x128x64xf32, #tpu.memory_space<vmem>> -> memref<128x64xf32, #tpu.memory_space<vmem>>
      %dma_start3A_222 = arith.constant 0 : i32
      %dma_start3A_223 = tpu.memref_slice %arg8[%add3A_205, %dma_start3A_222] : memref<160x128xi32, #tpu.memory_space<vmem>> -> memref<1x128xi32, #tpu.memory_space<vmem>>
      %dma_start3A_224 = tpu.memref_squeeze %dma_start3A_223 : memref<1x128xi32, #tpu.memory_space<vmem>> -> memref<128xi32, #tpu.memory_space<vmem>>
      %dma_start3A_225 = arith.constant 0 : i32
      %dma_start3A_226 = arith.constant 0 : i32
      %dma_start3A_227 = tpu.memref_slice %arg10[%dma_start3A_225, %dma_start3A_226] : memref<10240x64xf32, #tpu.memory_space<vmem_shared>> -> memref<10240x64xf32, #tpu.memory_space<vmem_shared>>
      tpu.enqueue_indirect_dma source(%dma_start3A_221 : memref<128x64xf32, #tpu.memory_space<vmem>>) target(%dma_start3A_227 : memref<10240x64xf32, #tpu.memory_space<vmem_shared>>) offsets(%dma_start3A_224 : memref<128xi32, #tpu.memory_space<vmem>>) semaphore(%arg14 : memref<!tpu.dma_semaphore, #tpu.memory_space<semaphore_mem>>) {add = true}
      %sub3A_228 = arith.constant 1 : i32
      %sub3A_229 = arith.subi %add3A_205, %sub3A_228 : i32
      %le3A_230 = arith.constant 38 : i32
      %le3A_231 = arith.cmpi sle, %scan3A_141, %le3A_230 : i32
      %convert_element_type3A_232 = arith.extui %le3A_231 : i1 to i32
      %cond3A_233 = arith.constant 0 : i32
      %cond3A_234 = arith.cmpi ne, %convert_element_type3A_232, %cond3A_233 : i32
      scf.if %cond3A_234 {
        %dma_wait3A_268 = arith.constant 1 : i32
        %dma_wait3A_269 = arith.constant 0 : i32
        %dma_wait3A_270 = arith.constant 0 : i32
        %dma_wait3A_271 = tpu.memref_slice %arg9[%dma_wait3A_268, %dma_wait3A_269, %dma_wait3A_270] : memref<4x128x64xf32, #tpu.memory_space<vmem>> -> memref<1x128x64xf32, #tpu.memory_space<vmem>>
        %dma_wait3A_272 = tpu.memref_squeeze %dma_wait3A_271 : memref<1x128x64xf32, #tpu.memory_space<vmem>> -> memref<128x64xf32, #tpu.memory_space<vmem>>
        %dma_wait3A_273 = arith.constant 0 : i32
        %dma_wait3A_274 = tpu.memref_slice %arg8[%sub3A_229, %dma_wait3A_273] : memref<160x128xi32, #tpu.memory_space<vmem>> -> memref<1x128xi32, #tpu.memory_space<vmem>>
        %dma_wait3A_275 = tpu.memref_squeeze %dma_wait3A_274 : memref<1x128xi32, #tpu.memory_space<vmem>> -> memref<128xi32, #tpu.memory_space<vmem>>
        %dma_wait3A_276 = arith.constant 0 : i32
        %dma_wait3A_277 = arith.constant 0 : i32
        %dma_wait3A_278 = tpu.memref_slice %arg10[%dma_wait3A_276, %dma_wait3A_277] : memref<10240x64xf32, #tpu.memory_space<vmem_shared>> -> memref<10240x64xf32, #tpu.memory_space<vmem_shared>>
        tpu.wait_indirect_dma semaphore(%arg13 : memref<!tpu.dma_semaphore, #tpu.memory_space<semaphore_mem>>) src(%dma_wait3A_272 : memref<128x64xf32, #tpu.memory_space<vmem>>) dst(%dma_wait3A_278 : memref<10240x64xf32, #tpu.memory_space<vmem_shared>>)
        %add3A_279 = arith.constant 4 : i32
        %add3A_280 = arith.addi %sub3A_229, %add3A_279 : i32
        %dma_start3A_281 = arith.constant 1 : i32
        %dma_start3A_282 = arith.constant 0 : i32
        %dma_start3A_283 = arith.constant 0 : i32
        %dma_start3A_284 = tpu.memref_slice %arg9[%dma_start3A_281, %dma_start3A_282, %dma_start3A_283] : memref<4x128x64xf32, #tpu.memory_space<vmem>> -> memref<1x128x64xf32, #tpu.memory_space<vmem>>
        %dma_start3A_285 = tpu.memref_squeeze %dma_start3A_284 : memref<1x128x64xf32, #tpu.memory_space<vmem>> -> memref<128x64xf32, #tpu.memory_space<vmem>>
        %dma_start3A_286 = arith.constant 0 : i32
        %dma_start3A_287 = tpu.memref_slice %arg7[%add3A_280, %dma_start3A_286] : memref<160x128xi32, #tpu.memory_space<vmem>> -> memref<1x128xi32, #tpu.memory_space<vmem>>
        %dma_start3A_288 = tpu.memref_squeeze %dma_start3A_287 : memref<1x128xi32, #tpu.memory_space<vmem>> -> memref<128xi32, #tpu.memory_space<vmem>>
        %dma_start3A_289 = arith.constant 0 : i32
        %dma_start3A_290 = arith.constant 0 : i32
        %dma_start3A_291 = tpu.memref_slice %arg2[%dma_start3A_289, %dma_start3A_290] : memref<20000x64xf32, #tpu.memory_space<hbm>> -> memref<20000x64xf32, #tpu.memory_space<hbm>>
        tpu.enqueue_indirect_dma source(%dma_start3A_291 : memref<20000x64xf32, #tpu.memory_space<hbm>>) target(%dma_start3A_285 : memref<128x64xf32, #tpu.memory_space<vmem>>) offsets(%dma_start3A_288 : memref<128xi32, #tpu.memory_space<vmem>>) semaphore(%arg11 : memref<!tpu.dma_semaphore, #tpu.memory_space<semaphore_mem>>)
      } else {
      }
      %mul3A_235 = arith.constant 4 : i32
      %mul3A_236 = arith.muli %scan3A_141, %mul3A_235 : i32
      %add3A_237 = arith.constant 3 : i32
      %add3A_238 = arith.addi %mul3A_236, %add3A_237 : i32
      %dma_wait3A_239 = arith.constant 3 : i32
      %dma_wait3A_240 = arith.constant 0 : i32
      %dma_wait3A_241 = arith.constant 0 : i32
      %dma_wait3A_242 = tpu.memref_slice %arg9[%dma_wait3A_239, %dma_wait3A_240, %dma_wait3A_241] : memref<4x128x64xf32, #tpu.memory_space<vmem>> -> memref<1x128x64xf32, #tpu.memory_space<vmem>>
      %dma_wait3A_243 = tpu.memref_squeeze %dma_wait3A_242 : memref<1x128x64xf32, #tpu.memory_space<vmem>> -> memref<128x64xf32, #tpu.memory_space<vmem>>
      %dma_wait3A_244 = arith.constant 0 : i32
      %dma_wait3A_245 = tpu.memref_slice %arg7[%add3A_238, %dma_wait3A_244] : memref<160x128xi32, #tpu.memory_space<vmem>> -> memref<1x128xi32, #tpu.memory_space<vmem>>
      %dma_wait3A_246 = tpu.memref_squeeze %dma_wait3A_245 : memref<1x128xi32, #tpu.memory_space<vmem>> -> memref<128xi32, #tpu.memory_space<vmem>>
      %dma_wait3A_247 = arith.constant 0 : i32
      %dma_wait3A_248 = arith.constant 0 : i32
      %dma_wait3A_249 = tpu.memref_slice %arg2[%dma_wait3A_247, %dma_wait3A_248] : memref<20000x64xf32, #tpu.memory_space<hbm>> -> memref<20000x64xf32, #tpu.memory_space<hbm>>
      tpu.wait_indirect_dma semaphore(%arg11 : memref<!tpu.dma_semaphore, #tpu.memory_space<semaphore_mem>>) src(%dma_wait3A_249 : memref<20000x64xf32, #tpu.memory_space<hbm>>) dst(%dma_wait3A_243 : memref<128x64xf32, #tpu.memory_space<vmem>>)
      %dma_start3A_250 = arith.constant 3 : i32
      %dma_start3A_251 = arith.constant 0 : i32
      %dma_start3A_252 = arith.constant 0 : i32
      %dma_start3A_253 = tpu.memref_slice %arg9[%dma_start3A_250, %dma_start3A_251, %dma_start3A_252] : memref<4x128x64xf32, #tpu.memory_space<vmem>> -> memref<1x128x64xf32, #tpu.memory_space<vmem>>
      %dma_start3A_254 = tpu.memref_squeeze %dma_start3A_253 : memref<1x128x64xf32, #tpu.memory_space<vmem>> -> memref<128x64xf32, #tpu.memory_space<vmem>>
      %dma_start3A_255 = arith.constant 0 : i32
      %dma_start3A_256 = tpu.memref_slice %arg8[%add3A_238, %dma_start3A_255] : memref<160x128xi32, #tpu.memory_space<vmem>> -> memref<1x128xi32, #tpu.memory_space<vmem>>
      %dma_start3A_257 = tpu.memref_squeeze %dma_start3A_256 : memref<1x128xi32, #tpu.memory_space<vmem>> -> memref<128xi32, #tpu.memory_space<vmem>>
      %dma_start3A_258 = arith.constant 0 : i32
      %dma_start3A_259 = arith.constant 0 : i32
      %dma_start3A_260 = tpu.memref_slice %arg10[%dma_start3A_258, %dma_start3A_259] : memref<10240x64xf32, #tpu.memory_space<vmem_shared>> -> memref<10240x64xf32, #tpu.memory_space<vmem_shared>>
      tpu.enqueue_indirect_dma source(%dma_start3A_254 : memref<128x64xf32, #tpu.memory_space<vmem>>) target(%dma_start3A_260 : memref<10240x64xf32, #tpu.memory_space<vmem_shared>>) offsets(%dma_start3A_257 : memref<128xi32, #tpu.memory_space<vmem>>) semaphore(%arg15 : memref<!tpu.dma_semaphore, #tpu.memory_space<semaphore_mem>>) {add = true}
      %sub3A_261 = arith.constant 1 : i32
      %sub3A_262 = arith.subi %add3A_238, %sub3A_261 : i32
      %le3A_263 = arith.constant 38 : i32
      %le3A_264 = arith.cmpi sle, %scan3A_141, %le3A_263 : i32
      %convert_element_type3A_265 = arith.extui %le3A_264 : i1 to i32
      %cond3A_266 = arith.constant 0 : i32
      %cond3A_267 = arith.cmpi ne, %convert_element_type3A_265, %cond3A_266 : i32
      scf.if %cond3A_267 {
        %dma_wait3A_268 = arith.constant 2 : i32
        %dma_wait3A_269 = arith.constant 0 : i32
        %dma_wait3A_270 = arith.constant 0 : i32
        %dma_wait3A_271 = tpu.memref_slice %arg9[%dma_wait3A_268, %dma_wait3A_269, %dma_wait3A_270] : memref<4x128x64xf32, #tpu.memory_space<vmem>> -> memref<1x128x64xf32, #tpu.memory_space<vmem>>
        %dma_wait3A_272 = tpu.memref_squeeze %dma_wait3A_271 : memref<1x128x64xf32, #tpu.memory_space<vmem>> -> memref<128x64xf32, #tpu.memory_space<vmem>>
        %dma_wait3A_273 = arith.constant 0 : i32
        %dma_wait3A_274 = tpu.memref_slice %arg8[%sub3A_262, %dma_wait3A_273] : memref<160x128xi32, #tpu.memory_space<vmem>> -> memref<1x128xi32, #tpu.memory_space<vmem>>
        %dma_wait3A_275 = tpu.memref_squeeze %dma_wait3A_274 : memref<1x128xi32, #tpu.memory_space<vmem>> -> memref<128xi32, #tpu.memory_space<vmem>>
        %dma_wait3A_276 = arith.constant 0 : i32
        %dma_wait3A_277 = arith.constant 0 : i32
        %dma_wait3A_278 = tpu.memref_slice %arg10[%dma_wait3A_276, %dma_wait3A_277] : memref<10240x64xf32, #tpu.memory_space<vmem_shared>> -> memref<10240x64xf32, #tpu.memory_space<vmem_shared>>
        tpu.wait_indirect_dma semaphore(%arg14 : memref<!tpu.dma_semaphore, #tpu.memory_space<semaphore_mem>>) src(%dma_wait3A_272 : memref<128x64xf32, #tpu.memory_space<vmem>>) dst(%dma_wait3A_278 : memref<10240x64xf32, #tpu.memory_space<vmem_shared>>)
        %add3A_279 = arith.constant 4 : i32
        %add3A_280 = arith.addi %sub3A_262, %add3A_279 : i32
        %dma_start3A_281 = arith.constant 2 : i32
        %dma_start3A_282 = arith.constant 0 : i32
        %dma_start3A_283 = arith.constant 0 : i32
        %dma_start3A_284 = tpu.memref_slice %arg9[%dma_start3A_281, %dma_start3A_282, %dma_start3A_283] : memref<4x128x64xf32, #tpu.memory_space<vmem>> -> memref<1x128x64xf32, #tpu.memory_space<vmem>>
        %dma_start3A_285 = tpu.memref_squeeze %dma_start3A_284 : memref<1x128x64xf32, #tpu.memory_space<vmem>> -> memref<128x64xf32, #tpu.memory_space<vmem>>
        %dma_start3A_286 = arith.constant 0 : i32
        %dma_start3A_287 = tpu.memref_slice %arg7[%add3A_280, %dma_start3A_286] : memref<160x128xi32, #tpu.memory_space<vmem>> -> memref<1x128xi32, #tpu.memory_space<vmem>>
        %dma_start3A_288 = tpu.memref_squeeze %dma_start3A_287 : memref<1x128xi32, #tpu.memory_space<vmem>> -> memref<128xi32, #tpu.memory_space<vmem>>
        %dma_start3A_289 = arith.constant 0 : i32
        %dma_start3A_290 = arith.constant 0 : i32
        %dma_start3A_291 = tpu.memref_slice %arg2[%dma_start3A_289, %dma_start3A_290] : memref<20000x64xf32, #tpu.memory_space<hbm>> -> memref<20000x64xf32, #tpu.memory_space<hbm>>
        tpu.enqueue_indirect_dma source(%dma_start3A_291 : memref<20000x64xf32, #tpu.memory_space<hbm>>) target(%dma_start3A_285 : memref<128x64xf32, #tpu.memory_space<vmem>>) offsets(%dma_start3A_288 : memref<128xi32, #tpu.memory_space<vmem>>) semaphore(%arg11 : memref<!tpu.dma_semaphore, #tpu.memory_space<semaphore_mem>>)
      } else {
      }
    }
    %scan3A_87 = arith.constant 40 : i32
    %dma_wait3A_88 = arith.constant 0 : i32
    %dma_wait3A_89 = arith.constant 159 : i32
    %dma_wait3A_90 = arith.constant 0 : i32
    %dma_wait3A_91 = arith.constant 0 : i32
    %dma_wait3A_92 = tpu.memref_slice %arg9[%dma_wait3A_88, %dma_wait3A_90, %dma_wait3A_91] : memref<4x128x64xf32, #tpu.memory_space<vmem>> -> memref<1x128x64xf32, #tpu.memory_space<vmem>>
    %dma_wait3A_93 = tpu.memref_squeeze %dma_wait3A_92 : memref<1x128x64xf32, #tpu.memory_space<vmem>> -> memref<128x64xf32, #tpu.memory_space<vmem>>
    %dma_wait3A_94 = arith.constant 0 : i32
    %dma_wait3A_95 = tpu.memref_slice %arg8[%dma_wait3A_89, %dma_wait3A_94] : memref<160x128xi32, #tpu.memory_space<vmem>> -> memref<1x128xi32, #tpu.memory_space<vmem>>
    %dma_wait3A_96 = tpu.memref_squeeze %dma_wait3A_95 : memref<1x128xi32, #tpu.memory_space<vmem>> -> memref<128xi32, #tpu.memory_space<vmem>>
    %dma_wait3A_97 = arith.constant 0 : i32
    %dma_wait3A_98 = arith.constant 0 : i32
    %dma_wait3A_99 = tpu.memref_slice %arg10[%dma_wait3A_97, %dma_wait3A_98] : memref<10240x64xf32, #tpu.memory_space<vmem_shared>> -> memref<10240x64xf32, #tpu.memory_space<vmem_shared>>
    tpu.wait_indirect_dma semaphore(%arg12 : memref<!tpu.dma_semaphore, #tpu.memory_space<semaphore_mem>>) src(%dma_wait3A_93 : memref<128x64xf32, #tpu.memory_space<vmem>>) dst(%dma_wait3A_99 : memref<10240x64xf32, #tpu.memory_space<vmem_shared>>)
    %dma_wait3A_100 = arith.constant 1 : i32
    %dma_wait3A_101 = arith.constant 159 : i32
    %dma_wait3A_102 = arith.constant 0 : i32
    %dma_wait3A_103 = arith.constant 0 : i32
    %dma_wait3A_104 = tpu.memref_slice %arg9[%dma_wait3A_100, %dma_wait3A_102, %dma_wait3A_103] : memref<4x128x64xf32, #tpu.memory_space<vmem>> -> memref<1x128x64xf32, #tpu.memory_space<vmem>>
    %dma_wait3A_105 = tpu.memref_squeeze %dma_wait3A_104 : memref<1x128x64xf32, #tpu.memory_space<vmem>> -> memref<128x64xf32, #tpu.memory_space<vmem>>
    %dma_wait3A_106 = arith.constant 0 : i32
    %dma_wait3A_107 = tpu.memref_slice %arg8[%dma_wait3A_101, %dma_wait3A_106] : memref<160x128xi32, #tpu.memory_space<vmem>> -> memref<1x128xi32, #tpu.memory_space<vmem>>
    %dma_wait3A_108 = tpu.memref_squeeze %dma_wait3A_107 : memref<1x128xi32, #tpu.memory_space<vmem>> -> memref<128xi32, #tpu.memory_space<vmem>>
    %dma_wait3A_109 = arith.constant 0 : i32
    %dma_wait3A_110 = arith.constant 0 : i32
    %dma_wait3A_111 = tpu.memref_slice %arg10[%dma_wait3A_109, %dma_wait3A_110] : memref<10240x64xf32, #tpu.memory_space<vmem_shared>> -> memref<10240x64xf32, #tpu.memory_space<vmem_shared>>
    tpu.wait_indirect_dma semaphore(%arg13 : memref<!tpu.dma_semaphore, #tpu.memory_space<semaphore_mem>>) src(%dma_wait3A_105 : memref<128x64xf32, #tpu.memory_space<vmem>>) dst(%dma_wait3A_111 : memref<10240x64xf32, #tpu.memory_space<vmem_shared>>)
    %dma_wait3A_112 = arith.constant 2 : i32
    %dma_wait3A_113 = arith.constant 159 : i32
    %dma_wait3A_114 = arith.constant 0 : i32
    %dma_wait3A_115 = arith.constant 0 : i32
    %dma_wait3A_116 = tpu.memref_slice %arg9[%dma_wait3A_112, %dma_wait3A_114, %dma_wait3A_115] : memref<4x128x64xf32, #tpu.memory_space<vmem>> -> memref<1x128x64xf32, #tpu.memory_space<vmem>>
    %dma_wait3A_117 = tpu.memref_squeeze %dma_wait3A_116 : memref<1x128x64xf32, #tpu.memory_space<vmem>> -> memref<128x64xf32, #tpu.memory_space<vmem>>
    %dma_wait3A_118 = arith.constant 0 : i32
    %dma_wait3A_119 = tpu.memref_slice %arg8[%dma_wait3A_113, %dma_wait3A_118] : memref<160x128xi32, #tpu.memory_space<vmem>> -> memref<1x128xi32, #tpu.memory_space<vmem>>
    %dma_wait3A_120 = tpu.memref_squeeze %dma_wait3A_119 : memref<1x128xi32, #tpu.memory_space<vmem>> -> memref<128xi32, #tpu.memory_space<vmem>>
    %dma_wait3A_121 = arith.constant 0 : i32
    %dma_wait3A_122 = arith.constant 0 : i32
    %dma_wait3A_123 = tpu.memref_slice %arg10[%dma_wait3A_121, %dma_wait3A_122] : memref<10240x64xf32, #tpu.memory_space<vmem_shared>> -> memref<10240x64xf32, #tpu.memory_space<vmem_shared>>
    tpu.wait_indirect_dma semaphore(%arg14 : memref<!tpu.dma_semaphore, #tpu.memory_space<semaphore_mem>>) src(%dma_wait3A_117 : memref<128x64xf32, #tpu.memory_space<vmem>>) dst(%dma_wait3A_123 : memref<10240x64xf32, #tpu.memory_space<vmem_shared>>)
    %dma_wait3A_124 = arith.constant 3 : i32
    %dma_wait3A_125 = arith.constant 159 : i32
    %dma_wait3A_126 = arith.constant 0 : i32
    %dma_wait3A_127 = arith.constant 0 : i32
    %dma_wait3A_128 = tpu.memref_slice %arg9[%dma_wait3A_124, %dma_wait3A_126, %dma_wait3A_127] : memref<4x128x64xf32, #tpu.memory_space<vmem>> -> memref<1x128x64xf32, #tpu.memory_space<vmem>>
    %dma_wait3A_129 = tpu.memref_squeeze %dma_wait3A_128 : memref<1x128x64xf32, #tpu.memory_space<vmem>> -> memref<128x64xf32, #tpu.memory_space<vmem>>
    %dma_wait3A_130 = arith.constant 0 : i32
    %dma_wait3A_131 = tpu.memref_slice %arg8[%dma_wait3A_125, %dma_wait3A_130] : memref<160x128xi32, #tpu.memory_space<vmem>> -> memref<1x128xi32, #tpu.memory_space<vmem>>
    %dma_wait3A_132 = tpu.memref_squeeze %dma_wait3A_131 : memref<1x128xi32, #tpu.memory_space<vmem>> -> memref<128xi32, #tpu.memory_space<vmem>>
    %dma_wait3A_133 = arith.constant 0 : i32
    %dma_wait3A_134 = arith.constant 0 : i32
    %dma_wait3A_135 = tpu.memref_slice %arg10[%dma_wait3A_133, %dma_wait3A_134] : memref<10240x64xf32, #tpu.memory_space<vmem_shared>> -> memref<10240x64xf32, #tpu.memory_space<vmem_shared>>
    tpu.wait_indirect_dma semaphore(%arg15 : memref<!tpu.dma_semaphore, #tpu.memory_space<semaphore_mem>>) src(%dma_wait3A_129 : memref<128x64xf32, #tpu.memory_space<vmem>>) dst(%dma_wait3A_135 : memref<10240x64xf32, #tpu.memory_space<vmem_shared>>)
    %barrier3A_136 = arith.constant 0 : index
    tpu.barrier barrier_id(%barrier3A_136)
    %mul3A_137 = arith.constant 640 : i32
    %mul3A_138 = arith.muli %arg1, %mul3A_137 : i32
    %mul3A_139 = arith.constant 640 : i32
    %mul3A_140 = arith.muli %arg1, %mul3A_139 : i32
    "tpu.region"() ({
      %run_scoped3A = tpu.sem_alloc : memref<!tpu.dma_semaphore, #tpu.memory_space<semaphore_mem>>
      %dma_start3A_141 = arith.constant 0 : i32
      %dma_start3A_142 = tpu.memref_slice %arg6[%arg0, %mul3A_140, %dma_start3A_141] : memref<2x10240x64xf32, #tpu.memory_space<hbm>> -> memref<1x640x64xf32, #tpu.memory_space<hbm>>
      %dma_start3A_143 = tpu.memref_squeeze %dma_start3A_142 : memref<1x640x64xf32, #tpu.memory_space<hbm>> -> memref<640x64xf32, #tpu.memory_space<hbm>>
      %dma_start3A_144 = arith.constant 0 : i32
      %dma_start3A_145 = tpu.memref_slice %arg10[%mul3A_138, %dma_start3A_144] : memref<10240x64xf32, #tpu.memory_space<vmem_shared>> -> memref<640x64xf32, #tpu.memory_space<vmem_shared>>
      tpu.enqueue_dma source(%dma_start3A_145 : memref<640x64xf32, #tpu.memory_space<vmem_shared>>) target(%dma_start3A_143 : memref<640x64xf32, #tpu.memory_space<hbm>>) target_semaphore(%run_scoped3A : memref<!tpu.dma_semaphore, #tpu.memory_space<semaphore_mem>>)
      %dma_wait3A_146 = arith.constant 0 : i32
      %dma_wait3A_147 = tpu.memref_slice %arg6[%arg0, %mul3A_140, %dma_wait3A_146] : memref<2x10240x64xf32, #tpu.memory_space<hbm>> -> memref<1x640x64xf32, #tpu.memory_space<hbm>>
      %dma_wait3A_148 = tpu.memref_squeeze %dma_wait3A_147 : memref<1x640x64xf32, #tpu.memory_space<hbm>> -> memref<640x64xf32, #tpu.memory_space<hbm>>
      %dma_wait3A_149 = arith.constant 0 : i32
      %dma_wait3A_150 = tpu.memref_slice %arg10[%mul3A_138, %dma_wait3A_149] : memref<10240x64xf32, #tpu.memory_space<vmem_shared>> -> memref<640x64xf32, #tpu.memory_space<vmem_shared>>
      tpu.wait_dma2 semaphore(%run_scoped3A : memref<!tpu.dma_semaphore, #tpu.memory_space<semaphore_mem>>) src(%dma_wait3A_150 : memref<640x64xf32, #tpu.memory_space<vmem_shared>>) dst(%dma_wait3A_148 : memref<640x64xf32, #tpu.memory_space<hbm>>)
      tpu.yield
    }) : () -> ()
    return
  }
}

#map = affine_map<(d0, d1) -> (0, 0)>
#map1 = affine_map<(d0, d1) -> (0, 0, 0, 0)>
#map2 = affine_map<(d0, d1) -> (0, 0, 0)>
module attributes {stable_mosaic.version = 14 : i64} {
  func.func @_edge_body(%arg0: i32, %arg1: i32, %arg2: memref<20000x64xf32, #tpu.memory_space<hbm>>, %arg3: memref<2x16x160x128xi32, #tpu.memory_space<hbm>>, %arg4: memref<2x16x160x128xi32, #tpu.memory_space<hbm>>, %arg5: memref<640x64xf32, #tpu.memory_space<hbm>>, %arg6: memref<2x10240x64xf32, #tpu.memory_space<hbm>>, %arg7: memref<160x128xi32, #tpu.memory_space<vmem>>, %arg8: memref<160x128xi32, #tpu.memory_space<vmem>>, %arg9: memref<4x128x64xf32, #tpu.memory_space<vmem>>, %arg10: memref<10240x64xf32, #tpu.memory_space<vmem_shared>>, %arg11: memref<!tpu.dma_semaphore, #tpu.memory_space<semaphore_mem>>, %arg12: memref<!tpu.dma_semaphore, #tpu.memory_space<semaphore_mem>>, %arg13: memref<!tpu.dma_semaphore, #tpu.memory_space<semaphore_mem>>, %arg14: memref<!tpu.dma_semaphore, #tpu.memory_space<semaphore_mem>>, %arg15: memref<!tpu.dma_semaphore, #tpu.memory_space<semaphore_mem>>) attributes {dimension_semantics = [#tpu.dimension_semantics<core_parallel>, #tpu.dimension_semantics<subcore_parallel>], iteration_bounds = array<i64: 2, 16>, scalar_prefetch = 0 : i64, scratch_operands = 9 : i64, tpu.core_type = #tpu.core_type<sc_vector_subcore>, window_params = [{transform_indices = #map}, {transform_indices = #map1}, {transform_indices = #map1}, {transform_indices = #map}, {transform_indices = #map2}]} {
    %dma_start3A = arith.constant 0 : i32
    %dma_start3A_0 = arith.constant 0 : i32
    %dma_start3A_1 = tpu.memref_slice %arg3[%arg0, %arg1, %dma_start3A, %dma_start3A_0] : memref<2x16x160x128xi32, #tpu.memory_space<hbm>> -> memref<1x1x160x128xi32, #tpu.memory_space<hbm>>
    %dma_start3A_2 = tpu.memref_squeeze %dma_start3A_1 : memref<1x1x160x128xi32, #tpu.memory_space<hbm>> -> memref<160x128xi32, #tpu.memory_space<hbm>>
    %dma_start3A_3 = arith.constant 0 : i32
    %dma_start3A_4 = arith.constant 0 : i32
    %dma_start3A_5 = tpu.memref_slice %arg3[%arg0, %arg1, %dma_start3A_3, %dma_start3A_4] : memref<2x16x160x128xi32, #tpu.memory_space<hbm>> -> memref<1x1x160x128xi32, #tpu.memory_space<hbm>>
    %dma_start3A_6 = tpu.memref_squeeze %dma_start3A_5 : memref<1x1x160x128xi32, #tpu.memory_space<hbm>> -> memref<160x128xi32, #tpu.memory_space<hbm>>
    tpu.enqueue_dma source(%dma_start3A_6 : memref<160x128xi32, #tpu.memory_space<hbm>>) target(%arg7 : memref<160x128xi32, #tpu.memory_space<vmem>>) target_semaphore(%arg11 : memref<!tpu.dma_semaphore, #tpu.memory_space<semaphore_mem>>)
    %dma_start3A_7 = arith.constant 0 : i32
    %dma_start3A_8 = arith.constant 0 : i32
    %dma_start3A_9 = tpu.memref_slice %arg4[%arg0, %arg1, %dma_start3A_7, %dma_start3A_8] : memref<2x16x160x128xi32, #tpu.memory_space<hbm>> -> memref<1x1x160x128xi32, #tpu.memory_space<hbm>>
    %dma_start3A_10 = tpu.memref_squeeze %dma_start3A_9 : memref<1x1x160x128xi32, #tpu.memory_space<hbm>> -> memref<160x128xi32, #tpu.memory_space<hbm>>
    %dma_start3A_11 = arith.constant 0 : i32
    %dma_start3A_12 = arith.constant 0 : i32
    %dma_start3A_13 = tpu.memref_slice %arg4[%arg0, %arg1, %dma_start3A_11, %dma_start3A_12] : memref<2x16x160x128xi32, #tpu.memory_space<hbm>> -> memref<1x1x160x128xi32, #tpu.memory_space<hbm>>
    %dma_start3A_14 = tpu.memref_squeeze %dma_start3A_13 : memref<1x1x160x128xi32, #tpu.memory_space<hbm>> -> memref<160x128xi32, #tpu.memory_space<hbm>>
    tpu.enqueue_dma source(%dma_start3A_14 : memref<160x128xi32, #tpu.memory_space<hbm>>) target(%arg8 : memref<160x128xi32, #tpu.memory_space<vmem>>) target_semaphore(%arg12 : memref<!tpu.dma_semaphore, #tpu.memory_space<semaphore_mem>>)
    %mul3A = arith.constant 640 : i32
    %mul3A_15 = arith.muli %arg1, %mul3A : i32
    %dma_start3A_16 = arith.constant 0 : i32
    %dma_start3A_17 = tpu.memref_slice %arg10[%mul3A_15, %dma_start3A_16] : memref<10240x64xf32, #tpu.memory_space<vmem_shared>> -> memref<640x64xf32, #tpu.memory_space<vmem_shared>>
    tpu.enqueue_dma source(%arg5 : memref<640x64xf32, #tpu.memory_space<hbm>>) target(%dma_start3A_17 : memref<640x64xf32, #tpu.memory_space<vmem_shared>>) target_semaphore(%arg13 : memref<!tpu.dma_semaphore, #tpu.memory_space<semaphore_mem>>)
    %dma_wait3A = arith.constant 0 : i32
    %dma_wait3A_18 = arith.constant 0 : i32
    %dma_wait3A_19 = tpu.memref_slice %arg3[%arg0, %arg1, %dma_wait3A, %dma_wait3A_18] : memref<2x16x160x128xi32, #tpu.memory_space<hbm>> -> memref<1x1x160x128xi32, #tpu.memory_space<hbm>>
    %dma_wait3A_20 = tpu.memref_squeeze %dma_wait3A_19 : memref<1x1x160x128xi32, #tpu.memory_space<hbm>> -> memref<160x128xi32, #tpu.memory_space<hbm>>
    %dma_wait3A_21 = arith.constant 0 : i32
    %dma_wait3A_22 = arith.constant 0 : i32
    %dma_wait3A_23 = tpu.memref_slice %arg3[%arg0, %arg1, %dma_wait3A_21, %dma_wait3A_22] : memref<2x16x160x128xi32, #tpu.memory_space<hbm>> -> memref<1x1x160x128xi32, #tpu.memory_space<hbm>>
    %dma_wait3A_24 = tpu.memref_squeeze %dma_wait3A_23 : memref<1x1x160x128xi32, #tpu.memory_space<hbm>> -> memref<160x128xi32, #tpu.memory_space<hbm>>
    tpu.wait_dma2 semaphore(%arg11 : memref<!tpu.dma_semaphore, #tpu.memory_space<semaphore_mem>>) src(%dma_wait3A_24 : memref<160x128xi32, #tpu.memory_space<hbm>>) dst(%arg7 : memref<160x128xi32, #tpu.memory_space<vmem>>)
    %dma_start3A_25 = arith.constant 0 : i32
    %dma_start3A_26 = arith.constant 0 : i32
    %dma_start3A_27 = arith.constant 0 : i32
    %dma_start3A_28 = arith.constant 0 : i32
    %dma_start3A_29 = tpu.memref_slice %arg9[%dma_start3A_26, %dma_start3A_27, %dma_start3A_28] : memref<4x128x64xf32, #tpu.memory_space<vmem>> -> memref<1x128x64xf32, #tpu.memory_space<vmem>>
    %dma_start3A_30 = tpu.memref_squeeze %dma_start3A_29 : memref<1x128x64xf32, #tpu.memory_space<vmem>> -> memref<128x64xf32, #tpu.memory_space<vmem>>
    %dma_start3A_31 = arith.constant 0 : i32
    %dma_start3A_32 = tpu.memref_slice %arg7[%dma_start3A_25, %dma_start3A_31] : memref<160x128xi32, #tpu.memory_space<vmem>> -> memref<1x128xi32, #tpu.memory_space<vmem>>
    %dma_start3A_33 = tpu.memref_squeeze %dma_start3A_32 : memref<1x128xi32, #tpu.memory_space<vmem>> -> memref<128xi32, #tpu.memory_space<vmem>>
    %dma_start3A_34 = arith.constant 0 : i32
    %dma_start3A_35 = arith.constant 0 : i32
    %dma_start3A_36 = tpu.memref_slice %arg2[%dma_start3A_34, %dma_start3A_35] : memref<20000x64xf32, #tpu.memory_space<hbm>> -> memref<20000x64xf32, #tpu.memory_space<hbm>>
    tpu.enqueue_indirect_dma source(%dma_start3A_36 : memref<20000x64xf32, #tpu.memory_space<hbm>>) target(%dma_start3A_30 : memref<128x64xf32, #tpu.memory_space<vmem>>) offsets(%dma_start3A_33 : memref<128xi32, #tpu.memory_space<vmem>>) semaphore(%arg11 : memref<!tpu.dma_semaphore, #tpu.memory_space<semaphore_mem>>)
    %dma_start3A_37 = arith.constant 1 : i32
    %dma_start3A_38 = arith.constant 1 : i32
    %dma_start3A_39 = arith.constant 0 : i32
    %dma_start3A_40 = arith.constant 0 : i32
    %dma_start3A_41 = tpu.memref_slice %arg9[%dma_start3A_38, %dma_start3A_39, %dma_start3A_40] : memref<4x128x64xf32, #tpu.memory_space<vmem>> -> memref<1x128x64xf32, #tpu.memory_space<vmem>>
    %dma_start3A_42 = tpu.memref_squeeze %dma_start3A_41 : memref<1x128x64xf32, #tpu.memory_space<vmem>> -> memref<128x64xf32, #tpu.memory_space<vmem>>
    %dma_start3A_43 = arith.constant 0 : i32
    %dma_start3A_44 = tpu.memref_slice %arg7[%dma_start3A_37, %dma_start3A_43] : memref<160x128xi32, #tpu.memory_space<vmem>> -> memref<1x128xi32, #tpu.memory_space<vmem>>
    %dma_start3A_45 = tpu.memref_squeeze %dma_start3A_44 : memref<1x128xi32, #tpu.memory_space<vmem>> -> memref<128xi32, #tpu.memory_space<vmem>>
    %dma_start3A_46 = arith.constant 0 : i32
    %dma_start3A_47 = arith.constant 0 : i32
    %dma_start3A_48 = tpu.memref_slice %arg2[%dma_start3A_46, %dma_start3A_47] : memref<20000x64xf32, #tpu.memory_space<hbm>> -> memref<20000x64xf32, #tpu.memory_space<hbm>>
    tpu.enqueue_indirect_dma source(%dma_start3A_48 : memref<20000x64xf32, #tpu.memory_space<hbm>>) target(%dma_start3A_42 : memref<128x64xf32, #tpu.memory_space<vmem>>) offsets(%dma_start3A_45 : memref<128xi32, #tpu.memory_space<vmem>>) semaphore(%arg11 : memref<!tpu.dma_semaphore, #tpu.memory_space<semaphore_mem>>)
    %dma_start3A_49 = arith.constant 2 : i32
    %dma_start3A_50 = arith.constant 2 : i32
    %dma_start3A_51 = arith.constant 0 : i32
    %dma_start3A_52 = arith.constant 0 : i32
    %dma_start3A_53 = tpu.memref_slice %arg9[%dma_start3A_50, %dma_start3A_51, %dma_start3A_52] : memref<4x128x64xf32, #tpu.memory_space<vmem>> -> memref<1x128x64xf32, #tpu.memory_space<vmem>>
    %dma_start3A_54 = tpu.memref_squeeze %dma_start3A_53 : memref<1x128x64xf32, #tpu.memory_space<vmem>> -> memref<128x64xf32, #tpu.memory_space<vmem>>
    %dma_start3A_55 = arith.constant 0 : i32
    %dma_start3A_56 = tpu.memref_slice %arg7[%dma_start3A_49, %dma_start3A_55] : memref<160x128xi32, #tpu.memory_space<vmem>> -> memref<1x128xi32, #tpu.memory_space<vmem>>
    %dma_start3A_57 = tpu.memref_squeeze %dma_start3A_56 : memref<1x128xi32, #tpu.memory_space<vmem>> -> memref<128xi32, #tpu.memory_space<vmem>>
    %dma_start3A_58 = arith.constant 0 : i32
    %dma_start3A_59 = arith.constant 0 : i32
    %dma_start3A_60 = tpu.memref_slice %arg2[%dma_start3A_58, %dma_start3A_59] : memref<20000x64xf32, #tpu.memory_space<hbm>> -> memref<20000x64xf32, #tpu.memory_space<hbm>>
    tpu.enqueue_indirect_dma source(%dma_start3A_60 : memref<20000x64xf32, #tpu.memory_space<hbm>>) target(%dma_start3A_54 : memref<128x64xf32, #tpu.memory_space<vmem>>) offsets(%dma_start3A_57 : memref<128xi32, #tpu.memory_space<vmem>>) semaphore(%arg11 : memref<!tpu.dma_semaphore, #tpu.memory_space<semaphore_mem>>)
    %dma_start3A_61 = arith.constant 3 : i32
    %dma_start3A_62 = arith.constant 3 : i32
    %dma_start3A_63 = arith.constant 0 : i32
    %dma_start3A_64 = arith.constant 0 : i32
    %dma_start3A_65 = tpu.memref_slice %arg9[%dma_start3A_62, %dma_start3A_63, %dma_start3A_64] : memref<4x128x64xf32, #tpu.memory_space<vmem>> -> memref<1x128x64xf32, #tpu.memory_space<vmem>>
    %dma_start3A_66 = tpu.memref_squeeze %dma_start3A_65 : memref<1x128x64xf32, #tpu.memory_space<vmem>> -> memref<128x64xf32, #tpu.memory_space<vmem>>
    %dma_start3A_67 = arith.constant 0 : i32
    %dma_start3A_68 = tpu.memref_slice %arg7[%dma_start3A_61, %dma_start3A_67] : memref<160x128xi32, #tpu.memory_space<vmem>> -> memref<1x128xi32, #tpu.memory_space<vmem>>
    %dma_start3A_69 = tpu.memref_squeeze %dma_start3A_68 : memref<1x128xi32, #tpu.memory_space<vmem>> -> memref<128xi32, #tpu.memory_space<vmem>>
    %dma_start3A_70 = arith.constant 0 : i32
    %dma_start3A_71 = arith.constant 0 : i32
    %dma_start3A_72 = tpu.memref_slice %arg2[%dma_start3A_70, %dma_start3A_71] : memref<20000x64xf32, #tpu.memory_space<hbm>> -> memref<20000x64xf32, #tpu.memory_space<hbm>>
    tpu.enqueue_indirect_dma source(%dma_start3A_72 : memref<20000x64xf32, #tpu.memory_space<hbm>>) target(%dma_start3A_66 : memref<128x64xf32, #tpu.memory_space<vmem>>) offsets(%dma_start3A_69 : memref<128xi32, #tpu.memory_space<vmem>>) semaphore(%arg11 : memref<!tpu.dma_semaphore, #tpu.memory_space<semaphore_mem>>)
    %dma_wait3A_73 = arith.constant 0 : i32
    %dma_wait3A_74 = arith.constant 0 : i32
    %dma_wait3A_75 = tpu.memref_slice %arg4[%arg0, %arg1, %dma_wait3A_73, %dma_wait3A_74] : memref<2x16x160x128xi32, #tpu.memory_space<hbm>> -> memref<1x1x160x128xi32, #tpu.memory_space<hbm>>
    %dma_wait3A_76 = tpu.memref_squeeze %dma_wait3A_75 : memref<1x1x160x128xi32, #tpu.memory_space<hbm>> -> memref<160x128xi32, #tpu.memory_space<hbm>>
    %dma_wait3A_77 = arith.constant 0 : i32
    %dma_wait3A_78 = arith.constant 0 : i32
    %dma_wait3A_79 = tpu.memref_slice %arg4[%arg0, %arg1, %dma_wait3A_77, %dma_wait3A_78] : memref<2x16x160x128xi32, #tpu.memory_space<hbm>> -> memref<1x1x160x128xi32, #tpu.memory_space<hbm>>
    %dma_wait3A_80 = tpu.memref_squeeze %dma_wait3A_79 : memref<1x1x160x128xi32, #tpu.memory_space<hbm>> -> memref<160x128xi32, #tpu.memory_space<hbm>>
    tpu.wait_dma2 semaphore(%arg12 : memref<!tpu.dma_semaphore, #tpu.memory_space<semaphore_mem>>) src(%dma_wait3A_80 : memref<160x128xi32, #tpu.memory_space<hbm>>) dst(%arg8 : memref<160x128xi32, #tpu.memory_space<vmem>>)
    %dma_wait3A_81 = arith.constant 0 : i32
    %dma_wait3A_82 = tpu.memref_slice %arg10[%mul3A_15, %dma_wait3A_81] : memref<10240x64xf32, #tpu.memory_space<vmem_shared>> -> memref<640x64xf32, #tpu.memory_space<vmem_shared>>
    tpu.wait_dma2 semaphore(%arg13 : memref<!tpu.dma_semaphore, #tpu.memory_space<semaphore_mem>>) src(%arg5 : memref<640x64xf32, #tpu.memory_space<hbm>>) dst(%dma_wait3A_82 : memref<640x64xf32, #tpu.memory_space<vmem_shared>>)
    %barrier3A = arith.constant 0 : index
    tpu.barrier barrier_id(%barrier3A)
    %scan3A = arith.constant 0 : i32
    %scan3A_83 = arith.constant 0 : i32
    %scan3A_84 = arith.constant 40 : i32
    %scan3A_85 = arith.addi %scan3A_83, %scan3A_84 : i32
    %scan3A_86 = arith.constant 1 : i32
    scf.for %scan3A_141 = %scan3A_83 to %scan3A_85 step %scan3A_86  : i32 {
      %mul3A_142 = arith.constant 4 : i32
      %mul3A_143 = arith.muli %scan3A_141, %mul3A_142 : i32
      %add3A = arith.constant 0 : i32
      %add3A_144 = arith.addi %mul3A_143, %add3A : i32
      %dma_wait3A_145 = arith.constant 0 : i32
      %dma_wait3A_146 = arith.constant 0 : i32
      %dma_wait3A_147 = arith.constant 0 : i32
      %dma_wait3A_148 = tpu.memref_slice %arg9[%dma_wait3A_145, %dma_wait3A_146, %dma_wait3A_147] : memref<4x128x64xf32, #tpu.memory_space<vmem>> -> memref<1x128x64xf32, #tpu.memory_space<vmem>>
      %dma_wait3A_149 = tpu.memref_squeeze %dma_wait3A_148 : memref<1x128x64xf32, #tpu.memory_space<vmem>> -> memref<128x64xf32, #tpu.memory_space<vmem>>
      %dma_wait3A_150 = arith.constant 0 : i32
      %dma_wait3A_151 = tpu.memref_slice %arg7[%add3A_144, %dma_wait3A_150] : memref<160x128xi32, #tpu.memory_space<vmem>> -> memref<1x128xi32, #tpu.memory_space<vmem>>
      %dma_wait3A_152 = tpu.memref_squeeze %dma_wait3A_151 : memref<1x128xi32, #tpu.memory_space<vmem>> -> memref<128xi32, #tpu.memory_space<vmem>>
      %dma_wait3A_153 = arith.constant 0 : i32
      %dma_wait3A_154 = arith.constant 0 : i32
      %dma_wait3A_155 = tpu.memref_slice %arg2[%dma_wait3A_153, %dma_wait3A_154] : memref<20000x64xf32, #tpu.memory_space<hbm>> -> memref<20000x64xf32, #tpu.memory_space<hbm>>
      tpu.wait_indirect_dma semaphore(%arg11 : memref<!tpu.dma_semaphore, #tpu.memory_space<semaphore_mem>>) src(%dma_wait3A_155 : memref<20000x64xf32, #tpu.memory_space<hbm>>) dst(%dma_wait3A_149 : memref<128x64xf32, #tpu.memory_space<vmem>>)
      %dma_start3A_156 = arith.constant 0 : i32
      %dma_start3A_157 = arith.constant 0 : i32
      %dma_start3A_158 = arith.constant 0 : i32
      %dma_start3A_159 = tpu.memref_slice %arg9[%dma_start3A_156, %dma_start3A_157, %dma_start3A_158] : memref<4x128x64xf32, #tpu.memory_space<vmem>> -> memref<1x128x64xf32, #tpu.memory_space<vmem>>
      %dma_start3A_160 = tpu.memref_squeeze %dma_start3A_159 : memref<1x128x64xf32, #tpu.memory_space<vmem>> -> memref<128x64xf32, #tpu.memory_space<vmem>>
      %dma_start3A_161 = arith.constant 0 : i32
      %dma_start3A_162 = tpu.memref_slice %arg8[%add3A_144, %dma_start3A_161] : memref<160x128xi32, #tpu.memory_space<vmem>> -> memref<1x128xi32, #tpu.memory_space<vmem>>
      %dma_start3A_163 = tpu.memref_squeeze %dma_start3A_162 : memref<1x128xi32, #tpu.memory_space<vmem>> -> memref<128xi32, #tpu.memory_space<vmem>>
      %dma_start3A_164 = arith.constant 0 : i32
      %dma_start3A_165 = arith.constant 0 : i32
      %dma_start3A_166 = tpu.memref_slice %arg10[%dma_start3A_164, %dma_start3A_165] : memref<10240x64xf32, #tpu.memory_space<vmem_shared>> -> memref<10240x64xf32, #tpu.memory_space<vmem_shared>>
      tpu.enqueue_indirect_dma source(%dma_start3A_160 : memref<128x64xf32, #tpu.memory_space<vmem>>) target(%dma_start3A_166 : memref<10240x64xf32, #tpu.memory_space<vmem_shared>>) offsets(%dma_start3A_163 : memref<128xi32, #tpu.memory_space<vmem>>) semaphore(%arg12 : memref<!tpu.dma_semaphore, #tpu.memory_space<semaphore_mem>>) {add = true}
      %sub3A = arith.constant 1 : i32
      %sub3A_167 = arith.subi %add3A_144, %sub3A : i32
      %ge3A = arith.constant 1 : i32
      %ge3A_168 = arith.cmpi sge, %scan3A_141, %ge3A : i32
      %convert_element_type3A = arith.extui %ge3A_168 : i1 to i32
      %cond3A = arith.constant 0 : i32
      %cond3A_169 = arith.cmpi ne, %convert_element_type3A, %cond3A : i32
      scf.if %cond3A_169 {
        %dma_wait3A_268 = arith.constant 3 : i32
        %dma_wait3A_269 = arith.constant 0 : i32
        %dma_wait3A_270 = arith.constant 0 : i32
        %dma_wait3A_271 = tpu.memref_slice %arg9[%dma_wait3A_268, %dma_wait3A_269, %dma_wait3A_270] : memref<4x128x64xf32, #tpu.memory_space<vmem>> -> memref<1x128x64xf32, #tpu.memory_space<vmem>>
        %dma_wait3A_272 = tpu.memref_squeeze %dma_wait3A_271 : memref<1x128x64xf32, #tpu.memory_space<vmem>> -> memref<128x64xf32, #tpu.memory_space<vmem>>
        %dma_wait3A_273 = arith.constant 0 : i32
        %dma_wait3A_274 = tpu.memref_slice %arg8[%sub3A_167, %dma_wait3A_273] : memref<160x128xi32, #tpu.memory_space<vmem>> -> memref<1x128xi32, #tpu.memory_space<vmem>>
        %dma_wait3A_275 = tpu.memref_squeeze %dma_wait3A_274 : memref<1x128xi32, #tpu.memory_space<vmem>> -> memref<128xi32, #tpu.memory_space<vmem>>
        %dma_wait3A_276 = arith.constant 0 : i32
        %dma_wait3A_277 = arith.constant 0 : i32
        %dma_wait3A_278 = tpu.memref_slice %arg10[%dma_wait3A_276, %dma_wait3A_277] : memref<10240x64xf32, #tpu.memory_space<vmem_shared>> -> memref<10240x64xf32, #tpu.memory_space<vmem_shared>>
        tpu.wait_indirect_dma semaphore(%arg15 : memref<!tpu.dma_semaphore, #tpu.memory_space<semaphore_mem>>) src(%dma_wait3A_272 : memref<128x64xf32, #tpu.memory_space<vmem>>) dst(%dma_wait3A_278 : memref<10240x64xf32, #tpu.memory_space<vmem_shared>>)
        %add3A_279 = arith.constant 4 : i32
        %add3A_280 = arith.addi %sub3A_167, %add3A_279 : i32
        %dma_start3A_281 = arith.constant 3 : i32
        %dma_start3A_282 = arith.constant 0 : i32
        %dma_start3A_283 = arith.constant 0 : i32
        %dma_start3A_284 = tpu.memref_slice %arg9[%dma_start3A_281, %dma_start3A_282, %dma_start3A_283] : memref<4x128x64xf32, #tpu.memory_space<vmem>> -> memref<1x128x64xf32, #tpu.memory_space<vmem>>
        %dma_start3A_285 = tpu.memref_squeeze %dma_start3A_284 : memref<1x128x64xf32, #tpu.memory_space<vmem>> -> memref<128x64xf32, #tpu.memory_space<vmem>>
        %dma_start3A_286 = arith.constant 0 : i32
        %dma_start3A_287 = tpu.memref_slice %arg7[%add3A_280, %dma_start3A_286] : memref<160x128xi32, #tpu.memory_space<vmem>> -> memref<1x128xi32, #tpu.memory_space<vmem>>
        %dma_start3A_288 = tpu.memref_squeeze %dma_start3A_287 : memref<1x128xi32, #tpu.memory_space<vmem>> -> memref<128xi32, #tpu.memory_space<vmem>>
        %dma_start3A_289 = arith.constant 0 : i32
        %dma_start3A_290 = arith.constant 0 : i32
        %dma_start3A_291 = tpu.memref_slice %arg2[%dma_start3A_289, %dma_start3A_290] : memref<20000x64xf32, #tpu.memory_space<hbm>> -> memref<20000x64xf32, #tpu.memory_space<hbm>>
        tpu.enqueue_indirect_dma source(%dma_start3A_291 : memref<20000x64xf32, #tpu.memory_space<hbm>>) target(%dma_start3A_285 : memref<128x64xf32, #tpu.memory_space<vmem>>) offsets(%dma_start3A_288 : memref<128xi32, #tpu.memory_space<vmem>>) semaphore(%arg11 : memref<!tpu.dma_semaphore, #tpu.memory_space<semaphore_mem>>)
      } else {
      }
      %mul3A_170 = arith.constant 4 : i32
      %mul3A_171 = arith.muli %scan3A_141, %mul3A_170 : i32
      %add3A_172 = arith.constant 1 : i32
      %add3A_173 = arith.addi %mul3A_171, %add3A_172 : i32
      %dma_wait3A_174 = arith.constant 1 : i32
      %dma_wait3A_175 = arith.constant 0 : i32
      %dma_wait3A_176 = arith.constant 0 : i32
      %dma_wait3A_177 = tpu.memref_slice %arg9[%dma_wait3A_174, %dma_wait3A_175, %dma_wait3A_176] : memref<4x128x64xf32, #tpu.memory_space<vmem>> -> memref<1x128x64xf32, #tpu.memory_space<vmem>>
      %dma_wait3A_178 = tpu.memref_squeeze %dma_wait3A_177 : memref<1x128x64xf32, #tpu.memory_space<vmem>> -> memref<128x64xf32, #tpu.memory_space<vmem>>
      %dma_wait3A_179 = arith.constant 0 : i32
      %dma_wait3A_180 = tpu.memref_slice %arg7[%add3A_173, %dma_wait3A_179] : memref<160x128xi32, #tpu.memory_space<vmem>> -> memref<1x128xi32, #tpu.memory_space<vmem>>
      %dma_wait3A_181 = tpu.memref_squeeze %dma_wait3A_180 : memref<1x128xi32, #tpu.memory_space<vmem>> -> memref<128xi32, #tpu.memory_space<vmem>>
      %dma_wait3A_182 = arith.constant 0 : i32
      %dma_wait3A_183 = arith.constant 0 : i32
      %dma_wait3A_184 = tpu.memref_slice %arg2[%dma_wait3A_182, %dma_wait3A_183] : memref<20000x64xf32, #tpu.memory_space<hbm>> -> memref<20000x64xf32, #tpu.memory_space<hbm>>
      tpu.wait_indirect_dma semaphore(%arg11 : memref<!tpu.dma_semaphore, #tpu.memory_space<semaphore_mem>>) src(%dma_wait3A_184 : memref<20000x64xf32, #tpu.memory_space<hbm>>) dst(%dma_wait3A_178 : memref<128x64xf32, #tpu.memory_space<vmem>>)
      %dma_start3A_185 = arith.constant 1 : i32
      %dma_start3A_186 = arith.constant 0 : i32
      %dma_start3A_187 = arith.constant 0 : i32
      %dma_start3A_188 = tpu.memref_slice %arg9[%dma_start3A_185, %dma_start3A_186, %dma_start3A_187] : memref<4x128x64xf32, #tpu.memory_space<vmem>> -> memref<1x128x64xf32, #tpu.memory_space<vmem>>
      %dma_start3A_189 = tpu.memref_squeeze %dma_start3A_188 : memref<1x128x64xf32, #tpu.memory_space<vmem>> -> memref<128x64xf32, #tpu.memory_space<vmem>>
      %dma_start3A_190 = arith.constant 0 : i32
      %dma_start3A_191 = tpu.memref_slice %arg8[%add3A_173, %dma_start3A_190] : memref<160x128xi32, #tpu.memory_space<vmem>> -> memref<1x128xi32, #tpu.memory_space<vmem>>
      %dma_start3A_192 = tpu.memref_squeeze %dma_start3A_191 : memref<1x128xi32, #tpu.memory_space<vmem>> -> memref<128xi32, #tpu.memory_space<vmem>>
      %dma_start3A_193 = arith.constant 0 : i32
      %dma_start3A_194 = arith.constant 0 : i32
      %dma_start3A_195 = tpu.memref_slice %arg10[%dma_start3A_193, %dma_start3A_194] : memref<10240x64xf32, #tpu.memory_space<vmem_shared>> -> memref<10240x64xf32, #tpu.memory_space<vmem_shared>>
      tpu.enqueue_indirect_dma source(%dma_start3A_189 : memref<128x64xf32, #tpu.memory_space<vmem>>) target(%dma_start3A_195 : memref<10240x64xf32, #tpu.memory_space<vmem_shared>>) offsets(%dma_start3A_192 : memref<128xi32, #tpu.memory_space<vmem>>) semaphore(%arg13 : memref<!tpu.dma_semaphore, #tpu.memory_space<semaphore_mem>>) {add = true}
      %sub3A_196 = arith.constant 1 : i32
      %sub3A_197 = arith.subi %add3A_173, %sub3A_196 : i32
      %le3A = arith.constant 38 : i32
      %le3A_198 = arith.cmpi sle, %scan3A_141, %le3A : i32
      %convert_element_type3A_199 = arith.extui %le3A_198 : i1 to i32
      %cond3A_200 = arith.constant 0 : i32
      %cond3A_201 = arith.cmpi ne, %convert_element_type3A_199, %cond3A_200 : i32
      scf.if %cond3A_201 {
        %dma_wait3A_268 = arith.constant 0 : i32
        %dma_wait3A_269 = arith.constant 0 : i32
        %dma_wait3A_270 = arith.constant 0 : i32
        %dma_wait3A_271 = tpu.memref_slice %arg9[%dma_wait3A_268, %dma_wait3A_269, %dma_wait3A_270] : memref<4x128x64xf32, #tpu.memory_space<vmem>> -> memref<1x128x64xf32, #tpu.memory_space<vmem>>
        %dma_wait3A_272 = tpu.memref_squeeze %dma_wait3A_271 : memref<1x128x64xf32, #tpu.memory_space<vmem>> -> memref<128x64xf32, #tpu.memory_space<vmem>>
        %dma_wait3A_273 = arith.constant 0 : i32
        %dma_wait3A_274 = tpu.memref_slice %arg8[%sub3A_197, %dma_wait3A_273] : memref<160x128xi32, #tpu.memory_space<vmem>> -> memref<1x128xi32, #tpu.memory_space<vmem>>
        %dma_wait3A_275 = tpu.memref_squeeze %dma_wait3A_274 : memref<1x128xi32, #tpu.memory_space<vmem>> -> memref<128xi32, #tpu.memory_space<vmem>>
        %dma_wait3A_276 = arith.constant 0 : i32
        %dma_wait3A_277 = arith.constant 0 : i32
        %dma_wait3A_278 = tpu.memref_slice %arg10[%dma_wait3A_276, %dma_wait3A_277] : memref<10240x64xf32, #tpu.memory_space<vmem_shared>> -> memref<10240x64xf32, #tpu.memory_space<vmem_shared>>
        tpu.wait_indirect_dma semaphore(%arg12 : memref<!tpu.dma_semaphore, #tpu.memory_space<semaphore_mem>>) src(%dma_wait3A_272 : memref<128x64xf32, #tpu.memory_space<vmem>>) dst(%dma_wait3A_278 : memref<10240x64xf32, #tpu.memory_space<vmem_shared>>)
        %add3A_279 = arith.constant 4 : i32
        %add3A_280 = arith.addi %sub3A_197, %add3A_279 : i32
        %dma_start3A_281 = arith.constant 0 : i32
        %dma_start3A_282 = arith.constant 0 : i32
        %dma_start3A_283 = arith.constant 0 : i32
        %dma_start3A_284 = tpu.memref_slice %arg9[%dma_start3A_281, %dma_start3A_282, %dma_start3A_283] : memref<4x128x64xf32, #tpu.memory_space<vmem>> -> memref<1x128x64xf32, #tpu.memory_space<vmem>>
        %dma_start3A_285 = tpu.memref_squeeze %dma_start3A_284 : memref<1x128x64xf32, #tpu.memory_space<vmem>> -> memref<128x64xf32, #tpu.memory_space<vmem>>
        %dma_start3A_286 = arith.constant 0 : i32
        %dma_start3A_287 = tpu.memref_slice %arg7[%add3A_280, %dma_start3A_286] : memref<160x128xi32, #tpu.memory_space<vmem>> -> memref<1x128xi32, #tpu.memory_space<vmem>>
        %dma_start3A_288 = tpu.memref_squeeze %dma_start3A_287 : memref<1x128xi32, #tpu.memory_space<vmem>> -> memref<128xi32, #tpu.memory_space<vmem>>
        %dma_start3A_289 = arith.constant 0 : i32
        %dma_start3A_290 = arith.constant 0 : i32
        %dma_start3A_291 = tpu.memref_slice %arg2[%dma_start3A_289, %dma_start3A_290] : memref<20000x64xf32, #tpu.memory_space<hbm>> -> memref<20000x64xf32, #tpu.memory_space<hbm>>
        tpu.enqueue_indirect_dma source(%dma_start3A_291 : memref<20000x64xf32, #tpu.memory_space<hbm>>) target(%dma_start3A_285 : memref<128x64xf32, #tpu.memory_space<vmem>>) offsets(%dma_start3A_288 : memref<128xi32, #tpu.memory_space<vmem>>) semaphore(%arg11 : memref<!tpu.dma_semaphore, #tpu.memory_space<semaphore_mem>>)
      } else {
      }
      %mul3A_202 = arith.constant 4 : i32
      %mul3A_203 = arith.muli %scan3A_141, %mul3A_202 : i32
      %add3A_204 = arith.constant 2 : i32
      %add3A_205 = arith.addi %mul3A_203, %add3A_204 : i32
      %dma_wait3A_206 = arith.constant 2 : i32
      %dma_wait3A_207 = arith.constant 0 : i32
      %dma_wait3A_208 = arith.constant 0 : i32
      %dma_wait3A_209 = tpu.memref_slice %arg9[%dma_wait3A_206, %dma_wait3A_207, %dma_wait3A_208] : memref<4x128x64xf32, #tpu.memory_space<vmem>> -> memref<1x128x64xf32, #tpu.memory_space<vmem>>
      %dma_wait3A_210 = tpu.memref_squeeze %dma_wait3A_209 : memref<1x128x64xf32, #tpu.memory_space<vmem>> -> memref<128x64xf32, #tpu.memory_space<vmem>>
      %dma_wait3A_211 = arith.constant 0 : i32
      %dma_wait3A_212 = tpu.memref_slice %arg7[%add3A_205, %dma_wait3A_211] : memref<160x128xi32, #tpu.memory_space<vmem>> -> memref<1x128xi32, #tpu.memory_space<vmem>>
      %dma_wait3A_213 = tpu.memref_squeeze %dma_wait3A_212 : memref<1x128xi32, #tpu.memory_space<vmem>> -> memref<128xi32, #tpu.memory_space<vmem>>
      %dma_wait3A_214 = arith.constant 0 : i32
      %dma_wait3A_215 = arith.constant 0 : i32
      %dma_wait3A_216 = tpu.memref_slice %arg2[%dma_wait3A_214, %dma_wait3A_215] : memref<20000x64xf32, #tpu.memory_space<hbm>> -> memref<20000x64xf32, #tpu.memory_space<hbm>>
      tpu.wait_indirect_dma semaphore(%arg11 : memref<!tpu.dma_semaphore, #tpu.memory_space<semaphore_mem>>) src(%dma_wait3A_216 : memref<20000x64xf32, #tpu.memory_space<hbm>>) dst(%dma_wait3A_210 : memref<128x64xf32, #tpu.memory_space<vmem>>)
      %dma_start3A_217 = arith.constant 2 : i32
      %dma_start3A_218 = arith.constant 0 : i32
      %dma_start3A_219 = arith.constant 0 : i32
      %dma_start3A_220 = tpu.memref_slice %arg9[%dma_start3A_217, %dma_start3A_218, %dma_start3A_219] : memref<4x128x64xf32, #tpu.memory_space<vmem>> -> memref<1x128x64xf32, #tpu.memory_space<vmem>>
      %dma_start3A_221 = tpu.memref_squeeze %dma_start3A_220 : memref<1x128x64xf32, #tpu.memory_space<vmem>> -> memref<128x64xf32, #tpu.memory_space<vmem>>
      %dma_start3A_222 = arith.constant 0 : i32
      %dma_start3A_223 = tpu.memref_slice %arg8[%add3A_205, %dma_start3A_222] : memref<160x128xi32, #tpu.memory_space<vmem>> -> memref<1x128xi32, #tpu.memory_space<vmem>>
      %dma_start3A_224 = tpu.memref_squeeze %dma_start3A_223 : memref<1x128xi32, #tpu.memory_space<vmem>> -> memref<128xi32, #tpu.memory_space<vmem>>
      %dma_start3A_225 = arith.constant 0 : i32
      %dma_start3A_226 = arith.constant 0 : i32
      %dma_start3A_227 = tpu.memref_slice %arg10[%dma_start3A_225, %dma_start3A_226] : memref<10240x64xf32, #tpu.memory_space<vmem_shared>> -> memref<10240x64xf32, #tpu.memory_space<vmem_shared>>
      tpu.enqueue_indirect_dma source(%dma_start3A_221 : memref<128x64xf32, #tpu.memory_space<vmem>>) target(%dma_start3A_227 : memref<10240x64xf32, #tpu.memory_space<vmem_shared>>) offsets(%dma_start3A_224 : memref<128xi32, #tpu.memory_space<vmem>>) semaphore(%arg14 : memref<!tpu.dma_semaphore, #tpu.memory_space<semaphore_mem>>) {add = true}
      %sub3A_228 = arith.constant 1 : i32
      %sub3A_229 = arith.subi %add3A_205, %sub3A_228 : i32
      %le3A_230 = arith.constant 38 : i32
      %le3A_231 = arith.cmpi sle, %scan3A_141, %le3A_230 : i32
      %convert_element_type3A_232 = arith.extui %le3A_231 : i1 to i32
      %cond3A_233 = arith.constant 0 : i32
      %cond3A_234 = arith.cmpi ne, %convert_element_type3A_232, %cond3A_233 : i32
      scf.if %cond3A_234 {
        %dma_wait3A_268 = arith.constant 1 : i32
        %dma_wait3A_269 = arith.constant 0 : i32
        %dma_wait3A_270 = arith.constant 0 : i32
        %dma_wait3A_271 = tpu.memref_slice %arg9[%dma_wait3A_268, %dma_wait3A_269, %dma_wait3A_270] : memref<4x128x64xf32, #tpu.memory_space<vmem>> -> memref<1x128x64xf32, #tpu.memory_space<vmem>>
        %dma_wait3A_272 = tpu.memref_squeeze %dma_wait3A_271 : memref<1x128x64xf32, #tpu.memory_space<vmem>> -> memref<128x64xf32, #tpu.memory_space<vmem>>
        %dma_wait3A_273 = arith.constant 0 : i32
        %dma_wait3A_274 = tpu.memref_slice %arg8[%sub3A_229, %dma_wait3A_273] : memref<160x128xi32, #tpu.memory_space<vmem>> -> memref<1x128xi32, #tpu.memory_space<vmem>>
        %dma_wait3A_275 = tpu.memref_squeeze %dma_wait3A_274 : memref<1x128xi32, #tpu.memory_space<vmem>> -> memref<128xi32, #tpu.memory_space<vmem>>
        %dma_wait3A_276 = arith.constant 0 : i32
        %dma_wait3A_277 = arith.constant 0 : i32
        %dma_wait3A_278 = tpu.memref_slice %arg10[%dma_wait3A_276, %dma_wait3A_277] : memref<10240x64xf32, #tpu.memory_space<vmem_shared>> -> memref<10240x64xf32, #tpu.memory_space<vmem_shared>>
        tpu.wait_indirect_dma semaphore(%arg13 : memref<!tpu.dma_semaphore, #tpu.memory_space<semaphore_mem>>) src(%dma_wait3A_272 : memref<128x64xf32, #tpu.memory_space<vmem>>) dst(%dma_wait3A_278 : memref<10240x64xf32, #tpu.memory_space<vmem_shared>>)
        %add3A_279 = arith.constant 4 : i32
        %add3A_280 = arith.addi %sub3A_229, %add3A_279 : i32
        %dma_start3A_281 = arith.constant 1 : i32
        %dma_start3A_282 = arith.constant 0 : i32
        %dma_start3A_283 = arith.constant 0 : i32
        %dma_start3A_284 = tpu.memref_slice %arg9[%dma_start3A_281, %dma_start3A_282, %dma_start3A_283] : memref<4x128x64xf32, #tpu.memory_space<vmem>> -> memref<1x128x64xf32, #tpu.memory_space<vmem>>
        %dma_start3A_285 = tpu.memref_squeeze %dma_start3A_284 : memref<1x128x64xf32, #tpu.memory_space<vmem>> -> memref<128x64xf32, #tpu.memory_space<vmem>>
        %dma_start3A_286 = arith.constant 0 : i32
        %dma_start3A_287 = tpu.memref_slice %arg7[%add3A_280, %dma_start3A_286] : memref<160x128xi32, #tpu.memory_space<vmem>> -> memref<1x128xi32, #tpu.memory_space<vmem>>
        %dma_start3A_288 = tpu.memref_squeeze %dma_start3A_287 : memref<1x128xi32, #tpu.memory_space<vmem>> -> memref<128xi32, #tpu.memory_space<vmem>>
        %dma_start3A_289 = arith.constant 0 : i32
        %dma_start3A_290 = arith.constant 0 : i32
        %dma_start3A_291 = tpu.memref_slice %arg2[%dma_start3A_289, %dma_start3A_290] : memref<20000x64xf32, #tpu.memory_space<hbm>> -> memref<20000x64xf32, #tpu.memory_space<hbm>>
        tpu.enqueue_indirect_dma source(%dma_start3A_291 : memref<20000x64xf32, #tpu.memory_space<hbm>>) target(%dma_start3A_285 : memref<128x64xf32, #tpu.memory_space<vmem>>) offsets(%dma_start3A_288 : memref<128xi32, #tpu.memory_space<vmem>>) semaphore(%arg11 : memref<!tpu.dma_semaphore, #tpu.memory_space<semaphore_mem>>)
      } else {
      }
      %mul3A_235 = arith.constant 4 : i32
      %mul3A_236 = arith.muli %scan3A_141, %mul3A_235 : i32
      %add3A_237 = arith.constant 3 : i32
      %add3A_238 = arith.addi %mul3A_236, %add3A_237 : i32
      %dma_wait3A_239 = arith.constant 3 : i32
      %dma_wait3A_240 = arith.constant 0 : i32
      %dma_wait3A_241 = arith.constant 0 : i32
      %dma_wait3A_242 = tpu.memref_slice %arg9[%dma_wait3A_239, %dma_wait3A_240, %dma_wait3A_241] : memref<4x128x64xf32, #tpu.memory_space<vmem>> -> memref<1x128x64xf32, #tpu.memory_space<vmem>>
      %dma_wait3A_243 = tpu.memref_squeeze %dma_wait3A_242 : memref<1x128x64xf32, #tpu.memory_space<vmem>> -> memref<128x64xf32, #tpu.memory_space<vmem>>
      %dma_wait3A_244 = arith.constant 0 : i32
      %dma_wait3A_245 = tpu.memref_slice %arg7[%add3A_238, %dma_wait3A_244] : memref<160x128xi32, #tpu.memory_space<vmem>> -> memref<1x128xi32, #tpu.memory_space<vmem>>
      %dma_wait3A_246 = tpu.memref_squeeze %dma_wait3A_245 : memref<1x128xi32, #tpu.memory_space<vmem>> -> memref<128xi32, #tpu.memory_space<vmem>>
      %dma_wait3A_247 = arith.constant 0 : i32
      %dma_wait3A_248 = arith.constant 0 : i32
      %dma_wait3A_249 = tpu.memref_slice %arg2[%dma_wait3A_247, %dma_wait3A_248] : memref<20000x64xf32, #tpu.memory_space<hbm>> -> memref<20000x64xf32, #tpu.memory_space<hbm>>
      tpu.wait_indirect_dma semaphore(%arg11 : memref<!tpu.dma_semaphore, #tpu.memory_space<semaphore_mem>>) src(%dma_wait3A_249 : memref<20000x64xf32, #tpu.memory_space<hbm>>) dst(%dma_wait3A_243 : memref<128x64xf32, #tpu.memory_space<vmem>>)
      %dma_start3A_250 = arith.constant 3 : i32
      %dma_start3A_251 = arith.constant 0 : i32
      %dma_start3A_252 = arith.constant 0 : i32
      %dma_start3A_253 = tpu.memref_slice %arg9[%dma_start3A_250, %dma_start3A_251, %dma_start3A_252] : memref<4x128x64xf32, #tpu.memory_space<vmem>> -> memref<1x128x64xf32, #tpu.memory_space<vmem>>
      %dma_start3A_254 = tpu.memref_squeeze %dma_start3A_253 : memref<1x128x64xf32, #tpu.memory_space<vmem>> -> memref<128x64xf32, #tpu.memory_space<vmem>>
      %dma_start3A_255 = arith.constant 0 : i32
      %dma_start3A_256 = tpu.memref_slice %arg8[%add3A_238, %dma_start3A_255] : memref<160x128xi32, #tpu.memory_space<vmem>> -> memref<1x128xi32, #tpu.memory_space<vmem>>
      %dma_start3A_257 = tpu.memref_squeeze %dma_start3A_256 : memref<1x128xi32, #tpu.memory_space<vmem>> -> memref<128xi32, #tpu.memory_space<vmem>>
      %dma_start3A_258 = arith.constant 0 : i32
      %dma_start3A_259 = arith.constant 0 : i32
      %dma_start3A_260 = tpu.memref_slice %arg10[%dma_start3A_258, %dma_start3A_259] : memref<10240x64xf32, #tpu.memory_space<vmem_shared>> -> memref<10240x64xf32, #tpu.memory_space<vmem_shared>>
      tpu.enqueue_indirect_dma source(%dma_start3A_254 : memref<128x64xf32, #tpu.memory_space<vmem>>) target(%dma_start3A_260 : memref<10240x64xf32, #tpu.memory_space<vmem_shared>>) offsets(%dma_start3A_257 : memref<128xi32, #tpu.memory_space<vmem>>) semaphore(%arg15 : memref<!tpu.dma_semaphore, #tpu.memory_space<semaphore_mem>>) {add = true}
      %sub3A_261 = arith.constant 1 : i32
      %sub3A_262 = arith.subi %add3A_238, %sub3A_261 : i32
      %le3A_263 = arith.constant 38 : i32
      %le3A_264 = arith.cmpi sle, %scan3A_141, %le3A_263 : i32
      %convert_element_type3A_265 = arith.extui %le3A_264 : i1 to i32
      %cond3A_266 = arith.constant 0 : i32
      %cond3A_267 = arith.cmpi ne, %convert_element_type3A_265, %cond3A_266 : i32
      scf.if %cond3A_267 {
        %dma_wait3A_268 = arith.constant 2 : i32
        %dma_wait3A_269 = arith.constant 0 : i32
        %dma_wait3A_270 = arith.constant 0 : i32
        %dma_wait3A_271 = tpu.memref_slice %arg9[%dma_wait3A_268, %dma_wait3A_269, %dma_wait3A_270] : memref<4x128x64xf32, #tpu.memory_space<vmem>> -> memref<1x128x64xf32, #tpu.memory_space<vmem>>
        %dma_wait3A_272 = tpu.memref_squeeze %dma_wait3A_271 : memref<1x128x64xf32, #tpu.memory_space<vmem>> -> memref<128x64xf32, #tpu.memory_space<vmem>>
        %dma_wait3A_273 = arith.constant 0 : i32
        %dma_wait3A_274 = tpu.memref_slice %arg8[%sub3A_262, %dma_wait3A_273] : memref<160x128xi32, #tpu.memory_space<vmem>> -> memref<1x128xi32, #tpu.memory_space<vmem>>
        %dma_wait3A_275 = tpu.memref_squeeze %dma_wait3A_274 : memref<1x128xi32, #tpu.memory_space<vmem>> -> memref<128xi32, #tpu.memory_space<vmem>>
        %dma_wait3A_276 = arith.constant 0 : i32
        %dma_wait3A_277 = arith.constant 0 : i32
        %dma_wait3A_278 = tpu.memref_slice %arg10[%dma_wait3A_276, %dma_wait3A_277] : memref<10240x64xf32, #tpu.memory_space<vmem_shared>> -> memref<10240x64xf32, #tpu.memory_space<vmem_shared>>
        tpu.wait_indirect_dma semaphore(%arg14 : memref<!tpu.dma_semaphore, #tpu.memory_space<semaphore_mem>>) src(%dma_wait3A_272 : memref<128x64xf32, #tpu.memory_space<vmem>>) dst(%dma_wait3A_278 : memref<10240x64xf32, #tpu.memory_space<vmem_shared>>)
        %add3A_279 = arith.constant 4 : i32
        %add3A_280 = arith.addi %sub3A_262, %add3A_279 : i32
        %dma_start3A_281 = arith.constant 2 : i32
        %dma_start3A_282 = arith.constant 0 : i32
        %dma_start3A_283 = arith.constant 0 : i32
        %dma_start3A_284 = tpu.memref_slice %arg9[%dma_start3A_281, %dma_start3A_282, %dma_start3A_283] : memref<4x128x64xf32, #tpu.memory_space<vmem>> -> memref<1x128x64xf32, #tpu.memory_space<vmem>>
        %dma_start3A_285 = tpu.memref_squeeze %dma_start3A_284 : memref<1x128x64xf32, #tpu.memory_space<vmem>> -> memref<128x64xf32, #tpu.memory_space<vmem>>
        %dma_start3A_286 = arith.constant 0 : i32
        %dma_start3A_287 = tpu.memref_slice %arg7[%add3A_280, %dma_start3A_286] : memref<160x128xi32, #tpu.memory_space<vmem>> -> memref<1x128xi32, #tpu.memory_space<vmem>>
        %dma_start3A_288 = tpu.memref_squeeze %dma_start3A_287 : memref<1x128xi32, #tpu.memory_space<vmem>> -> memref<128xi32, #tpu.memory_space<vmem>>
        %dma_start3A_289 = arith.constant 0 : i32
        %dma_start3A_290 = arith.constant 0 : i32
        %dma_start3A_291 = tpu.memref_slice %arg2[%dma_start3A_289, %dma_start3A_290] : memref<20000x64xf32, #tpu.memory_space<hbm>> -> memref<20000x64xf32, #tpu.memory_space<hbm>>
        tpu.enqueue_indirect_dma source(%dma_start3A_291 : memref<20000x64xf32, #tpu.memory_space<hbm>>) target(%dma_start3A_285 : memref<128x64xf32, #tpu.memory_space<vmem>>) offsets(%dma_start3A_288 : memref<128xi32, #tpu.memory_space<vmem>>) semaphore(%arg11 : memref<!tpu.dma_semaphore, #tpu.memory_space<semaphore_mem>>)
      } else {
      }
    }
    %scan3A_87 = arith.constant 40 : i32
    %dma_wait3A_88 = arith.constant 0 : i32
    %dma_wait3A_89 = arith.constant 159 : i32
    %dma_wait3A_90 = arith.constant 0 : i32
    %dma_wait3A_91 = arith.constant 0 : i32
    %dma_wait3A_92 = tpu.memref_slice %arg9[%dma_wait3A_88, %dma_wait3A_90, %dma_wait3A_91] : memref<4x128x64xf32, #tpu.memory_space<vmem>> -> memref<1x128x64xf32, #tpu.memory_space<vmem>>
    %dma_wait3A_93 = tpu.memref_squeeze %dma_wait3A_92 : memref<1x128x64xf32, #tpu.memory_space<vmem>> -> memref<128x64xf32, #tpu.memory_space<vmem>>
    %dma_wait3A_94 = arith.constant 0 : i32
    %dma_wait3A_95 = tpu.memref_slice %arg8[%dma_wait3A_89, %dma_wait3A_94] : memref<160x128xi32, #tpu.memory_space<vmem>> -> memref<1x128xi32, #tpu.memory_space<vmem>>
    %dma_wait3A_96 = tpu.memref_squeeze %dma_wait3A_95 : memref<1x128xi32, #tpu.memory_space<vmem>> -> memref<128xi32, #tpu.memory_space<vmem>>
    %dma_wait3A_97 = arith.constant 0 : i32
    %dma_wait3A_98 = arith.constant 0 : i32
    %dma_wait3A_99 = tpu.memref_slice %arg10[%dma_wait3A_97, %dma_wait3A_98] : memref<10240x64xf32, #tpu.memory_space<vmem_shared>> -> memref<10240x64xf32, #tpu.memory_space<vmem_shared>>
    tpu.wait_indirect_dma semaphore(%arg12 : memref<!tpu.dma_semaphore, #tpu.memory_space<semaphore_mem>>) src(%dma_wait3A_93 : memref<128x64xf32, #tpu.memory_space<vmem>>) dst(%dma_wait3A_99 : memref<10240x64xf32, #tpu.memory_space<vmem_shared>>)
    %dma_wait3A_100 = arith.constant 1 : i32
    %dma_wait3A_101 = arith.constant 159 : i32
    %dma_wait3A_102 = arith.constant 0 : i32
    %dma_wait3A_103 = arith.constant 0 : i32
    %dma_wait3A_104 = tpu.memref_slice %arg9[%dma_wait3A_100, %dma_wait3A_102, %dma_wait3A_103] : memref<4x128x64xf32, #tpu.memory_space<vmem>> -> memref<1x128x64xf32, #tpu.memory_space<vmem>>
    %dma_wait3A_105 = tpu.memref_squeeze %dma_wait3A_104 : memref<1x128x64xf32, #tpu.memory_space<vmem>> -> memref<128x64xf32, #tpu.memory_space<vmem>>
    %dma_wait3A_106 = arith.constant 0 : i32
    %dma_wait3A_107 = tpu.memref_slice %arg8[%dma_wait3A_101, %dma_wait3A_106] : memref<160x128xi32, #tpu.memory_space<vmem>> -> memref<1x128xi32, #tpu.memory_space<vmem>>
    %dma_wait3A_108 = tpu.memref_squeeze %dma_wait3A_107 : memref<1x128xi32, #tpu.memory_space<vmem>> -> memref<128xi32, #tpu.memory_space<vmem>>
    %dma_wait3A_109 = arith.constant 0 : i32
    %dma_wait3A_110 = arith.constant 0 : i32
    %dma_wait3A_111 = tpu.memref_slice %arg10[%dma_wait3A_109, %dma_wait3A_110] : memref<10240x64xf32, #tpu.memory_space<vmem_shared>> -> memref<10240x64xf32, #tpu.memory_space<vmem_shared>>
    tpu.wait_indirect_dma semaphore(%arg13 : memref<!tpu.dma_semaphore, #tpu.memory_space<semaphore_mem>>) src(%dma_wait3A_105 : memref<128x64xf32, #tpu.memory_space<vmem>>) dst(%dma_wait3A_111 : memref<10240x64xf32, #tpu.memory_space<vmem_shared>>)
    %dma_wait3A_112 = arith.constant 2 : i32
    %dma_wait3A_113 = arith.constant 159 : i32
    %dma_wait3A_114 = arith.constant 0 : i32
    %dma_wait3A_115 = arith.constant 0 : i32
    %dma_wait3A_116 = tpu.memref_slice %arg9[%dma_wait3A_112, %dma_wait3A_114, %dma_wait3A_115] : memref<4x128x64xf32, #tpu.memory_space<vmem>> -> memref<1x128x64xf32, #tpu.memory_space<vmem>>
    %dma_wait3A_117 = tpu.memref_squeeze %dma_wait3A_116 : memref<1x128x64xf32, #tpu.memory_space<vmem>> -> memref<128x64xf32, #tpu.memory_space<vmem>>
    %dma_wait3A_118 = arith.constant 0 : i32
    %dma_wait3A_119 = tpu.memref_slice %arg8[%dma_wait3A_113, %dma_wait3A_118] : memref<160x128xi32, #tpu.memory_space<vmem>> -> memref<1x128xi32, #tpu.memory_space<vmem>>
    %dma_wait3A_120 = tpu.memref_squeeze %dma_wait3A_119 : memref<1x128xi32, #tpu.memory_space<vmem>> -> memref<128xi32, #tpu.memory_space<vmem>>
    %dma_wait3A_121 = arith.constant 0 : i32
    %dma_wait3A_122 = arith.constant 0 : i32
    %dma_wait3A_123 = tpu.memref_slice %arg10[%dma_wait3A_121, %dma_wait3A_122] : memref<10240x64xf32, #tpu.memory_space<vmem_shared>> -> memref<10240x64xf32, #tpu.memory_space<vmem_shared>>
    tpu.wait_indirect_dma semaphore(%arg14 : memref<!tpu.dma_semaphore, #tpu.memory_space<semaphore_mem>>) src(%dma_wait3A_117 : memref<128x64xf32, #tpu.memory_space<vmem>>) dst(%dma_wait3A_123 : memref<10240x64xf32, #tpu.memory_space<vmem_shared>>)
    %dma_wait3A_124 = arith.constant 3 : i32
    %dma_wait3A_125 = arith.constant 159 : i32
    %dma_wait3A_126 = arith.constant 0 : i32
    %dma_wait3A_127 = arith.constant 0 : i32
    %dma_wait3A_128 = tpu.memref_slice %arg9[%dma_wait3A_124, %dma_wait3A_126, %dma_wait3A_127] : memref<4x128x64xf32, #tpu.memory_space<vmem>> -> memref<1x128x64xf32, #tpu.memory_space<vmem>>
    %dma_wait3A_129 = tpu.memref_squeeze %dma_wait3A_128 : memref<1x128x64xf32, #tpu.memory_space<vmem>> -> memref<128x64xf32, #tpu.memory_space<vmem>>
    %dma_wait3A_130 = arith.constant 0 : i32
    %dma_wait3A_131 = tpu.memref_slice %arg8[%dma_wait3A_125, %dma_wait3A_130] : memref<160x128xi32, #tpu.memory_space<vmem>> -> memref<1x128xi32, #tpu.memory_space<vmem>>
    %dma_wait3A_132 = tpu.memref_squeeze %dma_wait3A_131 : memref<1x128xi32, #tpu.memory_space<vmem>> -> memref<128xi32, #tpu.memory_space<vmem>>
    %dma_wait3A_133 = arith.constant 0 : i32
    %dma_wait3A_134 = arith.constant 0 : i32
    %dma_wait3A_135 = tpu.memref_slice %arg10[%dma_wait3A_133, %dma_wait3A_134] : memref<10240x64xf32, #tpu.memory_space<vmem_shared>> -> memref<10240x64xf32, #tpu.memory_space<vmem_shared>>
    tpu.wait_indirect_dma semaphore(%arg15 : memref<!tpu.dma_semaphore, #tpu.memory_space<semaphore_mem>>) src(%dma_wait3A_129 : memref<128x64xf32, #tpu.memory_space<vmem>>) dst(%dma_wait3A_135 : memref<10240x64xf32, #tpu.memory_space<vmem_shared>>)
    %barrier3A_136 = arith.constant 0 : index
    tpu.barrier barrier_id(%barrier3A_136)
    %mul3A_137 = arith.constant 640 : i32
    %mul3A_138 = arith.muli %arg1, %mul3A_137 : i32
    %mul3A_139 = arith.constant 640 : i32
    %mul3A_140 = arith.muli %arg1, %mul3A_139 : i32
    "tpu.region"() ({
      %run_scoped3A = tpu.sem_alloc : memref<!tpu.dma_semaphore, #tpu.memory_space<semaphore_mem>>
      %dma_start3A_141 = arith.constant 0 : i32
      %dma_start3A_142 = tpu.memref_slice %arg6[%arg0, %mul3A_140, %dma_start3A_141] : memref<2x10240x64xf32, #tpu.memory_space<hbm>> -> memref<1x640x64xf32, #tpu.memory_space<hbm>>
      %dma_start3A_143 = tpu.memref_squeeze %dma_start3A_142 : memref<1x640x64xf32, #tpu.memory_space<hbm>> -> memref<640x64xf32, #tpu.memory_space<hbm>>
      %dma_start3A_144 = arith.constant 0 : i32
      %dma_start3A_145 = tpu.memref_slice %arg10[%mul3A_138, %dma_start3A_144] : memref<10240x64xf32, #tpu.memory_space<vmem_shared>> -> memref<640x64xf32, #tpu.memory_space<vmem_shared>>
      tpu.enqueue_dma source(%dma_start3A_145 : memref<640x64xf32, #tpu.memory_space<vmem_shared>>) target(%dma_start3A_143 : memref<640x64xf32, #tpu.memory_space<hbm>>) target_semaphore(%run_scoped3A : memref<!tpu.dma_semaphore, #tpu.memory_space<semaphore_mem>>)
      %dma_wait3A_146 = arith.constant 0 : i32
      %dma_wait3A_147 = tpu.memref_slice %arg6[%arg0, %mul3A_140, %dma_wait3A_146] : memref<2x10240x64xf32, #tpu.memory_space<hbm>> -> memref<1x640x64xf32, #tpu.memory_space<hbm>>
      %dma_wait3A_148 = tpu.memref_squeeze %dma_wait3A_147 : memref<1x640x64xf32, #tpu.memory_space<hbm>> -> memref<640x64xf32, #tpu.memory_space<hbm>>
      %dma_wait3A_149 = arith.constant 0 : i32
      %dma_wait3A_150 = tpu.memref_slice %arg10[%mul3A_138, %dma_wait3A_149] : memref<10240x64xf32, #tpu.memory_space<vmem_shared>> -> memref<640x64xf32, #tpu.memory_space<vmem_shared>>
      tpu.wait_dma2 semaphore(%run_scoped3A : memref<!tpu.dma_semaphore, #tpu.memory_space<semaphore_mem>>) src(%dma_wait3A_150 : memref<640x64xf32, #tpu.memory_space<vmem_shared>>) dst(%dma_wait3A_148 : memref<640x64xf32, #tpu.memory_space<hbm>>)
      tpu.yield
    }) : () -> ()
    return
  }
}

module attributes {stable_mosaic.version = 14 : i64} {
  func.func @_stage1a_body(%arg0: i32, %arg1: memref<1000x128xf32, #tpu.memory_space<vmem>>, %arg2: memref<128x128xf32, #tpu.memory_space<vmem>>, %arg3: memref<1000x128xf32, #tpu.memory_space<vmem>>) attributes {dimension_semantics = [#tpu.dimension_semantics<arbitrary>], iteration_bounds = array<i64: 10>, scalar_prefetch = 0 : i64, scratch_operands = 0 : i64, tpu.core_type = #tpu.core_type<tc>, window_params = [{transform_indices = @transform_0, window_bounds = array<i64: 1000, 128>}, {pipeline_mode = #tpu.pipeline_mode<synchronous>, transform_indices = @transform_1, window_bounds = array<i64: 128, 128>}, {transform_indices = @transform_2, window_bounds = array<i64: 1000, 128>}]} {
    %get3A = arith.constant 0 : index
    %get3A_0 = arith.constant 0 : index
    %get3A_1 = vector.load %arg1[%get3A, %get3A_0] : memref<1000x128xf32, #tpu.memory_space<vmem>>, vector<1000x128xf32>
    %get3A_2 = arith.constant 0 : index
    %get3A_3 = arith.constant 0 : index
    %get3A_4 = vector.load %arg2[%get3A_2, %get3A_3] : memref<128x128xf32, #tpu.memory_space<vmem>>, vector<128x128xf32>
    %dot_general3A = arith.constant dense<0.000000e+00> : vector<1000x128xf32>
    %dot_general3A_5 = tpu.matmul %get3A_1, %get3A_4, %dot_general3A {dimension_numbers = #tpu.dot_dimension_numbers<[1], [0], [0], [1], [0, 0, 1, 1], [], []>, transpose_lhs_hint = false} : vector<1000x128xf32>, vector<128x128xf32>, vector<1000x128xf32> -> vector<1000x128xf32>
    %swap3A = arith.constant 0 : index
    %swap3A_6 = arith.constant 0 : index
    %swap3A_7 = vector.load %arg3[%swap3A, %swap3A_6] : memref<1000x128xf32, #tpu.memory_space<vmem>>, vector<1000x128xf32>
    tpu.vector_store %arg3[%swap3A, %swap3A_6], %dot_general3A_5 {strides = array<i32>} : memref<1000x128xf32, #tpu.memory_space<vmem>>, vector<1000x128xf32>,
    return
  }
  func.func @transform_0(%arg0: i32) -> (i32, i32) {
    %c0_i32 = arith.constant 0 : i32
    %c0_i32_0 = arith.constant 0 : i32
    return %arg0, %c0_i32 : i32, i32
  }
  func.func @transform_1(%arg0: i32) -> (i32, i32) {
    %c0_i32 = arith.constant 0 : i32
    %c0_i32_0 = arith.constant 0 : i32
    %c0_i32_1 = arith.constant 0 : i32
    return %c0_i32, %c0_i32_0 : i32, i32
  }
  func.func @transform_2(%arg0: i32) -> (i32, i32) {
    %c0_i32 = arith.constant 0 : i32
    %c0_i32_0 = arith.constant 0 : i32
    return %arg0, %c0_i32 : i32, i32
  }
}

module attributes {stable_mosaic.version = 14 : i64} {
  func.func @_stage1b_body(%arg0: i32, %arg1: memref<1000x128xf32, #tpu.memory_space<vmem>>, %arg2: memref<2x1000x16xf32, #tpu.memory_space<vmem>>, %arg3: memref<2x1000x64xf32, #tpu.memory_space<vmem>>) attributes {dimension_semantics = [#tpu.dimension_semantics<arbitrary>], iteration_bounds = array<i64: 10>, scalar_prefetch = 0 : i64, scratch_operands = 0 : i64, tpu.core_type = #tpu.core_type<tc>, window_params = [{transform_indices = @transform_0, window_bounds = array<i64: 1000, 128>}, {transform_indices = @transform_1, window_bounds = array<i64: 2, 1000, 16>}, {transform_indices = @transform_2, window_bounds = array<i64: 2, 1000, 64>}]} {
    %get3A = arith.constant 0 : index
    %get3A_0 = arith.constant 0 : index
    %get3A_1 = arith.constant 0 : index
    %get3A_2 = vector.load %arg2[%get3A, %get3A_0, %get3A_1] : memref<2x1000x16xf32, #tpu.memory_space<vmem>>, vector<1x1000x1xf32>
    %get3A_3 = vector.shape_cast %get3A_2 : vector<1x1000x1xf32> to vector<1000x1xf32>
    %get3A_4 = arith.constant 1 : index
    %get3A_5 = arith.constant 0 : index
    %get3A_6 = arith.constant 0 : index
    %get3A_7 = vector.load %arg2[%get3A_4, %get3A_5, %get3A_6] : memref<2x1000x16xf32, #tpu.memory_space<vmem>>, vector<1x1000x1xf32>
    %get3A_8 = vector.shape_cast %get3A_7 : vector<1x1000x1xf32> to vector<1000x1xf32>
    %add3A = arith.addf %get3A_3, %get3A_8 : vector<1000x1xf32>
    %add3A_9 = arith.constant 1.000000e+00 : f32
    %add3A_10 = vector.broadcast %add3A_9 : f32 to vector<1000x1xf32>
    %add3A_11 = arith.addf %add3A, %add3A_10 : vector<1000x1xf32>
    %rsqrt3A = math.rsqrt %add3A_11 : vector<1000x1xf32>
    %get3A_12 = arith.constant 0 : index
    %get3A_13 = arith.constant 0 : index
    %get3A_14 = vector.load %arg1[%get3A_12, %get3A_13] : memref<1000x128xf32, #tpu.memory_space<vmem>>, vector<1000x128xf32>
    %mul3A = vector.broadcast %rsqrt3A : vector<1000x1xf32> to vector<1000x128xf32>
    %mul3A_15 = arith.mulf %get3A_14, %mul3A : vector<1000x128xf32>
    %slice3A = vector.extract_strided_slice %mul3A_15 {offsets = [0, 0], sizes = [1000, 64], strides = [1, 1]} : vector<1000x128xf32> to vector<1000x64xf32>
    %swap3A = arith.constant 0 : index
    %swap3A_16 = arith.constant 0 : index
    %swap3A_17 = arith.constant 0 : index
    %swap3A_18 = vector.load %arg3[%swap3A, %swap3A_16, %swap3A_17] : memref<2x1000x64xf32, #tpu.memory_space<vmem>>, vector<1x1000x64xf32>
    %swap3A_19 = vector.shape_cast %swap3A_18 : vector<1x1000x64xf32> to vector<1000x64xf32>
    %swap3A_20 = vector.shape_cast %slice3A : vector<1000x64xf32> to vector<1x1000x64xf32>
    tpu.vector_store %arg3[%swap3A, %swap3A_16, %swap3A_17], %swap3A_20 {strides = array<i32>} : memref<2x1000x64xf32, #tpu.memory_space<vmem>>, vector<1x1000x64xf32>,
    %slice3A_21 = vector.extract_strided_slice %mul3A_15 {offsets = [0, 64], sizes = [1000, 64], strides = [1, 1]} : vector<1000x128xf32> to vector<1000x64xf32>
    %swap3A_22 = arith.constant 1 : index
    %swap3A_23 = arith.constant 0 : index
    %swap3A_24 = arith.constant 0 : index
    %swap3A_25 = vector.load %arg3[%swap3A_22, %swap3A_23, %swap3A_24] : memref<2x1000x64xf32, #tpu.memory_space<vmem>>, vector<1x1000x64xf32>
    %swap3A_26 = vector.shape_cast %swap3A_25 : vector<1x1000x64xf32> to vector<1000x64xf32>
    %swap3A_27 = vector.shape_cast %slice3A_21 : vector<1000x64xf32> to vector<1x1000x64xf32>
    tpu.vector_store %arg3[%swap3A_22, %swap3A_23, %swap3A_24], %swap3A_27 {strides = array<i32>} : memref<2x1000x64xf32, #tpu.memory_space<vmem>>, vector<1x1000x64xf32>,
    return
  }
  func.func @transform_0(%arg0: i32) -> (i32, i32) {
    %c0_i32 = arith.constant 0 : i32
    %c0_i32_0 = arith.constant 0 : i32
    return %arg0, %c0_i32 : i32, i32
  }
  func.func @transform_1(%arg0: i32) -> (i32, i32, i32) {
    %c0_i32 = arith.constant 0 : i32
    %c0_i32_0 = arith.constant 0 : i32
    %c0_i32_1 = arith.constant 0 : i32
    return %c0_i32, %arg0, %c0_i32_0 : i32, i32, i32
  }
  func.func @transform_2(%arg0: i32) -> (i32, i32, i32) {
    %c0_i32 = arith.constant 0 : i32
    %c0_i32_0 = arith.constant 0 : i32
    %c0_i32_1 = arith.constant 0 : i32
    return %c0_i32, %arg0, %c0_i32_0 : i32, i32, i32
  }
}

module attributes {stable_mosaic.version = 14 : i64} {
  func.func @_stage2_body(%arg0: i32, %arg1: memref<2x1000x64xf32, #tpu.memory_space<vmem>>, %arg2: memref<2x1000x64xf32, #tpu.memory_space<vmem>>, %arg3: memref<2x1000x16xf32, #tpu.memory_space<vmem>>, %arg4: memref<128x128xf32, #tpu.memory_space<vmem>>, %arg5: memref<1x128xf32, #tpu.memory_space<vmem>>, %arg6: memref<2x1000x64xf32, #tpu.memory_space<vmem>>) attributes {dimension_semantics = [#tpu.dimension_semantics<arbitrary>], iteration_bounds = array<i64: 10>, scalar_prefetch = 0 : i64, scratch_operands = 0 : i64, tpu.core_type = #tpu.core_type<tc>, window_params = [{transform_indices = @transform_0, window_bounds = array<i64: 2, 1000, 64>}, {transform_indices = @transform_1, window_bounds = array<i64: 2, 1000, 64>}, {transform_indices = @transform_2, window_bounds = array<i64: 2, 1000, 16>}, {pipeline_mode = #tpu.pipeline_mode<synchronous>, transform_indices = @transform_3, window_bounds = array<i64: 128, 128>}, {pipeline_mode = #tpu.pipeline_mode<synchronous>, transform_indices = @transform_4, window_bounds = array<i64: 1, 128>}, {transform_indices = @transform_5, window_bounds = array<i64: 2, 1000, 64>}]} {
    %get3A = arith.constant 0 : index
    %get3A_0 = arith.constant 0 : index
    %get3A_1 = arith.constant 0 : index
    %get3A_2 = vector.load %arg3[%get3A, %get3A_0, %get3A_1] : memref<2x1000x16xf32, #tpu.memory_space<vmem>>, vector<1x1000x1xf32>
    %get3A_3 = vector.shape_cast %get3A_2 : vector<1x1000x1xf32> to vector<1000x1xf32>
    %get3A_4 = arith.constant 1 : index
    %get3A_5 = arith.constant 0 : index
    %get3A_6 = arith.constant 0 : index
    %get3A_7 = vector.load %arg3[%get3A_4, %get3A_5, %get3A_6] : memref<2x1000x16xf32, #tpu.memory_space<vmem>>, vector<1x1000x1xf32>
    %get3A_8 = vector.shape_cast %get3A_7 : vector<1x1000x1xf32> to vector<1000x1xf32>
    %add3A = arith.addf %get3A_3, %get3A_8 : vector<1000x1xf32>
    %add3A_9 = arith.constant 1.000000e+00 : f32
    %add3A_10 = vector.broadcast %add3A_9 : f32 to vector<1000x1xf32>
    %add3A_11 = arith.addf %add3A, %add3A_10 : vector<1000x1xf32>
    %rsqrt3A = math.rsqrt %add3A_11 : vector<1000x1xf32>
    %get3A_12 = arith.constant 0 : index
    %get3A_13 = arith.constant 0 : index
    %get3A_14 = arith.constant 0 : index
    %get3A_15 = vector.load %arg1[%get3A_12, %get3A_13, %get3A_14] : memref<2x1000x64xf32, #tpu.memory_space<vmem>>, vector<1x1000x64xf32>
    %get3A_16 = vector.shape_cast %get3A_15 : vector<1x1000x64xf32> to vector<1000x64xf32>
    %get3A_17 = arith.constant 1 : index
    %get3A_18 = arith.constant 0 : index
    %get3A_19 = arith.constant 0 : index
    %get3A_20 = vector.load %arg1[%get3A_17, %get3A_18, %get3A_19] : memref<2x1000x64xf32, #tpu.memory_space<vmem>>, vector<1x1000x64xf32>
    %get3A_21 = vector.shape_cast %get3A_20 : vector<1x1000x64xf32> to vector<1000x64xf32>
    %concatenate3A = tpu.concatenate %get3A_16, %get3A_21 in 1 : vector<1000x64xf32>, vector<1000x64xf32> -> vector<1000x128xf32>
    %get3A_22 = arith.constant 0 : index
    %get3A_23 = arith.constant 0 : index
    %get3A_24 = arith.constant 0 : index
    %get3A_25 = vector.load %arg2[%get3A_22, %get3A_23, %get3A_24] : memref<2x1000x64xf32, #tpu.memory_space<vmem>>, vector<1x1000x64xf32>
    %get3A_26 = vector.shape_cast %get3A_25 : vector<1x1000x64xf32> to vector<1000x64xf32>
    %get3A_27 = arith.constant 1 : index
    %get3A_28 = arith.constant 0 : index
    %get3A_29 = arith.constant 0 : index
    %get3A_30 = vector.load %arg2[%get3A_27, %get3A_28, %get3A_29] : memref<2x1000x64xf32, #tpu.memory_space<vmem>>, vector<1x1000x64xf32>
    %get3A_31 = vector.shape_cast %get3A_30 : vector<1x1000x64xf32> to vector<1000x64xf32>
    %concatenate3A_32 = tpu.concatenate %get3A_26, %get3A_31 in 1 : vector<1000x64xf32>, vector<1000x64xf32> -> vector<1000x128xf32>
    %add3A_33 = arith.addf %concatenate3A, %concatenate3A_32 : vector<1000x128xf32>
    %mul3A = vector.broadcast %rsqrt3A : vector<1000x1xf32> to vector<1000x128xf32>
    %mul3A_34 = arith.mulf %mul3A, %add3A_33 : vector<1000x128xf32>
    %get3A_35 = arith.constant 0 : index
    %get3A_36 = arith.constant 0 : index
    %get3A_37 = vector.load %arg5[%get3A_35, %get3A_36] : memref<1x128xf32, #tpu.memory_space<vmem>>, vector<1x128xf32>
    %add3A_38 = vector.broadcast %get3A_37 : vector<1x128xf32> to vector<1000x128xf32>
    %add3A_39 = arith.addf %mul3A_34, %add3A_38 : vector<1000x128xf32>
    %max3A = arith.constant 0.000000e+00 : f32
    %max3A_40 = vector.broadcast %max3A : f32 to vector<1000x128xf32>
    %max3A_41 = arith.maximumf %add3A_39, %max3A_40 : vector<1000x128xf32>
    %get3A_42 = arith.constant 0 : index
    %get3A_43 = arith.constant 0 : index
    %get3A_44 = vector.load %arg4[%get3A_42, %get3A_43] : memref<128x128xf32, #tpu.memory_space<vmem>>, vector<128x128xf32>
    %dot_general3A = arith.constant dense<0.000000e+00> : vector<1000x128xf32>
    %dot_general3A_45 = tpu.matmul %max3A_41, %get3A_44, %dot_general3A {dimension_numbers = #tpu.dot_dimension_numbers<[1], [0], [0], [1], [0, 0, 1, 1], [], []>, transpose_lhs_hint = false} : vector<1000x128xf32>, vector<128x128xf32>, vector<1000x128xf32> -> vector<1000x128xf32>
    %mul3A_46 = vector.broadcast %rsqrt3A : vector<1000x1xf32> to vector<1000x128xf32>
    %mul3A_47 = arith.mulf %dot_general3A_45, %mul3A_46 : vector<1000x128xf32>
    %slice3A = vector.extract_strided_slice %mul3A_47 {offsets = [0, 0], sizes = [1000, 64], strides = [1, 1]} : vector<1000x128xf32> to vector<1000x64xf32>
    %swap3A = arith.constant 0 : index
    %swap3A_48 = arith.constant 0 : index
    %swap3A_49 = arith.constant 0 : index
    %swap3A_50 = vector.load %arg6[%swap3A, %swap3A_48, %swap3A_49] : memref<2x1000x64xf32, #tpu.memory_space<vmem>>, vector<1x1000x64xf32>
    %swap3A_51 = vector.shape_cast %swap3A_50 : vector<1x1000x64xf32> to vector<1000x64xf32>
    %swap3A_52 = vector.shape_cast %slice3A : vector<1000x64xf32> to vector<1x1000x64xf32>
    tpu.vector_store %arg6[%swap3A, %swap3A_48, %swap3A_49], %swap3A_52 {strides = array<i32>} : memref<2x1000x64xf32, #tpu.memory_space<vmem>>, vector<1x1000x64xf32>,
    %slice3A_53 = vector.extract_strided_slice %mul3A_47 {offsets = [0, 64], sizes = [1000, 64], strides = [1, 1]} : vector<1000x128xf32> to vector<1000x64xf32>
    %swap3A_54 = arith.constant 1 : index
    %swap3A_55 = arith.constant 0 : index
    %swap3A_56 = arith.constant 0 : index
    %swap3A_57 = vector.load %arg6[%swap3A_54, %swap3A_55, %swap3A_56] : memref<2x1000x64xf32, #tpu.memory_space<vmem>>, vector<1x1000x64xf32>
    %swap3A_58 = vector.shape_cast %swap3A_57 : vector<1x1000x64xf32> to vector<1000x64xf32>
    %swap3A_59 = vector.shape_cast %slice3A_53 : vector<1000x64xf32> to vector<1x1000x64xf32>
    tpu.vector_store %arg6[%swap3A_54, %swap3A_55, %swap3A_56], %swap3A_59 {strides = array<i32>} : memref<2x1000x64xf32, #tpu.memory_space<vmem>>, vector<1x1000x64xf32>,
    return
  }
  func.func @transform_0(%arg0: i32) -> (i32, i32, i32) {
    %c0_i32 = arith.constant 0 : i32
    %c0_i32_0 = arith.constant 0 : i32
    %c0_i32_1 = arith.constant 0 : i32
    return %c0_i32, %arg0, %c0_i32_0 : i32, i32, i32
  }
  func.func @transform_1(%arg0: i32) -> (i32, i32, i32) {
    %c0_i32 = arith.constant 0 : i32
    %c0_i32_0 = arith.constant 0 : i32
    %c0_i32_1 = arith.constant 0 : i32
    return %c0_i32, %arg0, %c0_i32_0 : i32, i32, i32
  }
  func.func @transform_2(%arg0: i32) -> (i32, i32, i32) {
    %c0_i32 = arith.constant 0 : i32
    %c0_i32_0 = arith.constant 0 : i32
    %c0_i32_1 = arith.constant 0 : i32
    return %c0_i32, %arg0, %c0_i32_0 : i32, i32, i32
  }
  func.func @transform_3(%arg0: i32) -> (i32, i32) {
    %c0_i32 = arith.constant 0 : i32
    %c0_i32_0 = arith.constant 0 : i32
    %c0_i32_1 = arith.constant 0 : i32
    return %c0_i32, %c0_i32_0 : i32, i32
  }
  func.func @transform_4(%arg0: i32) -> (i32, i32) {
    %c0_i32 = arith.constant 0 : i32
    %c0_i32_0 = arith.constant 0 : i32
    %c0_i32_1 = arith.constant 0 : i32
    return %c0_i32, %c0_i32_0 : i32, i32
  }
  func.func @transform_5(%arg0: i32) -> (i32, i32, i32) {
    %c0_i32 = arith.constant 0 : i32
    %c0_i32_0 = arith.constant 0 : i32
    %c0_i32_1 = arith.constant 0 : i32
    return %c0_i32, %arg0, %c0_i32_0 : i32, i32, i32
  }
}

module attributes {stable_mosaic.version = 14 : i64} {
  func.func @_stage3_body(%arg0: i32, %arg1: memref<2x1000x64xf32, #tpu.memory_space<vmem>>, %arg2: memref<2x1000x64xf32, #tpu.memory_space<vmem>>, %arg3: memref<2x1000x16xf32, #tpu.memory_space<vmem>>, %arg4: memref<1x128xf32, #tpu.memory_space<vmem>>, %arg5: memref<1x1x1000xi32, #tpu.memory_space<vmem>>, %arg6: memref<128x10xf32, #tpu.memory_space<vmem>>, %arg7: memref<1x10xf32, #tpu.memory_space<vmem>>, %arg8: memref<256x10xf32, #tpu.memory_space<vmem>>, %arg9: memref<256x128xf32, #tpu.memory_space<vmem>>, %arg10: memref<256x128xf32, #tpu.memory_space<vmem>>) attributes {dimension_semantics = [#tpu.dimension_semantics<arbitrary>], iteration_bounds = array<i64: 10>, scalar_prefetch = 0 : i64, scratch_operands = 2 : i64, tpu.core_type = #tpu.core_type<tc>, window_params = [{transform_indices = @transform_0, window_bounds = array<i64: 2, 1000, 64>}, {transform_indices = @transform_1, window_bounds = array<i64: 2, 1000, 64>}, {transform_indices = @transform_2, window_bounds = array<i64: 2, 1000, 16>}, {pipeline_mode = #tpu.pipeline_mode<synchronous>, transform_indices = @transform_3, window_bounds = array<i64: 1, 128>}, {transform_indices = @transform_4, window_bounds = array<i64: 1, 1, 1000>}, {pipeline_mode = #tpu.pipeline_mode<synchronous>, transform_indices = @transform_5, window_bounds = array<i64: 128, 10>}, {pipeline_mode = #tpu.pipeline_mode<synchronous>, transform_indices = @transform_6, window_bounds = array<i64: 1, 10>}, {pipeline_mode = #tpu.pipeline_mode<synchronous>, transform_indices = @transform_7, window_bounds = array<i64: 256, 10>}]} {
    %eq3A = arith.constant 0 : i32
    %eq3A_0 = arith.cmpi eq, %arg0, %eq3A : i32
    %convert_element_type3A = arith.extui %eq3A_0 : i1 to i32
    %cond3A = arith.constant 0 : i32
    %cond3A_1 = arith.cmpi ne, %convert_element_type3A, %cond3A : i32
    scf.if %cond3A_1 {
      %broadcast_in_dim3A_75 = arith.constant 0.000000e+00 : f32
      %broadcast_in_dim3A_76 = vector.broadcast %broadcast_in_dim3A_75 : f32 to vector<256x128xf32>
      %swap3A_77 = arith.constant 0 : index
      %swap3A_78 = arith.constant 0 : index
      %swap3A_79 = vector.load %arg9[%swap3A_77, %swap3A_78] : memref<256x128xf32, #tpu.memory_space<vmem>>, vector<256x128xf32>
      tpu.vector_store %arg9[%swap3A_77, %swap3A_78], %broadcast_in_dim3A_76 {strides = array<i32>} : memref<256x128xf32, #tpu.memory_space<vmem>>, vector<256x128xf32>,
      %broadcast_in_dim3A_80 = arith.constant 0.000000e+00 : f32
      %broadcast_in_dim3A_81 = vector.broadcast %broadcast_in_dim3A_80 : f32 to vector<256x128xf32>
      %swap3A_82 = arith.constant 0 : index
      %swap3A_83 = arith.constant 0 : index
      %swap3A_84 = vector.load %arg10[%swap3A_82, %swap3A_83] : memref<256x128xf32, #tpu.memory_space<vmem>>, vector<256x128xf32>
      tpu.vector_store %arg10[%swap3A_82, %swap3A_83], %broadcast_in_dim3A_81 {strides = array<i32>} : memref<256x128xf32, #tpu.memory_space<vmem>>, vector<256x128xf32>,
    } else {
    }
    %get3A = arith.constant 0 : index
    %get3A_2 = arith.constant 0 : index
    %get3A_3 = arith.constant 0 : index
    %get3A_4 = vector.load %arg3[%get3A, %get3A_2, %get3A_3] : memref<2x1000x16xf32, #tpu.memory_space<vmem>>, vector<1x1000x1xf32>
    %get3A_5 = vector.shape_cast %get3A_4 : vector<1x1000x1xf32> to vector<1000x1xf32>
    %get3A_6 = arith.constant 1 : index
    %get3A_7 = arith.constant 0 : index
    %get3A_8 = arith.constant 0 : index
    %get3A_9 = vector.load %arg3[%get3A_6, %get3A_7, %get3A_8] : memref<2x1000x16xf32, #tpu.memory_space<vmem>>, vector<1x1000x1xf32>
    %get3A_10 = vector.shape_cast %get3A_9 : vector<1x1000x1xf32> to vector<1000x1xf32>
    %add3A = arith.addf %get3A_5, %get3A_10 : vector<1000x1xf32>
    %add3A_11 = arith.constant 1.000000e+00 : f32
    %add3A_12 = vector.broadcast %add3A_11 : f32 to vector<1000x1xf32>
    %add3A_13 = arith.addf %add3A, %add3A_12 : vector<1000x1xf32>
    %rsqrt3A = math.rsqrt %add3A_13 : vector<1000x1xf32>
    %get3A_14 = arith.constant 0 : index
    %get3A_15 = arith.constant 0 : index
    %get3A_16 = arith.constant 0 : index
    %get3A_17 = vector.load %arg1[%get3A_14, %get3A_15, %get3A_16] : memref<2x1000x64xf32, #tpu.memory_space<vmem>>, vector<1x1000x64xf32>
    %get3A_18 = vector.shape_cast %get3A_17 : vector<1x1000x64xf32> to vector<1000x64xf32>
    %get3A_19 = arith.constant 1 : index
    %get3A_20 = arith.constant 0 : index
    %get3A_21 = arith.constant 0 : index
    %get3A_22 = vector.load %arg1[%get3A_19, %get3A_20, %get3A_21] : memref<2x1000x64xf32, #tpu.memory_space<vmem>>, vector<1x1000x64xf32>
    %get3A_23 = vector.shape_cast %get3A_22 : vector<1x1000x64xf32> to vector<1000x64xf32>
    %concatenate3A = tpu.concatenate %get3A_18, %get3A_23 in 1 : vector<1000x64xf32>, vector<1000x64xf32> -> vector<1000x128xf32>
    %get3A_24 = arith.constant 0 : index
    %get3A_25 = arith.constant 0 : index
    %get3A_26 = arith.constant 0 : index
    %get3A_27 = vector.load %arg2[%get3A_24, %get3A_25, %get3A_26] : memref<2x1000x64xf32, #tpu.memory_space<vmem>>, vector<1x1000x64xf32>
    %get3A_28 = vector.shape_cast %get3A_27 : vector<1x1000x64xf32> to vector<1000x64xf32>
    %get3A_29 = arith.constant 1 : index
    %get3A_30 = arith.constant 0 : index
    %get3A_31 = arith.constant 0 : index
    %get3A_32 = vector.load %arg2[%get3A_29, %get3A_30, %get3A_31] : memref<2x1000x64xf32, #tpu.memory_space<vmem>>, vector<1x1000x64xf32>
    %get3A_33 = vector.shape_cast %get3A_32 : vector<1x1000x64xf32> to vector<1000x64xf32>
    %concatenate3A_34 = tpu.concatenate %get3A_28, %get3A_33 in 1 : vector<1000x64xf32>, vector<1000x64xf32> -> vector<1000x128xf32>
    %add3A_35 = arith.addf %concatenate3A, %concatenate3A_34 : vector<1000x128xf32>
    %mul3A = vector.broadcast %rsqrt3A : vector<1000x1xf32> to vector<1000x128xf32>
    %mul3A_36 = arith.mulf %mul3A, %add3A_35 : vector<1000x128xf32>
    %get3A_37 = arith.constant 0 : index
    %get3A_38 = arith.constant 0 : index
    %get3A_39 = vector.load %arg4[%get3A_37, %get3A_38] : memref<1x128xf32, #tpu.memory_space<vmem>>, vector<1x128xf32>
    %add3A_40 = vector.broadcast %get3A_39 : vector<1x128xf32> to vector<1000x128xf32>
    %add3A_41 = arith.addf %mul3A_36, %add3A_40 : vector<1000x128xf32>
    %max3A = arith.constant 0.000000e+00 : f32
    %max3A_42 = vector.broadcast %max3A : f32 to vector<1000x128xf32>
    %max3A_43 = arith.maximumf %add3A_41, %max3A_42 : vector<1000x128xf32>
    %get3A_44 = arith.constant 0 : index
    %get3A_45 = arith.constant 0 : index
    %get3A_46 = arith.constant 0 : index
    %get3A_47 = vector.load %arg5[%get3A_44, %get3A_45, %get3A_46] : memref<1x1x1000xi32, #tpu.memory_space<vmem>>, vector<1x1x1000xi32>
    %get3A_48 = vector.shape_cast %get3A_47 : vector<1x1x1000xi32> to vector<1000xi32>
    %iota3A = tpu.iota {dimensions = array<i32: 0>} : vector<256x1000xi32>
    %broadcast_in_dim3A = vector.shape_cast %get3A_48 : vector<1000xi32> to vector<1x1000xi32>
    %eq3A_49 = vector.broadcast %broadcast_in_dim3A : vector<1x1000xi32> to vector<256x1000xi32>
    %eq3A_50 = arith.cmpi eq, %iota3A, %eq3A_49 : vector<256x1000xi32>
    %convert_element_type3A_51 = arith.extui %eq3A_50 : vector<256x1000xi1> to vector<256x1000xi32>
    %convert_element_type3A_52 = arith.sitofp %convert_element_type3A_51 : vector<256x1000xi32> to vector<256x1000xf32>
    %get3A_53 = arith.constant 0 : index
    %get3A_54 = arith.constant 0 : index
    %get3A_55 = vector.load %arg9[%get3A_53, %get3A_54] : memref<256x128xf32, #tpu.memory_space<vmem>>, vector<256x128xf32>
    %dot_general3A = arith.constant dense<0.000000e+00> : vector<256x128xf32>
    %dot_general3A_56 = tpu.matmul %convert_element_type3A_52, %max3A_43, %dot_general3A {dimension_numbers = #tpu.dot_dimension_numbers<[1], [0], [0], [1], [0, 0, 1, 1], [], []>, transpose_lhs_hint = false} : vector<256x1000xf32>, vector<1000x128xf32>, vector<256x128xf32> -> vector<256x128xf32>
    %add3A_57 = arith.addf %get3A_55, %dot_general3A_56 : vector<256x128xf32>
    %swap3A = arith.constant 0 : index
    %swap3A_58 = arith.constant 0 : index
    %swap3A_59 = vector.load %arg9[%swap3A, %swap3A_58] : memref<256x128xf32, #tpu.memory_space<vmem>>, vector<256x128xf32>
    tpu.vector_store %arg9[%swap3A, %swap3A_58], %add3A_57 {strides = array<i32>} : memref<256x128xf32, #tpu.memory_space<vmem>>, vector<256x128xf32>,
    %get3A_60 = arith.constant 0 : index
    %get3A_61 = arith.constant 0 : index
    %get3A_62 = vector.load %arg10[%get3A_60, %get3A_61] : memref<256x128xf32, #tpu.memory_space<vmem>>, vector<256x128xf32>
    %reduce_sum3A = arith.constant dense<0.000000e+00> : vector<256xf32>
    %reduce_sum3A_63 = vector.multi_reduction <add>, %convert_element_type3A_52, %reduce_sum3A [1] : vector<256x1000xf32> to vector<256xf32>
    %broadcast_in_dim3A_64 = vector.shape_cast %reduce_sum3A_63 : vector<256xf32> to vector<256x1xf32>
    %add3A_65 = vector.broadcast %broadcast_in_dim3A_64 : vector<256x1xf32> to vector<256x128xf32>
    %add3A_66 = arith.addf %get3A_62, %add3A_65 : vector<256x128xf32>
    %swap3A_67 = arith.constant 0 : index
    %swap3A_68 = arith.constant 0 : index
    %swap3A_69 = vector.load %arg10[%swap3A_67, %swap3A_68] : memref<256x128xf32, #tpu.memory_space<vmem>>, vector<256x128xf32>
    tpu.vector_store %arg10[%swap3A_67, %swap3A_68], %add3A_66 {strides = array<i32>} : memref<256x128xf32, #tpu.memory_space<vmem>>, vector<256x128xf32>,
    %eq3A_70 = arith.constant 9 : i32
    %eq3A_71 = arith.cmpi eq, %arg0, %eq3A_70 : i32
    %convert_element_type3A_72 = arith.extui %eq3A_71 : i1 to i32
    %cond3A_73 = arith.constant 0 : i32
    %cond3A_74 = arith.cmpi ne, %convert_element_type3A_72, %cond3A_73 : i32
    scf.if %cond3A_74 {
      %get3A_75 = arith.constant 0 : index
      %get3A_76 = arith.constant 0 : index
      %get3A_77 = vector.load %arg9[%get3A_75, %get3A_76] : memref<256x128xf32, #tpu.memory_space<vmem>>, vector<256x128xf32>
      %get3A_78 = arith.constant 0 : index
      %get3A_79 = arith.constant 0 : index
      %get3A_80 = vector.load %arg10[%get3A_78, %get3A_79] : memref<256x128xf32, #tpu.memory_space<vmem>>, vector<256x128xf32>
      %slice3A = vector.extract_strided_slice %get3A_80 {offsets = [0, 0], sizes = [256, 1], strides = [1, 1]} : vector<256x128xf32> to vector<256x1xf32>
      %max3A_81 = arith.constant 1.000000e+00 : f32
      %max3A_82 = vector.broadcast %max3A_81 : f32 to vector<256x1xf32>
      %max3A_83 = arith.maximumf %slice3A, %max3A_82 : vector<256x1xf32>
      %div3A = vector.broadcast %max3A_83 : vector<256x1xf32> to vector<256x128xf32>
      %div3A_84 = arith.divf %get3A_77, %div3A : vector<256x128xf32>
      %get3A_85 = arith.constant 0 : index
      %get3A_86 = arith.constant 0 : index
      %get3A_87 = vector.load %arg6[%get3A_85, %get3A_86] : memref<128x10xf32, #tpu.memory_space<vmem>>, vector<128x10xf32>
      %dot_general3A_88 = arith.constant dense<0.000000e+00> : vector<256x10xf32>
      %dot_general3A_89 = tpu.matmul %div3A_84, %get3A_87, %dot_general3A_88 {dimension_numbers = #tpu.dot_dimension_numbers<[1], [0], [0], [1], [0, 0, 1, 1], [], []>, transpose_lhs_hint = false} : vector<256x128xf32>, vector<128x10xf32>, vector<256x10xf32> -> vector<256x10xf32>
      %get3A_90 = arith.constant 0 : index
      %get3A_91 = arith.constant 0 : index
      %get3A_92 = vector.load %arg7[%get3A_90, %get3A_91] : memref<1x10xf32, #tpu.memory_space<vmem>>, vector<1x10xf32>
      %add3A_93 = vector.broadcast %get3A_92 : vector<1x10xf32> to vector<256x10xf32>
      %add3A_94 = arith.addf %dot_general3A_89, %add3A_93 : vector<256x10xf32>
      %swap3A_95 = arith.constant 0 : index
      %swap3A_96 = arith.constant 0 : index
      %swap3A_97 = vector.load %arg8[%swap3A_95, %swap3A_96] : memref<256x10xf32, #tpu.memory_space<vmem>>, vector<256x10xf32>
      tpu.vector_store %arg8[%swap3A_95, %swap3A_96], %add3A_94 {strides = array<i32>} : memref<256x10xf32, #tpu.memory_space<vmem>>, vector<256x10xf32>,
    } else {
    }
    return
  }
  func.func @transform_0(%arg0: i32) -> (i32, i32, i32) {
    %c0_i32 = arith.constant 0 : i32
    %c0_i32_0 = arith.constant 0 : i32
    %c0_i32_1 = arith.constant 0 : i32
    return %c0_i32, %arg0, %c0_i32_0 : i32, i32, i32
  }
  func.func @transform_1(%arg0: i32) -> (i32, i32, i32) {
    %c0_i32 = arith.constant 0 : i32
    %c0_i32_0 = arith.constant 0 : i32
    %c0_i32_1 = arith.constant 0 : i32
    return %c0_i32, %arg0, %c0_i32_0 : i32, i32, i32
  }
  func.func @transform_2(%arg0: i32) -> (i32, i32, i32) {
    %c0_i32 = arith.constant 0 : i32
    %c0_i32_0 = arith.constant 0 : i32
    %c0_i32_1 = arith.constant 0 : i32
    return %c0_i32, %arg0, %c0_i32_0 : i32, i32, i32
  }
  func.func @transform_3(%arg0: i32) -> (i32, i32) {
    %c0_i32 = arith.constant 0 : i32
    %c0_i32_0 = arith.constant 0 : i32
    %c0_i32_1 = arith.constant 0 : i32
    return %c0_i32, %c0_i32_0 : i32, i32
  }
  func.func @transform_4(%arg0: i32) -> (i32, i32, i32) {
    %c0_i32 = arith.constant 0 : i32
    %c0_i32_0 = arith.constant 0 : i32
    %c0_i32_1 = arith.constant 0 : i32
    return %arg0, %c0_i32, %c0_i32_0 : i32, i32, i32
  }
  func.func @transform_5(%arg0: i32) -> (i32, i32) {
    %c0_i32 = arith.constant 0 : i32
    %c0_i32_0 = arith.constant 0 : i32
    %c0_i32_1 = arith.constant 0 : i32
    return %c0_i32, %c0_i32_0 : i32, i32
  }
  func.func @transform_6(%arg0: i32) -> (i32, i32) {
    %c0_i32 = arith.constant 0 : i32
    %c0_i32_0 = arith.constant 0 : i32
    %c0_i32_1 = arith.constant 0 : i32
    return %c0_i32, %c0_i32_0 : i32, i32
  }
  func.func @transform_7(%arg0: i32) -> (i32, i32) {
    %c0_i32 = arith.constant 0 : i32
    %c0_i32_0 = arith.constant 0 : i32
    %c0_i32_1 = arith.constant 0 : i32
    return %c0_i32, %c0_i32_0 : i32, i32
  }
}

</mosaic_0001>

<sc_bundles>
// kernel: kernel.12.cloned.1.call-start
scs
__scs_entry_jumppad:
0x0: {  	(pc) =	sbr.rel $0x88, $3  }
0x1: {  	(tag) =	ssettag $0x0;
	lr =	simm.s32 $0x1  }
0x2: {  	[smem:$0x3F98] =	sst lr;
	_ =	strace $0xD0000000  }
0x3: {  	_ = 	snop  }
0x4: {  	_ = 	snop  }
0x5: {  	_ = 	snop  }
0x6: {  	_ = 	snop  }
0x7: {  	_ = 	snop  }
__scs_overlays_trampoline_lowered:
0x8: {  	[smem:$0x3FA7] =	sst s0  }
0x9: {  	[smem:$0x3FA8] =	sst s1  }
0xa: {  	[smem:$0x3FA9] =	sst s2  }
0xb: {  	[smem:$0x3FAA] =	sst s3  }
0xc: {  	[smem:$0x3FAB] =	sst s4  }
0xd: {  	[smem:$0x3FAC] =	sst s5  }
0xe: {  	[smem:$0x3FAD] =	sst s6  }
0xf: {  	[smem:$0x3FAE] =	sst s7  }
0x10: {  	[smem:$0x3FAF] =	sst s8  }
0x11: {  	[smem:$0x3FB0] =	sst s9;
	s0 =	simm.s32 @!p0 $0x0  }
0x12: {  	s1 =	sld [smem:$0x3F96];
	s0 =	simm.s32 @p0 $0x1  }
0x13: {  	[smem:$0x3FB1] =	sst s0;
	s0 =	simm.s32 @!p1 $0x0  }
0x14: {  	s2 =	sld [smem:$0x3F95];
	s0 =	simm.s32 @p1 $0x1  }
0x15: {  	[smem:$0x3FB2] =	sst s0;
	s0 =	simm.s32 @!p2 $0x0  }
0x16: {  	s3 =	sld [smem:$0x3FDB];
	s0 =	simm.s32 @p2 $0x1  }
0x17: {  	s4 =	simm.s32 $0x1BF5;
	[smem:$0x3FB4] =	sst s0  }
0x18: {  	s0 =	sld [smem:$0x3F97];
	_ =	swait.ge [sflag:s4], $0x0  }
0x19: {  	s7 =	sld [smem:$0x3F98]  }
0x1a: {  	s8 =	sadd.s32 $0xFFFFE003, lr  }
0x1b: {  	s9 =	sadd.s32 $0xFFFFFEF7, lr;
	s5 =	simm.s32 $0xFFFFFFFF;
	p2 =	slt.u32 s8, $0xFFFFF086  }
0x1c: {  	p1 =	slt.u32 s9, $0xF7A;
	s5 =	simm.s32 @!p2 $0x0  }
0x1d: {  	s5 =	simm.s32 @p1 $0x1;
	p0 =	seq.s32 s7, s2  }
0x1e: {  	s7 =	smul.u32 @!p0 $0xF7A, s2;
	p2 =	seq.s32 @!p0 s5, $0x0  }
0x1f: {  	s9 =	smul.u32 $0xF7A, s1;
	s8 =	simm.s32 @!p0 $0x1BF5;
	p2 =	por !p2, p0  }
0x20: {  	[sflag:s8] =	ssyncset.s32 @!p0 $0xFFFFF086;
	s6 =	sadd.s32 @!p0 s3, s7;
	s7 =	simm.s32 @!p0 $0x108  }
0x21: {  	s3 =	sadd.s32 s3, s9;
	s6 =	sadd.s32 @!p0 $0x88, s6;
	s7 =	simm.s32 @p2 $0x1082  }
0x22: {  	[simem:s7], [sflag:s8] =	dma.local @!p0 [hbm:s6], $0xF7A  }
0x23: {  	s9 =	sor.u32 $0xD0000000, s2;
	s6 =	simm.s32 $0x108;
	_ =	swait.ge @!p0 [sflag:s8], $0x0  }
0x24: {  	s3 =	sadd.s32 $0x88, s3;
	s6 =	simm.s32 @!p1 $0x1082;
	[sflag:s4] =	ssyncset.s32 $0xFFFFF086  }
0x25: {  	[simem:s6], [sflag:s4] =	dma.local [hbm:s3], $0xF7A  }
0x26: {  	[smem:$0x3F98] =	sst s1;
	(tag) =	ssettag s2;
	_ =	strace s9  }
0x27: {  	s1 =	sld [smem:$0x3FA8]  }
0x28: {  	s2 =	sld [smem:$0x3FA9]  }
0x29: {  	s4 =	sld [smem:$0x3FAB]  }
0x2a: {  	p0 =	seq.s32 s5, $0x0;
	s5 =	sld [smem:$0x3FAC]  }
0x2b: {  	s6 =	sld [smem:$0x3FAD]  }
0x2c: {  	s7 =	sld [smem:$0x3FAE]  }
0x2d: {  	s3 =	simm.s32 $0x108;
	s8 =	sld [smem:$0x3FAF]  }
0x2e: {  	s3 =	simm.s32 @!p0 $0x1082;
	s9 =	sld [smem:$0x3FB0]  }
0x2f: {  	lr =	sadd.s32 s0, s3;
	s0 =	sld [smem:$0x3FA7]  }
0x30: {  	s3 =	sld [smem:$0x3FAA]  }
0x31: {  	[smem:$0x3FB3] =	sst s10  }
0x32: {  	s10 =	sld [smem:$0x3FB1];
	_ =	sdelay $0x3  }
0x33: {  	p0 =	seq.s32 s10, $0x1;
	s10 =	sld [smem:$0x3FB3];
	_ =	sdelay $0x3  }
0x34: {  	[smem:$0x3FB3] =	sst s10  }
0x35: {  	s10 =	sld [smem:$0x3FB2];
	_ =	sdelay $0x3  }
0x36: {  	p1 =	seq.s32 s10, $0x1;
	s10 =	sld [smem:$0x3FB3];
	_ =	sdelay $0x3  }
0x37: {  	[smem:$0x3FB3] =	sst s10  }
0x38: {  	s10 =	sld [smem:$0x3FB4]  }
0x39: {  	_ = 	snop;
	(pc) =	sbr.ind lr, $3  }
0x3a: {  	_ = 	snop  }
0x3b: {  	_ = 	snop  }
0x3c: {  	p2 =	seq.s32 s10, $0x1;
	s10 =	sld [smem:$0x3FB3]  }
0x3d: {  	_ =	shalt  }
0x3e: {  	_ =	shalt  }
0x3f: {  	_ =	shalt  }
0x40: {  	_ =	shalt  }
0x41: {  	_ =	shalt  }
0x42: {  	_ =	shalt  }
0x43: {  	_ =	shalt  }
0x44: {  	_ =	shalt  }
0x45: {  	_ =	shalt  }
0x46: {  	_ =	shalt  }
0x47: {  	_ =	shalt  }
0x48: {  	_ =	shalt  }
0x49: {  	_ =	shalt  }
0x4a: {  	_ =	shalt  }
0x4b: {  	_ =	shalt  }
0x4c: {  	_ =	shalt  }
0x4d: {  	_ =	shalt  }
0x4e: {  	_ =	shalt  }
0x4f: {  	_ =	shalt  }
0x50: {  	_ =	shalt  }
0x51: {  	_ =	shalt  }
0x52: {  	_ =	shalt  }
0x53: {  	_ =	shalt  }
0x54: {  	_ =	shalt  }
0x55: {  	_ =	shalt  }
0x56: {  	_ =	shalt  }
0x57: {  	_ =	shalt  }
0x58: {  	_ =	shalt  }
0x59: {  	_ =	shalt  }
0x5a: {  	_ =	shalt  }
0x5b: {  	_ =	shalt  }
0x5c: {  	_ =	shalt  }
0x5d: {  	_ =	shalt  }
0x5e: {  	_ =	shalt  }
0x5f: {  	_ =	shalt  }
0x60: {  	_ =	shalt  }
0x61: {  	_ =	shalt  }
0x62: {  	_ =	shalt  }
0x63: {  	_ =	shalt  }
0x64: {  	_ =	shalt  }
0x65: {  	_ =	shalt  }
0x66: {  	_ =	shalt  }
0x67: {  	_ =	shalt  }
0x68: {  	_ =	shalt  }
0x69: {  	_ =	shalt  }
0x6a: {  	_ =	shalt  }
0x6b: {  	_ =	shalt  }
0x6c: {  	_ =	shalt  }
0x6d: {  	_ =	shalt  }
0x6e: {  	_ =	shalt  }
0x6f: {  	_ =	shalt  }
0x70: {  	_ =	shalt  }
0x71: {  	_ =	shalt  }
0x72: {  	_ =	shalt  }
0x73: {  	_ =	shalt  }
0x74: {  	_ =	shalt  }
0x75: {  	_ =	shalt  }
0x76: {  	_ =	shalt  }
0x77: {  	_ =	shalt  }
0x78: {  	_ =	shalt  }
0x79: {  	_ =	shalt  }
0x7a: {  	_ =	shalt  }
0x7b: {  	_ =	shalt  }
0x7c: {  	_ =	shalt  }
0x7d: {  	_ =	shalt  }
0x7e: {  	_ =	shalt  }
0x7f: {  	_ =	shalt  }
0x80: {  	_ =	shalt  }
0x81: {  	_ =	shalt  }
0x82: {  	_ =	shalt  }
0x83: {  	_ =	shalt  }
0x84: {  	_ =	shalt  }
0x85: {  	_ =	shalt  }
0x86: {  	_ =	shalt  }
0x87: {  	_ =	shalt  }
.Lfunc_end0:
.L_simem_size_0:
called_computation.1_lowered:
.L_overlay_start_0:
0x88: {  	s2 =	sld [smem:$0x3FD9]  }
0x89: {  	s3 =	sld [smem:$0x3FFE];
	_ =	sdelay $0x1  }
0x8a: {  	s1 =	srdreg.scid  }
0x8b: {  	s0 =	sand.u32 $0x1, s1  }
0x8c: {  	s16 =	sshll.u32 s0, $0xA;
	s2 =	sadd.s32 s3, s2  }
0x8d: {  	s2 =	sadd.s32 s2, s16  }
0x8e: {  	[smem:$0x3FBF] =	sst s2  }
0x8f: {  	_ = 	snop  }
0x90: {  	(tm) =	ssettm $0x1  }
0x91: {  	s17 =	sld [smem:$0x3FFB];
	_ =	sdelay $0x3  }
0x92: {  	_ =	strace s17  }
0x93: {  	s2 =	sld [smem:$0x3FFC];
	_ =	sdelay $0x3  }
0x94: {  	_ =	strace s2  }
0x95: {  	s2 =	sld [smem:$0x3FFD];
	_ =	sdelay $0x3  }
0x96: {  	_ =	strace s2  }
0x97: {  	_ =	strace $0x8FFFFFFF  }
0x98: {  	s18 =	sld [smem:$0x3FDB];
	_ =	sdelay $0x1  }
0x99: {  	s19 =	simm.s32 $_scs_section_size  }
0x9a: {  	s4 =	simm.s32 $_size__tile_overlayer_lowered;
	s5 =	simm.s32 $_tile_overlayer_lowered  }
0x9b: {  	s22 =	simm.s32 $0x1BFF;
	s21 =	sshll.u32 s5, $0x1;
	s2 =	sadd.s32 s19, s18  }
0x9c: {  	s6 =	simm.s32 $0x0;
	s20 =	sshll.u32 s4, $0x1;
	s4 =	sadd.s32 s21, s2  }
0x9d: {  	[timem:s6], [sflag:s22] =	dma.local [hbm:s4], s20  }
0x9e: {  	_ =	swait.ge [sflag:s22], s20  }
0x9f: {  	s3 =	ssub.s32 $0x0, s20;
	[sflag:s22] =	ssyncset.done $0x0  }
0xa0: {  	[sflag:s22] =	ssyncadd.s32 s3;
	_ =	sdelay $0x1  }
0xa1: {  	s23 =	simm.s32 $0x1B8B  }
0xa2: {  	_ =	swait.ge [sflag:s23], $0x1  }
0xa3: {  	[sflag:s23] =	ssyncset.done $0x0  }
0xa4: {  	s25 =	simm.s32 $0x1B8E;
	s24 =	sld [smem:$0x3FFE];
	[sflag:s23] =	ssyncadd.s32 $0xFFFFFFFF  }
0xa5: {  	s26 =	simm.s32 $execute0_lowered;
	[smem:$0x3FD2] =	sst s25  }
0xa6: {  	s4 =	sshll.u32 s26, $0x1;
	_ =	strace $0x80000049;
	[dreg:$0x1] =	wrdreg $0xFFFFFFFF  }
0xa7: {  	s28 =	simm.s32 $_size_execute0_lowered;
	s2 =	sadd.s32 s2, s4;
	[dreg:$0x0] =	wrdreg $0x0  }
0xa8: {  	s4 =	sshll.u32 s28, $0x1;
	[dreg:$0x2] =	wrdreg s2  }
0xa9: {  	[dreg:$0x3] =	wrdreg s4  }
0xaa: {  	[dreg:$0x4] =	wrdreg $0xC0  }
0xab: {  	_ =	task [dreg:s6], $0x5FFFF  }
0xac: {  	[dreg:$0x1] =	wrdreg $0xFFFFFFFF  }
0xad: {  	[dreg:$0x0] =	wrdreg $0x60  }
0xae: {  	[dreg:$0x2] =	wrdreg s24  }
0xaf: {  	[dreg:$0x3] =	wrdreg $0x120000  }
0xb0: {  	[dreg:$0x4] =	wrdreg $0x9  }
0xb1: {  	_ =	task.clear_ibuf [dreg:s6], $0x5FFFF;
	_ =	strace $0x90000049  }
0xb2: {  	s29 =	simm.s32 $0x9;
	_ =	strace $0x8000004B  }
0xb3: {  	_ =	swait.ge [sflag:s29], $0x1  }
0xb4: {  	[sflag:s29] =	ssyncadd.s32 $0xFFFFFFFF  }
0xb5: {  	_ =	strace $0x9000004B  }
0xb6: {  	_ =	sfence  }
0xb7: {  	s30 =	sld [smem:$0x0];
	_ =	sdelay $0x2  }
0xb8: {  	s31 =	sshll.u32 s1, $0xD;
	s1 =	sshrl.u32 s1, $0x2  }
0xb9: {  	s3 =	sand.u32 $0x4000, s31;
	s1 =	sadd.s32 s1, s30  }
0xba: {  	s0 =	sor.u32 s3, s0;
	s1 =	sshll.u32 s1, $0x11  }
0xbb: {  	s0 =	sor.u32 s1, s0  }
0xbc: {  	s0 =	sadd.s32 $0x8F2B, s0  }
0xbd: {  	[sflag:s0] =	ssyncadd.remote.s32 $0x1  }
0xbe: {  	_ =	sfence.sel $0xFFFF  }
0xbf: {  	[dreg:$0x0] =	wrdreg $0xFFFFFFFF;
	(pc) =	sbr.abs _section_cstart, $3  }
0xc0: {  	[dreg:$0x1] =	wrdreg $0xFFFFFFFF  }
0xc1: {  	_ =	task.clear_ibuf [dreg:s6], $0x2FFFF;
	_ =	strace $0x9FFFFFFF  }
0xc2: {  	(tm) =	ssettm $0x7FFFFFFF  }
0xc3: {  	_ =	shalt  }
tec
execute0_lowered:
.L_overlay_start_1:
0x0: {  	(tag) =	ssettag $0x1  }
0x1: {  	s0 =	srdreg.scid;
	s1 =	rddreg [dreg:$0x0]  }
0x2: {  	s7 =	stileid.u32;
	s2 =	rddreg [dreg:$0x1]  }
0x3: {  	s3 =	simm.s32 $0x0;
	s12 =	simm.s32 $0x5000;
	s14 =	simm.s32 $0x1  }
0x4: {  	s15 =	simm.s32 $0x80;
	s16 =	simm.s32 $0xA000;
	s17 =	simm.s32 $0xC000  }
0x5: {  	s19 =	simm.s32 $0xE000;
	s21 =	simm.s32 $0x10000;
	s22 =	simm.s32 $0x2  }
0x6: {  	s23 =	simm.s32 $0x3;
	s30 =	simm.s32 $0x4;
	s5 =	smul.u32 $0x5000, s7  }
0x7: {  	s31 =	simm.s32 $0x300;
	s0 =	sand.u32 $0x1, s0;
	s9 =	smul.u32 $0xA000, s7  }
0x8: {  	s18 =	simm.s32 $0x0;
	[smem:$0x7FF] =	sst s3;
	s4 =	smul.u32 $0x50000, s0  }
0x9: {  	s7 =	sshll.u32 s7, $0x6;
	s6 =	smul.u32 $0xA0000, s0;
	s0 =	ssub.s32 $0x2, s0  }
0xa: {  	_ =	strace $0x8000004A;
	s29 =	sshrl.u32 s0, $0x1;
	s13 =	sadd.s32 s9, s2  }
0xb: {  	s5 =	sadd.s32 s5, s4;
	s4 =	sadd.s32 $0x7A200, s1;
	s6 =	sadd.s32 s9, s6  }
.Ltmp0:
0xc: {  	s0 =	ssub.s32 s0, s29;
	s9 =	sor.u32 $0x1C03, s7;
	(pc) =	sbr.rel .LBB2_1-.Ltmp0, $4  }
0xd: {  	s13 =	sshrl.u32 s13, $0x3;
	s5 =	sshrl.u32 s5, $0x3;
	s6 =	sshrl.u32 s6, $0x3  }
0xe: {  	s11 =	smax.u32 s0, $0x1;
	s0 =	simm.s32 $0x6;
	s8 =	sadd.s32 s5, s1  }
0xf: {  	s5 =	sadd.s32 $0xA1400, s1;
	s1 =	sadd.s32 s6, s1;
	s6 =	sadd.s32 $0x16200, s8  }
0x10: {  	s8 =	sadd.s32 $0x1C00, s8;
	s10 =	sadd.s32 $0xA2800, s1;
	s1 =	simm.s32 $0x5  }
.LBB2_4:
0x11: {  	_ =	swait.ge [sflag:s22], $0x2000  }
0x12: {  	[sflag:s22] =	ssyncset.done $0x0  }
0x13: {  	[sflag:s22] =	ssyncadd.s32 $0xFFFFE000  }
0x14: {  	_ =	swait.ge [sflag:s23], $0x2000  }
0x15: {  	[sflag:s23] =	ssyncset.done $0x0  }
0x16: {  	[sflag:s23] =	ssyncadd.s32 $0xFFFFE000  }
0x17: {  	_ =	swait.ge [sflag:s30], $0x2000  }
0x18: {  	[sflag:s30] =	ssyncset.done $0x0  }
0x19: {  	[sflag:s30] =	ssyncadd.s32 $0xFFFFE000  }
0x1a: {  	_ =	swait.ge [sflag:s1], $0x2000  }
0x1b: {  	s18 =	sadd.s32 $0x1, s18;
	[sflag:s1] =	ssyncset.done $0x0  }
0x1c: {  	p0 =	sne.s32 s18, s11;
	[sflag:s1] =	ssyncadd.s32 $0xFFFFE000  }
.Ltmp1:
0x1d: {  	s20 =	sor.u32 $0x1C06, s7;
	[bflag:$0x0] =	sbarrier.arrive $0xFFFF;
	(pc) =	sbr.rel @!p0 .LBB2_5-.Ltmp1, $4  }
0x1e: {  	[hbm:s10], [sflag:s20] =	dma.local [spmem:s13], $0x1400  }
0x1f: {  	_ =	swait.ge [sflag:s0], $0x1400  }
0x20: {  	[sflag:s0] =	ssyncset.done $0x0  }
0x21: {  	[sflag:s0] =	ssyncadd.s32 $0xFFFFEC00  }
.LBB2_1:
0x22: {  	[tilespmem:s3], [sflag:$0x1] =	stream.linear.gather [hbm4b:s6+s3], $0x5000, $0x38;
	[tilespmem:$0x1C000] =	vst v63  }
0x23: {  	_ = 	snop  }
0x24: {  	[tilespmem:s12], [sflag:$0x2] =	stream.linear.gather [hbm4b:s8+s3], $0x5000, $0x38;
	[tilespmem:$0x1C000] =	vst v63  }
0x25: {  	[spmem:s13], [sflag:s9] =	dma.local [hbm:s5], $0x1400  }
0x26: {  	_ =	swait.ge [sflag:s14], $0x5000  }
0x27: {  	[sflag:s14] =	ssyncset.done $0x0  }
0x28: {  	[sflag:s14] =	ssyncadd.s32 $0xFFFFB000  }
0x29: {  	[tilespmem:s16], [sflag:$0x1] =	stream.indirect.gather [hbm4b:s4+s15], $0x40, s3, s15, $0xb8;
	[tilespmem:$0x1C000] =	vst v63  }
0x2a: {  	_ = 	snop  }
0x2b: {  	[tilespmem:s17], [sflag:$0x1] =	stream.indirect.gather [hbm4b:s4+s15], $0x40, s15, s15, $0xb8;
	[tilespmem:$0x1C000] =	vst v63  }
0x2c: {  	s20 =	simm.s32 $0x100  }
0x2d: {  	[tilespmem:s19], [sflag:$0x1] =	stream.indirect.gather [hbm4b:s4+s15], $0x40, s20, s15, $0xb8;
	[tilespmem:$0x1C000] =	vst v63  }
0x2e: {  	s29 =	simm.s32 $0x180  }
0x2f: {  	[tilespmem:s21], [sflag:$0x1] =	stream.indirect.gather [hbm4b:s4+s15], $0x40, s29, s15, $0xb8;
	[tilespmem:$0x1C000] =	vst v63  }
0x30: {  	_ =	swait.ge [sflag:s22], $0x5000  }
0x31: {  	[sflag:s22] =	ssyncset.done $0x0  }
0x32: {  	[sflag:s22] =	ssyncadd.s32 $0xFFFFB000  }
0x33: {  	_ =	swait.ge [sflag:s23], $0x1400  }
0x34: {  	[sflag:s23] =	ssyncset.done $0x0  }
0x35: {  	[sflag:s23] =	ssyncadd.s32 $0xFFFFEC00  }
0x36: {  	[bflag:$0x0] =	sbarrier.arrive $0xFFFF  }
0x37: {  	_ =	swait.ge [sflag:s14], $0x2000  }
0x38: {  	[sflag:s14] =	ssyncset.done $0x0  }
0x39: {  	[sflag:s14] =	ssyncadd.s32 $0xFFFFE000  }
0x3a: {  	[spmem:s2] =	stream.indirect.scatter.add.f32 [tilespmem:s16], [sflag:$0x2], $0x40, s12, s15, $0xb8;
	[tilespmem:$0x1C000] =	vst v63  }
0x3b: {  	_ =	swait.ge [sflag:s14], $0x2000  }
0x3c: {  	[sflag:s14] =	ssyncset.done $0x0  }
0x3d: {  	s24 =	simm.s32 $0x5080;
	[sflag:s14] =	ssyncadd.s32 $0xFFFFE000  }
0x3e: {  	[spmem:s2] =	stream.indirect.scatter.add.f32 [tilespmem:s17], [sflag:$0x3], $0x40, s24, s15, $0xb8;
	[tilespmem:$0x1C000] =	vst v63  }
0x3f: {  	_ =	swait.ge [sflag:s22], $0x2000  }
0x40: {  	[sflag:s22] =	ssyncset.done $0x0  }
0x41: {  	s25 =	simm.s32 $0x200;
	[sflag:s22] =	ssyncadd.s32 $0xFFFFE000  }
0x42: {  	[tilespmem:s16], [sflag:$0x1] =	stream.indirect.gather [hbm4b:s4+s15], $0x40, s25, s15, $0xb8;
	[tilespmem:$0x1C000] =	vst v63  }
0x43: {  	_ =	swait.ge [sflag:s14], $0x2000  }
0x44: {  	[sflag:s14] =	ssyncset.done $0x0  }
0x45: {  	s26 =	simm.s32 $0x5100;
	[sflag:s14] =	ssyncadd.s32 $0xFFFFE000  }
0x46: {  	[spmem:s2] =	stream.indirect.scatter.add.f32 [tilespmem:s19], [sflag:$0x4], $0x40, s26, s15, $0xb8;
	[tilespmem:$0x1C000] =	vst v63  }
0x47: {  	_ =	swait.ge [sflag:s23], $0x2000  }
0x48: {  	[sflag:s23] =	ssyncset.done $0x0  }
0x49: {  	s28 =	simm.s32 $0x280;
	[sflag:s23] =	ssyncadd.s32 $0xFFFFE000  }
0x4a: {  	[tilespmem:s17], [sflag:$0x1] =	stream.indirect.gather [hbm4b:s4+s15], $0x40, s28, s15, $0xb8;
	[tilespmem:$0x1C000] =	vst v63  }
0x4b: {  	_ =	swait.ge [sflag:s14], $0x2000  }
0x4c: {  	[sflag:s14] =	ssyncset.done $0x0  }
0x4d: {  	s29 =	simm.s32 $0x5180;
	[sflag:s14] =	ssyncadd.s32 $0xFFFFE000  }
0x4e: {  	[spmem:s2] =	stream.indirect.scatter.add.f32 [tilespmem:s21], [sflag:$0x5], $0x40, s29, s15, $0xb8;
	[tilespmem:$0x1C000] =	vst v63  }
0x4f: {  	_ =	swait.ge [sflag:s30], $0x2000  }
0x50: {  	[sflag:s30] =	ssyncset.done $0x0  }
0x51: {  	s20 =	simm.s32 $0x0;
	[sflag:s30] =	ssyncadd.s32 $0xFFFFE000  }
0x52: {  	[tilespmem:s19], [sflag:$0x1] =	stream.indirect.gather [hbm4b:s4+s15], $0x40, s31, s15, $0xb8;
	[tilespmem:$0x1C000] =	vst v63  }
.LBB2_2:
0x53: {  	_ =	swait.ge [sflag:s14], $0x2000  }
0x54: {  	s24 =	sshra.s32 s20, $0x2;
	[sflag:s14] =	ssyncset.done $0x0  }
0x55: {  	s25 =	sadd.s32 $0x5200, s24;
	[sflag:s14] =	ssyncadd.s32 $0xFFFFE000  }
0x56: {  	[spmem:s2] =	stream.indirect.scatter.add.f32 [tilespmem:s16], [sflag:$0x2], $0x40, s25, s15, $0xb8;
	[tilespmem:$0x1C000] =	vst v63  }
0x57: {  	_ =	swait.ge [sflag:s1], $0x2000  }
0x58: {  	[sflag:s1] =	ssyncset.done $0x0  }
0x59: {  	s26 =	sadd.s32 $0x380, s24;
	[sflag:s1] =	ssyncadd.s32 $0xFFFFE000  }
0x5a: {  	[tilespmem:s21], [sflag:$0x1] =	stream.indirect.gather [hbm4b:s4+s15], $0x40, s26, s15, $0xb8;
	[tilespmem:$0x1C000] =	vst v63  }
0x5b: {  	_ =	swait.ge [sflag:s14], $0x2000  }
0x5c: {  	p0 =	seq.s32 s20, $0x13000;
	[sflag:s14] =	ssyncset.done $0x0  }
0x5d: {  	s28 =	sadd.s32 $0x5280, s24;
	s25 =	simm.s32 @p0 $0x1;
	[sflag:s14] =	ssyncadd.s32 $0xFFFFE000  }
0x5e: {  	[spmem:s2] =	stream.indirect.scatter.add.f32 [tilespmem:s17], [sflag:$0x3], $0x40, s28, s15, $0xb8;
	[tilespmem:$0x1C000] =	vst v63  }
0x5f: {  	_ =	swait.ge @p0 [sflag:s25], $0x2000  }
0x60: {  	[sflag:s25] =	ssyncset.done @p0 $0x0  }
0x61: {  	[sflag:s25] =	ssyncadd.s32 @p0 $0xFFFFE000;
	s25 =	sshra.s32 @p0 s20, $0x2  }
0x62: {  	s26 =	simm.s32 @p0 $0x80;
	s28 =	simm.s32 @p0 $0xE000;
	s25 =	sadd.s32 @p0 $0x5300, s25  }
0x63: {  	[spmem:s2] =	stream.indirect.scatter.add.f32 @p0 [tilespmem:s28], [sflag:$0x4], $0x40, s25, s26, $0xb8;
	[tilespmem:$0x1C000] =	vst v63  }
0x64: {  	s25 =	simm.s32 @!p0 $0x2  }
0x65: {  	_ =	swait.ge @!p0 [sflag:s25], $0x2000  }
0x66: {  	[sflag:s25] =	ssyncset.done @!p0 $0x0  }
0x67: {  	[sflag:s25] =	ssyncadd.s32 @!p0 $0xFFFFE000;
	s25 =	sshra.s32 @!p0 s20, $0x2  }
0x68: {  	s29 =	simm.s32 @!p0 $0xA000;
	s28 =	simm.s32 @!p0 $0x80;
	s26 =	sadd.s32 @!p0 $0x400, s25  }
0x69: {  	[tilespmem:s29], [sflag:$0x1] =	stream.indirect.gather @!p0 [hbm4b:s4+s28], $0x40, s26, s28, $0xb8;
	[tilespmem:$0x1C000] =	vst v63  }
0x6a: {  	s26 =	simm.s32 @!p0 $0x1  }
0x6b: {  	_ =	swait.ge @!p0 [sflag:s26], $0x2000  }
0x6c: {  	[sflag:s26] =	ssyncset.done @!p0 $0x0  }
0x6d: {  	s29 =	simm.s32 @!p0 $0xE000;
	[sflag:s26] =	ssyncadd.s32 @!p0 $0xFFFFE000;
	s26 =	sadd.s32 @!p0 $0x5300, s25  }
0x6e: {  	[spmem:s2] =	stream.indirect.scatter.add.f32 @!p0 [tilespmem:s29], [sflag:$0x4], $0x40, s26, s28, $0xb8;
	[tilespmem:$0x1C000] =	vst v63  }
0x6f: {  	s26 =	simm.s32 @!p0 $0x3  }
0x70: {  	_ =	swait.ge @!p0 [sflag:s26], $0x2000  }
0x71: {  	[sflag:s26] =	ssyncset.done @!p0 $0x0  }
0x72: {  	s25 =	sadd.s32 @!p0 $0x480, s25;
	[sflag:s26] =	ssyncadd.s32 @!p0 $0xFFFFE000;
	s26 =	simm.s32 @!p0 $0xC000  }
0x73: {  	[tilespmem:s26], [sflag:$0x1] =	stream.indirect.gather @!p0 [hbm4b:s4+s28], $0x40, s25, s28, $0xb8;
	[tilespmem:$0x1C000] =	vst v63  }
.Ltmp2:
0x74: {  	_ = 	snop;
	(pc) =	sbr.rel @p0 .LBB2_4-.Ltmp2, $4  }
0x75: {  	_ =	swait.ge [sflag:s14], $0x2000  }
0x76: {  	[sflag:s14] =	ssyncset.done $0x0  }
0x77: {  	s29 =	sadd.s32 $0x5380, s24;
	[sflag:s14] =	ssyncadd.s32 $0xFFFFE000  }
0x78: {  	[spmem:s2] =	stream.indirect.scatter.add.f32 [tilespmem:s21], [sflag:$0x5], $0x40, s29, s15, $0xb8;
	[tilespmem:$0x1C000] =	vst v63  }
.Ltmp3:
0x79: {  	(pc) =	sbr.rel .LBB2_2-.Ltmp3, $4  }
0x7a: {  	_ =	swait.ge [sflag:s30], $0x2000  }
0x7b: {  	[sflag:s30] =	ssyncset.done $0x0  }
0x7c: {  	s24 =	sadd.s32 $0x500, s24;
	s20 =	sadd.s32 $0x800, s20;
	[sflag:s30] =	ssyncadd.s32 $0xFFFFE000  }
0x7d: {  	[tilespmem:s19], [sflag:$0x1] =	stream.indirect.gather [hbm4b:s4+s15], $0x40, s24, s15, $0xb8;
	[tilespmem:$0x1C000] =	vst v63  }
.LBB2_5:
0x7e: {  	_ =	sfence.sel $0x180000  }
0x7f: {  	[bflag:$0x0] =	sbarrier.arrive $0xFFFF  }
0x80: {  	_ =	strace $0x9000004A  }
0x81: {  	s0 =	stileid.u32;
	[bflag:$0x2] =	sbarrier.arrive $0xFFFF  }
0x82: {  	p0 =	sne.s32 s0, $0x0;
	s0 =	rddreg [dreg:$0x2]  }
0x83: {  	s0 =	sadd.s32 @!p0 $0x100000, s0  }
0x84: {  	[sflag:s0] =	ssyncadd.tile.s32 @!p0 $0x1;
	_ =	shalt  }
.Lfunc_end2:
_tile_overlayer_lowered:
.L_overlay_start_2:
0x85: {  	(tag) =	ssettag $0x2  }
0x86: {  	s0 =	rddreg [dreg:$0x0];
	s2 =	stileid.u32  }
0x87: {  	s1 =	rddreg [dreg:$0x1];
	p0 =	sne.s32 s2, $0x0  }
0x88: {  	s3 =	rddreg [dreg:$0x2];
	[bflag:$0x3] =	sbarrier.arrive $0xFFFF;
	s2 =	simm.s32 @!p0 $0x1C06  }
0x89: {  	[timem:s3], [sflag:s2] =	dma.local @!p0 [hbm:s0], s1  }
0x8a: {  	s0 =	simm.s32 @!p0 $0x6  }
0x8b: {  	_ =	swait.ge @!p0 [sflag:s0], s1  }
0x8c: {  	s1 =	ssub.s32 @!p0 $0x0, s1;
	[sflag:s0] =	ssyncset.done @!p0 $0x0  }
0x8d: {  	[sflag:s0] =	ssyncadd.s32 @!p0 s1  }
0x8e: {  	[bflag:$0x3] =	sbarrier.arrive $0xFFFF  }
0x8f: {  	_ =	shalt  }

// kernel: kernel.15.cloned.1.call-start
scs
__scs_entry_jumppad:
0x0: {  	(pc) =	sbr.rel $0x88, $3  }
0x1: {  	(tag) =	ssettag $0x0;
	lr =	simm.s32 $0x1  }
0x2: {  	[smem:$0x3F98] =	sst lr;
	_ =	strace $0xD0000000  }
0x3: {  	_ = 	snop  }
0x4: {  	_ = 	snop  }
0x5: {  	_ = 	snop  }
0x6: {  	_ = 	snop  }
0x7: {  	_ = 	snop  }
__scs_overlays_trampoline_lowered:
0x8: {  	[smem:$0x3FA7] =	sst s0  }
0x9: {  	[smem:$0x3FA8] =	sst s1  }
0xa: {  	[smem:$0x3FA9] =	sst s2  }
0xb: {  	[smem:$0x3FAA] =	sst s3  }
0xc: {  	[smem:$0x3FAB] =	sst s4  }
0xd: {  	[smem:$0x3FAC] =	sst s5  }
0xe: {  	[smem:$0x3FAD] =	sst s6  }
0xf: {  	[smem:$0x3FAE] =	sst s7  }
0x10: {  	[smem:$0x3FAF] =	sst s8  }
0x11: {  	[smem:$0x3FB0] =	sst s9;
	s0 =	simm.s32 @!p0 $0x0  }
0x12: {  	s1 =	sld [smem:$0x3F96];
	s0 =	simm.s32 @p0 $0x1  }
0x13: {  	[smem:$0x3FB1] =	sst s0;
	s0 =	simm.s32 @!p1 $0x0  }
0x14: {  	s2 =	sld [smem:$0x3F95];
	s0 =	simm.s32 @p1 $0x1  }
0x15: {  	[smem:$0x3FB2] =	sst s0;
	s0 =	simm.s32 @!p2 $0x0  }
0x16: {  	s3 =	sld [smem:$0x3FDB];
	s0 =	simm.s32 @p2 $0x1  }
0x17: {  	s4 =	simm.s32 $0x1BF5;
	[smem:$0x3FB4] =	sst s0  }
0x18: {  	s0 =	sld [smem:$0x3F97];
	_ =	swait.ge [sflag:s4], $0x0  }
0x19: {  	s7 =	sld [smem:$0x3F98]  }
0x1a: {  	s8 =	sadd.s32 $0xFFFFE003, lr  }
0x1b: {  	s9 =	sadd.s32 $0xFFFFFEF7, lr;
	s5 =	simm.s32 $0xFFFFFFFF;
	p2 =	slt.u32 s8, $0xFFFFF086  }
0x1c: {  	p1 =	slt.u32 s9, $0xF7A;
	s5 =	simm.s32 @!p2 $0x0  }
0x1d: {  	s5 =	simm.s32 @p1 $0x1;
	p0 =	seq.s32 s7, s2  }
0x1e: {  	s7 =	smul.u32 @!p0 $0xF7A, s2;
	p2 =	seq.s32 @!p0 s5, $0x0  }
0x1f: {  	s9 =	smul.u32 $0xF7A, s1;
	s8 =	simm.s32 @!p0 $0x1BF5;
	p2 =	por !p2, p0  }
0x20: {  	[sflag:s8] =	ssyncset.s32 @!p0 $0xFFFFF086;
	s6 =	sadd.s32 @!p0 s3, s7;
	s7 =	simm.s32 @!p0 $0x108  }
0x21: {  	s3 =	sadd.s32 s3, s9;
	s6 =	sadd.s32 @!p0 $0x88, s6;
	s7 =	simm.s32 @p2 $0x1082  }
0x22: {  	[simem:s7], [sflag:s8] =	dma.local @!p0 [hbm:s6], $0xF7A  }
0x23: {  	s9 =	sor.u32 $0xD0000000, s2;
	s6 =	simm.s32 $0x108;
	_ =	swait.ge @!p0 [sflag:s8], $0x0  }
0x24: {  	s3 =	sadd.s32 $0x88, s3;
	s6 =	simm.s32 @!p1 $0x1082;
	[sflag:s4] =	ssyncset.s32 $0xFFFFF086  }
0x25: {  	[simem:s6], [sflag:s4] =	dma.local [hbm:s3], $0xF7A  }
0x26: {  	[smem:$0x3F98] =	sst s1;
	(tag) =	ssettag s2;
	_ =	strace s9  }
0x27: {  	s1 =	sld [smem:$0x3FA8]  }
0x28: {  	s2 =	sld [smem:$0x3FA9]  }
0x29: {  	s4 =	sld [smem:$0x3FAB]  }
0x2a: {  	p0 =	seq.s32 s5, $0x0;
	s5 =	sld [smem:$0x3FAC]  }
0x2b: {  	s6 =	sld [smem:$0x3FAD]  }
0x2c: {  	s7 =	sld [smem:$0x3FAE]  }
0x2d: {  	s3 =	simm.s32 $0x108;
	s8 =	sld [smem:$0x3FAF]  }
0x2e: {  	s3 =	simm.s32 @!p0 $0x1082;
	s9 =	sld [smem:$0x3FB0]  }
0x2f: {  	lr =	sadd.s32 s0, s3;
	s0 =	sld [smem:$0x3FA7]  }
0x30: {  	s3 =	sld [smem:$0x3FAA]  }
0x31: {  	[smem:$0x3FB3] =	sst s10  }
0x32: {  	s10 =	sld [smem:$0x3FB1];
	_ =	sdelay $0x3  }
0x33: {  	p0 =	seq.s32 s10, $0x1;
	s10 =	sld [smem:$0x3FB3];
	_ =	sdelay $0x3  }
0x34: {  	[smem:$0x3FB3] =	sst s10  }
0x35: {  	s10 =	sld [smem:$0x3FB2];
	_ =	sdelay $0x3  }
0x36: {  	p1 =	seq.s32 s10, $0x1;
	s10 =	sld [smem:$0x3FB3];
	_ =	sdelay $0x3  }
0x37: {  	[smem:$0x3FB3] =	sst s10  }
0x38: {  	s10 =	sld [smem:$0x3FB4]  }
0x39: {  	_ = 	snop;
	(pc) =	sbr.ind lr, $3  }
0x3a: {  	_ = 	snop  }
0x3b: {  	_ = 	snop  }
0x3c: {  	p2 =	seq.s32 s10, $0x1;
	s10 =	sld [smem:$0x3FB3]  }
0x3d: {  	_ =	shalt  }
0x3e: {  	_ =	shalt  }
0x3f: {  	_ =	shalt  }
0x40: {  	_ =	shalt  }
0x41: {  	_ =	shalt  }
0x42: {  	_ =	shalt  }
0x43: {  	_ =	shalt  }
0x44: {  	_ =	shalt  }
0x45: {  	_ =	shalt  }
0x46: {  	_ =	shalt  }
0x47: {  	_ =	shalt  }
0x48: {  	_ =	shalt  }
0x49: {  	_ =	shalt  }
0x4a: {  	_ =	shalt  }
0x4b: {  	_ =	shalt  }
0x4c: {  	_ =	shalt  }
0x4d: {  	_ =	shalt  }
0x4e: {  	_ =	shalt  }
0x4f: {  	_ =	shalt  }
0x50: {  	_ =	shalt  }
0x51: {  	_ =	shalt  }
0x52: {  	_ =	shalt  }
0x53: {  	_ =	shalt  }
0x54: {  	_ =	shalt  }
0x55: {  	_ =	shalt  }
0x56: {  	_ =	shalt  }
0x57: {  	_ =	shalt  }
0x58: {  	_ =	shalt  }
0x59: {  	_ =	shalt  }
0x5a: {  	_ =	shalt  }
0x5b: {  	_ =	shalt  }
0x5c: {  	_ =	shalt  }
0x5d: {  	_ =	shalt  }
0x5e: {  	_ =	shalt  }
0x5f: {  	_ =	shalt  }
0x60: {  	_ =	shalt  }
0x61: {  	_ =	shalt  }
0x62: {  	_ =	shalt  }
0x63: {  	_ =	shalt  }
0x64: {  	_ =	shalt  }
0x65: {  	_ =	shalt  }
0x66: {  	_ =	shalt  }
0x67: {  	_ =	shalt  }
0x68: {  	_ =	shalt  }
0x69: {  	_ =	shalt  }
0x6a: {  	_ =	shalt  }
0x6b: {  	_ =	shalt  }
0x6c: {  	_ =	shalt  }
0x6d: {  	_ =	shalt  }
0x6e: {  	_ =	shalt  }
0x6f: {  	_ =	shalt  }
0x70: {  	_ =	shalt  }
0x71: {  	_ =	shalt  }
0x72: {  	_ =	shalt  }
0x73: {  	_ =	shalt  }
0x74: {  	_ =	shalt  }
0x75: {  	_ =	shalt  }
0x76: {  	_ =	shalt  }
0x77: {  	_ =	shalt  }
0x78: {  	_ =	shalt  }
0x79: {  	_ =	shalt  }
0x7a: {  	_ =	shalt  }
0x7b: {  	_ =	shalt  }
0x7c: {  	_ =	shalt  }
0x7d: {  	_ =	shalt  }
0x7e: {  	_ =	shalt  }
0x7f: {  	_ =	shalt  }
0x80: {  	_ =	shalt  }
0x81: {  	_ =	shalt  }
0x82: {  	_ =	shalt  }
0x83: {  	_ =	shalt  }
0x84: {  	_ =	shalt  }
0x85: {  	_ =	shalt  }
0x86: {  	_ =	shalt  }
0x87: {  	_ =	shalt  }
.Lfunc_end0:
.L_simem_size_0:
called_computation.2_lowered:
.L_overlay_start_0:
0x88: {  	s2 =	sld [smem:$0x3FD9]  }
0x89: {  	s3 =	sld [smem:$0x3FFE];
	_ =	sdelay $0x1  }
0x8a: {  	s1 =	srdreg.scid  }
0x8b: {  	s0 =	sand.u32 $0x1, s1  }
0x8c: {  	s16 =	sshll.u32 s0, $0xA;
	s2 =	sadd.s32 s3, s2  }
0x8d: {  	s2 =	sadd.s32 s2, s16  }
0x8e: {  	[smem:$0x3FBF] =	sst s2  }
0x8f: {  	_ = 	snop  }
0x90: {  	(tm) =	ssettm $0x1  }
0x91: {  	s17 =	sld [smem:$0x3FFB];
	_ =	sdelay $0x3  }
0x92: {  	_ =	strace s17  }
0x93: {  	s2 =	sld [smem:$0x3FFC];
	_ =	sdelay $0x3  }
0x94: {  	_ =	strace s2  }
0x95: {  	s2 =	sld [smem:$0x3FFD];
	_ =	sdelay $0x3  }
0x96: {  	_ =	strace s2  }
0x97: {  	_ =	strace $0x8FFFFFFF  }
0x98: {  	s18 =	sld [smem:$0x3FDB];
	_ =	sdelay $0x1  }
0x99: {  	s19 =	simm.s32 $_scs_section_size  }
0x9a: {  	s4 =	simm.s32 $_size__tile_overlayer_lowered;
	s5 =	simm.s32 $_tile_overlayer_lowered  }
0x9b: {  	s22 =	simm.s32 $0x1BFF;
	s21 =	sshll.u32 s5, $0x1;
	s2 =	sadd.s32 s19, s18  }
0x9c: {  	s6 =	simm.s32 $0x0;
	s20 =	sshll.u32 s4, $0x1;
	s4 =	sadd.s32 s21, s2  }
0x9d: {  	[timem:s6], [sflag:s22] =	dma.local [hbm:s4], s20  }
0x9e: {  	_ =	swait.ge [sflag:s22], s20  }
0x9f: {  	s3 =	ssub.s32 $0x0, s20;
	[sflag:s22] =	ssyncset.done $0x0  }
0xa0: {  	[sflag:s22] =	ssyncadd.s32 s3;
	_ =	sdelay $0x1  }
0xa1: {  	s23 =	simm.s32 $0x1B8B  }
0xa2: {  	_ =	swait.ge [sflag:s23], $0x1  }
0xa3: {  	[sflag:s23] =	ssyncset.done $0x0  }
0xa4: {  	s25 =	simm.s32 $0x1B8E;
	s24 =	sld [smem:$0x3FFE];
	[sflag:s23] =	ssyncadd.s32 $0xFFFFFFFF  }
0xa5: {  	s26 =	simm.s32 $execute0_lowered;
	[smem:$0x3FD2] =	sst s25  }
0xa6: {  	s4 =	sshll.u32 s26, $0x1;
	_ =	strace $0x8000004C;
	[dreg:$0x1] =	wrdreg $0xFFFFFFFF  }
0xa7: {  	s28 =	simm.s32 $_size_execute0_lowered;
	s2 =	sadd.s32 s2, s4;
	[dreg:$0x0] =	wrdreg $0x0  }
0xa8: {  	s4 =	sshll.u32 s28, $0x1;
	[dreg:$0x2] =	wrdreg s2  }
0xa9: {  	[dreg:$0x3] =	wrdreg s4  }
0xaa: {  	[dreg:$0x4] =	wrdreg $0xC0  }
0xab: {  	_ =	task [dreg:s6], $0x5FFFF  }
0xac: {  	[dreg:$0x1] =	wrdreg $0xFFFFFFFF  }
0xad: {  	[dreg:$0x0] =	wrdreg $0x60  }
0xae: {  	[dreg:$0x2] =	wrdreg s24  }
0xaf: {  	[dreg:$0x3] =	wrdreg $0x120000  }
0xb0: {  	[dreg:$0x4] =	wrdreg $0x9  }
0xb1: {  	_ =	task.clear_ibuf [dreg:s6], $0x5FFFF;
	_ =	strace $0x9000004C  }
0xb2: {  	s29 =	simm.s32 $0x9;
	_ =	strace $0x8000004E  }
0xb3: {  	_ =	swait.ge [sflag:s29], $0x1  }
0xb4: {  	[sflag:s29] =	ssyncadd.s32 $0xFFFFFFFF  }
0xb5: {  	_ =	strace $0x9000004E  }
0xb6: {  	_ =	sfence  }
0xb7: {  	s30 =	sld [smem:$0x0];
	_ =	sdelay $0x2  }
0xb8: {  	s31 =	sshll.u32 s1, $0xD;
	s1 =	sshrl.u32 s1, $0x2  }
0xb9: {  	s3 =	sand.u32 $0x4000, s31;
	s1 =	sadd.s32 s1, s30  }
0xba: {  	s0 =	sor.u32 s3, s0;
	s1 =	sshll.u32 s1, $0x11  }
0xbb: {  	s0 =	sor.u32 s1, s0  }
0xbc: {  	s0 =	sadd.s32 $0x8F2B, s0  }
0xbd: {  	[sflag:s0] =	ssyncadd.remote.s32 $0x1  }
0xbe: {  	_ =	sfence.sel $0xFFFF  }
0xbf: {  	[dreg:$0x0] =	wrdreg $0xFFFFFFFF;
	(pc) =	sbr.abs _section_cstart, $3  }
0xc0: {  	[dreg:$0x1] =	wrdreg $0xFFFFFFFF  }
0xc1: {  	_ =	task.clear_ibuf [dreg:s6], $0x2FFFF;
	_ =	strace $0x9FFFFFFF  }
0xc2: {  	(tm) =	ssettm $0x7FFFFFFF  }
0xc3: {  	_ =	shalt  }
tec
execute0_lowered:
.L_overlay_start_1:
0x0: {  	(tag) =	ssettag $0x1  }
0x1: {  	s0 =	srdreg.scid;
	s1 =	rddreg [dreg:$0x0]  }
0x2: {  	s7 =	stileid.u32;
	s2 =	rddreg [dreg:$0x1]  }
0x3: {  	s3 =	simm.s32 $0x0;
	s12 =	simm.s32 $0x5000;
	s14 =	simm.s32 $0x1  }
0x4: {  	s15 =	simm.s32 $0x80;
	s16 =	simm.s32 $0xA000;
	s17 =	simm.s32 $0xC000  }
0x5: {  	s19 =	simm.s32 $0xE000;
	s21 =	simm.s32 $0x10000;
	s22 =	simm.s32 $0x2  }
0x6: {  	s23 =	simm.s32 $0x3;
	s30 =	simm.s32 $0x4;
	s5 =	smul.u32 $0x5000, s7  }
0x7: {  	s31 =	simm.s32 $0x300;
	s0 =	sand.u32 $0x1, s0;
	s9 =	smul.u32 $0xA000, s7  }
0x8: {  	s18 =	simm.s32 $0x0;
	[smem:$0x7FF] =	sst s3;
	s4 =	smul.u32 $0x50000, s0  }
0x9: {  	s7 =	sshll.u32 s7, $0x6;
	s6 =	smul.u32 $0xA0000, s0;
	s0 =	ssub.s32 $0x2, s0  }
0xa: {  	_ =	strace $0x8000004D;
	s29 =	sshrl.u32 s0, $0x1;
	s13 =	sadd.s32 s9, s2  }
0xb: {  	s5 =	sadd.s32 s5, s4;
	s4 =	sadd.s32 $0x7A200, s1;
	s6 =	sadd.s32 s9, s6  }
.Ltmp0:
0xc: {  	s0 =	ssub.s32 s0, s29;
	s9 =	sor.u32 $0x1C03, s7;
	(pc) =	sbr.rel .LBB2_1-.Ltmp0, $4  }
0xd: {  	s13 =	sshrl.u32 s13, $0x3;
	s5 =	sshrl.u32 s5, $0x3;
	s6 =	sshrl.u32 s6, $0x3  }
0xe: {  	s11 =	smax.u32 s0, $0x1;
	s0 =	simm.s32 $0x6;
	s8 =	sadd.s32 s5, s1  }
0xf: {  	s5 =	sadd.s32 $0xA1400, s1;
	s1 =	sadd.s32 s6, s1;
	s6 =	sadd.s32 $0x16200, s8  }
0x10: {  	s8 =	sadd.s32 $0x1C00, s8;
	s10 =	sadd.s32 $0xA2800, s1;
	s1 =	simm.s32 $0x5  }
.LBB2_4:
0x11: {  	_ =	swait.ge [sflag:s22], $0x2000  }
0x12: {  	[sflag:s22] =	ssyncset.done $0x0  }
0x13: {  	[sflag:s22] =	ssyncadd.s32 $0xFFFFE000  }
0x14: {  	_ =	swait.ge [sflag:s23], $0x2000  }
0x15: {  	[sflag:s23] =	ssyncset.done $0x0  }
0x16: {  	[sflag:s23] =	ssyncadd.s32 $0xFFFFE000  }
0x17: {  	_ =	swait.ge [sflag:s30], $0x2000  }
0x18: {  	[sflag:s30] =	ssyncset.done $0x0  }
0x19: {  	[sflag:s30] =	ssyncadd.s32 $0xFFFFE000  }
0x1a: {  	_ =	swait.ge [sflag:s1], $0x2000  }
0x1b: {  	s18 =	sadd.s32 $0x1, s18;
	[sflag:s1] =	ssyncset.done $0x0  }
0x1c: {  	p0 =	sne.s32 s18, s11;
	[sflag:s1] =	ssyncadd.s32 $0xFFFFE000  }
.Ltmp1:
0x1d: {  	s20 =	sor.u32 $0x1C06, s7;
	[bflag:$0x0] =	sbarrier.arrive $0xFFFF;
	(pc) =	sbr.rel @!p0 .LBB2_5-.Ltmp1, $4  }
0x1e: {  	[hbm:s10], [sflag:s20] =	dma.local [spmem:s13], $0x1400  }
0x1f: {  	_ =	swait.ge [sflag:s0], $0x1400  }
0x20: {  	[sflag:s0] =	ssyncset.done $0x0  }
0x21: {  	[sflag:s0] =	ssyncadd.s32 $0xFFFFEC00  }
.LBB2_1:
0x22: {  	[tilespmem:s3], [sflag:$0x1] =	stream.linear.gather [hbm4b:s6+s3], $0x5000, $0x38;
	[tilespmem:$0x1C000] =	vst v63  }
0x23: {  	_ = 	snop  }
0x24: {  	[tilespmem:s12], [sflag:$0x2] =	stream.linear.gather [hbm4b:s8+s3], $0x5000, $0x38;
	[tilespmem:$0x1C000] =	vst v63  }
0x25: {  	[spmem:s13], [sflag:s9] =	dma.local [hbm:s5], $0x1400  }
0x26: {  	_ =	swait.ge [sflag:s14], $0x5000  }
0x27: {  	[sflag:s14] =	ssyncset.done $0x0  }
0x28: {  	[sflag:s14] =	ssyncadd.s32 $0xFFFFB000  }
0x29: {  	[tilespmem:s16], [sflag:$0x1] =	stream.indirect.gather [hbm4b:s4+s15], $0x40, s3, s15, $0xb8;
	[tilespmem:$0x1C000] =	vst v63  }
0x2a: {  	_ = 	snop  }
0x2b: {  	[tilespmem:s17], [sflag:$0x1] =	stream.indirect.gather [hbm4b:s4+s15], $0x40, s15, s15, $0xb8;
	[tilespmem:$0x1C000] =	vst v63  }
0x2c: {  	s20 =	simm.s32 $0x100  }
0x2d: {  	[tilespmem:s19], [sflag:$0x1] =	stream.indirect.gather [hbm4b:s4+s15], $0x40, s20, s15, $0xb8;
	[tilespmem:$0x1C000] =	vst v63  }
0x2e: {  	s29 =	simm.s32 $0x180  }
0x2f: {  	[tilespmem:s21], [sflag:$0x1] =	stream.indirect.gather [hbm4b:s4+s15], $0x40, s29, s15, $0xb8;
	[tilespmem:$0x1C000] =	vst v63  }
0x30: {  	_ =	swait.ge [sflag:s22], $0x5000  }
0x31: {  	[sflag:s22] =	ssyncset.done $0x0  }
0x32: {  	[sflag:s22] =	ssyncadd.s32 $0xFFFFB000  }
0x33: {  	_ =	swait.ge [sflag:s23], $0x1400  }
0x34: {  	[sflag:s23] =	ssyncset.done $0x0  }
0x35: {  	[sflag:s23] =	ssyncadd.s32 $0xFFFFEC00  }
0x36: {  	[bflag:$0x0] =	sbarrier.arrive $0xFFFF  }
0x37: {  	_ =	swait.ge [sflag:s14], $0x2000  }
0x38: {  	[sflag:s14] =	ssyncset.done $0x0  }
0x39: {  	[sflag:s14] =	ssyncadd.s32 $0xFFFFE000  }
0x3a: {  	[spmem:s2] =	stream.indirect.scatter.add.f32 [tilespmem:s16], [sflag:$0x2], $0x40, s12, s15, $0xb8;
	[tilespmem:$0x1C000] =	vst v63  }
0x3b: {  	_ =	swait.ge [sflag:s14], $0x2000  }
0x3c: {  	[sflag:s14] =	ssyncset.done $0x0  }
0x3d: {  	s24 =	simm.s32 $0x5080;
	[sflag:s14] =	ssyncadd.s32 $0xFFFFE000  }
0x3e: {  	[spmem:s2] =	stream.indirect.scatter.add.f32 [tilespmem:s17], [sflag:$0x3], $0x40, s24, s15, $0xb8;
	[tilespmem:$0x1C000] =	vst v63  }
0x3f: {  	_ =	swait.ge [sflag:s22], $0x2000  }
0x40: {  	[sflag:s22] =	ssyncset.done $0x0  }
0x41: {  	s25 =	simm.s32 $0x200;
	[sflag:s22] =	ssyncadd.s32 $0xFFFFE000  }
0x42: {  	[tilespmem:s16], [sflag:$0x1] =	stream.indirect.gather [hbm4b:s4+s15], $0x40, s25, s15, $0xb8;
	[tilespmem:$0x1C000] =	vst v63  }
0x43: {  	_ =	swait.ge [sflag:s14], $0x2000  }
0x44: {  	[sflag:s14] =	ssyncset.done $0x0  }
0x45: {  	s26 =	simm.s32 $0x5100;
	[sflag:s14] =	ssyncadd.s32 $0xFFFFE000  }
0x46: {  	[spmem:s2] =	stream.indirect.scatter.add.f32 [tilespmem:s19], [sflag:$0x4], $0x40, s26, s15, $0xb8;
	[tilespmem:$0x1C000] =	vst v63  }
0x47: {  	_ =	swait.ge [sflag:s23], $0x2000  }
0x48: {  	[sflag:s23] =	ssyncset.done $0x0  }
0x49: {  	s28 =	simm.s32 $0x280;
	[sflag:s23] =	ssyncadd.s32 $0xFFFFE000  }
0x4a: {  	[tilespmem:s17], [sflag:$0x1] =	stream.indirect.gather [hbm4b:s4+s15], $0x40, s28, s15, $0xb8;
	[tilespmem:$0x1C000] =	vst v63  }
0x4b: {  	_ =	swait.ge [sflag:s14], $0x2000  }
0x4c: {  	[sflag:s14] =	ssyncset.done $0x0  }
0x4d: {  	s29 =	simm.s32 $0x5180;
	[sflag:s14] =	ssyncadd.s32 $0xFFFFE000  }
0x4e: {  	[spmem:s2] =	stream.indirect.scatter.add.f32 [tilespmem:s21], [sflag:$0x5], $0x40, s29, s15, $0xb8;
	[tilespmem:$0x1C000] =	vst v63  }
0x4f: {  	_ =	swait.ge [sflag:s30], $0x2000  }
0x50: {  	[sflag:s30] =	ssyncset.done $0x0  }
0x51: {  	s20 =	simm.s32 $0x0;
	[sflag:s30] =	ssyncadd.s32 $0xFFFFE000  }
0x52: {  	[tilespmem:s19], [sflag:$0x1] =	stream.indirect.gather [hbm4b:s4+s15], $0x40, s31, s15, $0xb8;
	[tilespmem:$0x1C000] =	vst v63  }
.LBB2_2:
0x53: {  	_ =	swait.ge [sflag:s14], $0x2000  }
0x54: {  	s24 =	sshra.s32 s20, $0x2;
	[sflag:s14] =	ssyncset.done $0x0  }
0x55: {  	s25 =	sadd.s32 $0x5200, s24;
	[sflag:s14] =	ssyncadd.s32 $0xFFFFE000  }
0x56: {  	[spmem:s2] =	stream.indirect.scatter.add.f32 [tilespmem:s16], [sflag:$0x2], $0x40, s25, s15, $0xb8;
	[tilespmem:$0x1C000] =	vst v63  }
0x57: {  	_ =	swait.ge [sflag:s1], $0x2000  }
0x58: {  	[sflag:s1] =	ssyncset.done $0x0  }
0x59: {  	s26 =	sadd.s32 $0x380, s24;
	[sflag:s1] =	ssyncadd.s32 $0xFFFFE000  }
0x5a: {  	[tilespmem:s21], [sflag:$0x1] =	stream.indirect.gather [hbm4b:s4+s15], $0x40, s26, s15, $0xb8;
	[tilespmem:$0x1C000] =	vst v63  }
0x5b: {  	_ =	swait.ge [sflag:s14], $0x2000  }
0x5c: {  	p0 =	seq.s32 s20, $0x13000;
	[sflag:s14] =	ssyncset.done $0x0  }
0x5d: {  	s28 =	sadd.s32 $0x5280, s24;
	s25 =	simm.s32 @p0 $0x1;
	[sflag:s14] =	ssyncadd.s32 $0xFFFFE000  }
0x5e: {  	[spmem:s2] =	stream.indirect.scatter.add.f32 [tilespmem:s17], [sflag:$0x3], $0x40, s28, s15, $0xb8;
	[tilespmem:$0x1C000] =	vst v63  }
0x5f: {  	_ =	swait.ge @p0 [sflag:s25], $0x2000  }
0x60: {  	[sflag:s25] =	ssyncset.done @p0 $0x0  }
0x61: {  	[sflag:s25] =	ssyncadd.s32 @p0 $0xFFFFE000;
	s25 =	sshra.s32 @p0 s20, $0x2  }
0x62: {  	s26 =	simm.s32 @p0 $0x80;
	s28 =	simm.s32 @p0 $0xE000;
	s25 =	sadd.s32 @p0 $0x5300, s25  }
0x63: {  	[spmem:s2] =	stream.indirect.scatter.add.f32 @p0 [tilespmem:s28], [sflag:$0x4], $0x40, s25, s26, $0xb8;
	[tilespmem:$0x1C000] =	vst v63  }
0x64: {  	s25 =	simm.s32 @!p0 $0x2  }
0x65: {  	_ =	swait.ge @!p0 [sflag:s25], $0x2000  }
0x66: {  	[sflag:s25] =	ssyncset.done @!p0 $0x0  }
0x67: {  	[sflag:s25] =	ssyncadd.s32 @!p0 $0xFFFFE000;
	s25 =	sshra.s32 @!p0 s20, $0x2  }
0x68: {  	s29 =	simm.s32 @!p0 $0xA000;
	s28 =	simm.s32 @!p0 $0x80;
	s26 =	sadd.s32 @!p0 $0x400, s25  }
0x69: {  	[tilespmem:s29], [sflag:$0x1] =	stream.indirect.gather @!p0 [hbm4b:s4+s28], $0x40, s26, s28, $0xb8;
	[tilespmem:$0x1C000] =	vst v63  }
0x6a: {  	s26 =	simm.s32 @!p0 $0x1  }
0x6b: {  	_ =	swait.ge @!p0 [sflag:s26], $0x2000  }
0x6c: {  	[sflag:s26] =	ssyncset.done @!p0 $0x0  }
0x6d: {  	s29 =	simm.s32 @!p0 $0xE000;
	[sflag:s26] =	ssyncadd.s32 @!p0 $0xFFFFE000;
	s26 =	sadd.s32 @!p0 $0x5300, s25  }
0x6e: {  	[spmem:s2] =	stream.indirect.scatter.add.f32 @!p0 [tilespmem:s29], [sflag:$0x4], $0x40, s26, s28, $0xb8;
	[tilespmem:$0x1C000] =	vst v63  }
0x6f: {  	s26 =	simm.s32 @!p0 $0x3  }
0x70: {  	_ =	swait.ge @!p0 [sflag:s26], $0x2000  }
0x71: {  	[sflag:s26] =	ssyncset.done @!p0 $0x0  }
0x72: {  	s25 =	sadd.s32 @!p0 $0x480, s25;
	[sflag:s26] =	ssyncadd.s32 @!p0 $0xFFFFE000;
	s26 =	simm.s32 @!p0 $0xC000  }
0x73: {  	[tilespmem:s26], [sflag:$0x1] =	stream.indirect.gather @!p0 [hbm4b:s4+s28], $0x40, s25, s28, $0xb8;
	[tilespmem:$0x1C000] =	vst v63  }
.Ltmp2:
0x74: {  	_ = 	snop;
	(pc) =	sbr.rel @p0 .LBB2_4-.Ltmp2, $4  }
0x75: {  	_ =	swait.ge [sflag:s14], $0x2000  }
0x76: {  	[sflag:s14] =	ssyncset.done $0x0  }
0x77: {  	s29 =	sadd.s32 $0x5380, s24;
	[sflag:s14] =	ssyncadd.s32 $0xFFFFE000  }
0x78: {  	[spmem:s2] =	stream.indirect.scatter.add.f32 [tilespmem:s21], [sflag:$0x5], $0x40, s29, s15, $0xb8;
	[tilespmem:$0x1C000] =	vst v63  }
.Ltmp3:
0x79: {  	(pc) =	sbr.rel .LBB2_2-.Ltmp3, $4  }
0x7a: {  	_ =	swait.ge [sflag:s30], $0x2000  }
0x7b: {  	[sflag:s30] =	ssyncset.done $0x0  }
0x7c: {  	s24 =	sadd.s32 $0x500, s24;
	s20 =	sadd.s32 $0x800, s20;
	[sflag:s30] =	ssyncadd.s32 $0xFFFFE000  }
0x7d: {  	[tilespmem:s19], [sflag:$0x1] =	stream.indirect.gather [hbm4b:s4+s15], $0x40, s24, s15, $0xb8;
	[tilespmem:$0x1C000] =	vst v63  }
.LBB2_5:
0x7e: {  	_ =	sfence.sel $0x180000  }
0x7f: {  	[bflag:$0x0] =	sbarrier.arrive $0xFFFF  }
0x80: {  	_ =	strace $0x9000004D  }
0x81: {  	s0 =	stileid.u32;
	[bflag:$0x2] =	sbarrier.arrive $0xFFFF  }
0x82: {  	p0 =	sne.s32 s0, $0x0;
	s0 =	rddreg [dreg:$0x2]  }
0x83: {  	s0 =	sadd.s32 @!p0 $0x100000, s0  }
0x84: {  	[sflag:s0] =	ssyncadd.tile.s32 @!p0 $0x1;
	_ =	shalt  }
.Lfunc_end2:
_tile_overlayer_lowered:
.L_overlay_start_2:
0x85: {  	(tag) =	ssettag $0x2  }
0x86: {  	s0 =	rddreg [dreg:$0x0];
	s2 =	stileid.u32  }
0x87: {  	s1 =	rddreg [dreg:$0x1];
	p0 =	sne.s32 s2, $0x0  }
0x88: {  	s3 =	rddreg [dreg:$0x2];
	[bflag:$0x3] =	sbarrier.arrive $0xFFFF;
	s2 =	simm.s32 @!p0 $0x1C06  }
0x89: {  	[timem:s3], [sflag:s2] =	dma.local @!p0 [hbm:s0], s1  }
0x8a: {  	s0 =	simm.s32 @!p0 $0x6  }
0x8b: {  	_ =	swait.ge @!p0 [sflag:s0], s1  }
0x8c: {  	s1 =	ssub.s32 @!p0 $0x0, s1;
	[sflag:s0] =	ssyncset.done @!p0 $0x0  }
0x8d: {  	[sflag:s0] =	ssyncadd.s32 @!p0 s1  }
0x8e: {  	[bflag:$0x3] =	sbarrier.arrive $0xFFFF  }
0x8f: {  	_ =	shalt  }

// kernel: kernel.9.cloned.1.call-start
scs
__scs_entry_jumppad:
0x0: {  	(pc) =	sbr.rel $0x88, $3  }
0x1: {  	(tag) =	ssettag $0x0;
	lr =	simm.s32 $0x1  }
0x2: {  	[smem:$0x3F98] =	sst lr;
	_ =	strace $0xD0000000  }
0x3: {  	_ = 	snop  }
0x4: {  	_ = 	snop  }
0x5: {  	_ = 	snop  }
0x6: {  	_ = 	snop  }
0x7: {  	_ = 	snop  }
__scs_overlays_trampoline_lowered:
0x8: {  	[smem:$0x3FA7] =	sst s0  }
0x9: {  	[smem:$0x3FA8] =	sst s1  }
0xa: {  	[smem:$0x3FA9] =	sst s2  }
0xb: {  	[smem:$0x3FAA] =	sst s3  }
0xc: {  	[smem:$0x3FAB] =	sst s4  }
0xd: {  	[smem:$0x3FAC] =	sst s5  }
0xe: {  	[smem:$0x3FAD] =	sst s6  }
0xf: {  	[smem:$0x3FAE] =	sst s7  }
0x10: {  	[smem:$0x3FAF] =	sst s8  }
0x11: {  	[smem:$0x3FB0] =	sst s9;
	s0 =	simm.s32 @!p0 $0x0  }
0x12: {  	s1 =	sld [smem:$0x3F96];
	s0 =	simm.s32 @p0 $0x1  }
0x13: {  	[smem:$0x3FB1] =	sst s0;
	s0 =	simm.s32 @!p1 $0x0  }
0x14: {  	s2 =	sld [smem:$0x3F95];
	s0 =	simm.s32 @p1 $0x1  }
0x15: {  	[smem:$0x3FB2] =	sst s0;
	s0 =	simm.s32 @!p2 $0x0  }
0x16: {  	s3 =	sld [smem:$0x3FDB];
	s0 =	simm.s32 @p2 $0x1  }
0x17: {  	s4 =	simm.s32 $0x1BF5;
	[smem:$0x3FB4] =	sst s0  }
0x18: {  	s0 =	sld [smem:$0x3F97];
	_ =	swait.ge [sflag:s4], $0x0  }
0x19: {  	s7 =	sld [smem:$0x3F98]  }
0x1a: {  	s8 =	sadd.s32 $0xFFFFE003, lr  }
0x1b: {  	s9 =	sadd.s32 $0xFFFFFEF7, lr;
	s5 =	simm.s32 $0xFFFFFFFF;
	p2 =	slt.u32 s8, $0xFFFFF086  }
0x1c: {  	p1 =	slt.u32 s9, $0xF7A;
	s5 =	simm.s32 @!p2 $0x0  }
0x1d: {  	s5 =	simm.s32 @p1 $0x1;
	p0 =	seq.s32 s7, s2  }
0x1e: {  	s7 =	smul.u32 @!p0 $0xF7A, s2;
	p2 =	seq.s32 @!p0 s5, $0x0  }
0x1f: {  	s9 =	smul.u32 $0xF7A, s1;
	s8 =	simm.s32 @!p0 $0x1BF5;
	p2 =	por !p2, p0  }
0x20: {  	[sflag:s8] =	ssyncset.s32 @!p0 $0xFFFFF086;
	s6 =	sadd.s32 @!p0 s3, s7;
	s7 =	simm.s32 @!p0 $0x108  }
0x21: {  	s3 =	sadd.s32 s3, s9;
	s6 =	sadd.s32 @!p0 $0x88, s6;
	s7 =	simm.s32 @p2 $0x1082  }
0x22: {  	[simem:s7], [sflag:s8] =	dma.local @!p0 [hbm:s6], $0xF7A  }
0x23: {  	s9 =	sor.u32 $0xD0000000, s2;
	s6 =	simm.s32 $0x108;
	_ =	swait.ge @!p0 [sflag:s8], $0x0  }
0x24: {  	s3 =	sadd.s32 $0x88, s3;
	s6 =	simm.s32 @!p1 $0x1082;
	[sflag:s4] =	ssyncset.s32 $0xFFFFF086  }
0x25: {  	[simem:s6], [sflag:s4] =	dma.local [hbm:s3], $0xF7A  }
0x26: {  	[smem:$0x3F98] =	sst s1;
	(tag) =	ssettag s2;
	_ =	strace s9  }
0x27: {  	s1 =	sld [smem:$0x3FA8]  }
0x28: {  	s2 =	sld [smem:$0x3FA9]  }
0x29: {  	s4 =	sld [smem:$0x3FAB]  }
0x2a: {  	p0 =	seq.s32 s5, $0x0;
	s5 =	sld [smem:$0x3FAC]  }
0x2b: {  	s6 =	sld [smem:$0x3FAD]  }
0x2c: {  	s7 =	sld [smem:$0x3FAE]  }
0x2d: {  	s3 =	simm.s32 $0x108;
	s8 =	sld [smem:$0x3FAF]  }
0x2e: {  	s3 =	simm.s32 @!p0 $0x1082;
	s9 =	sld [smem:$0x3FB0]  }
0x2f: {  	lr =	sadd.s32 s0, s3;
	s0 =	sld [smem:$0x3FA7]  }
0x30: {  	s3 =	sld [smem:$0x3FAA]  }
0x31: {  	[smem:$0x3FB3] =	sst s10  }
0x32: {  	s10 =	sld [smem:$0x3FB1];
	_ =	sdelay $0x3  }
0x33: {  	p0 =	seq.s32 s10, $0x1;
	s10 =	sld [smem:$0x3FB3];
	_ =	sdelay $0x3  }
0x34: {  	[smem:$0x3FB3] =	sst s10  }
0x35: {  	s10 =	sld [smem:$0x3FB2];
	_ =	sdelay $0x3  }
0x36: {  	p1 =	seq.s32 s10, $0x1;
	s10 =	sld [smem:$0x3FB3];
	_ =	sdelay $0x3  }
0x37: {  	[smem:$0x3FB3] =	sst s10  }
0x38: {  	s10 =	sld [smem:$0x3FB4]  }
0x39: {  	_ = 	snop;
	(pc) =	sbr.ind lr, $3  }
0x3a: {  	_ = 	snop  }
0x3b: {  	_ = 	snop  }
0x3c: {  	p2 =	seq.s32 s10, $0x1;
	s10 =	sld [smem:$0x3FB3]  }
0x3d: {  	_ =	shalt  }
0x3e: {  	_ =	shalt  }
0x3f: {  	_ =	shalt  }
0x40: {  	_ =	shalt  }
0x41: {  	_ =	shalt  }
0x42: {  	_ =	shalt  }
0x43: {  	_ =	shalt  }
0x44: {  	_ =	shalt  }
0x45: {  	_ =	shalt  }
0x46: {  	_ =	shalt  }
0x47: {  	_ =	shalt  }
0x48: {  	_ =	shalt  }
0x49: {  	_ =	shalt  }
0x4a: {  	_ =	shalt  }
0x4b: {  	_ =	shalt  }
0x4c: {  	_ =	shalt  }
0x4d: {  	_ =	shalt  }
0x4e: {  	_ =	shalt  }
0x4f: {  	_ =	shalt  }
0x50: {  	_ =	shalt  }
0x51: {  	_ =	shalt  }
0x52: {  	_ =	shalt  }
0x53: {  	_ =	shalt  }
0x54: {  	_ =	shalt  }
0x55: {  	_ =	shalt  }
0x56: {  	_ =	shalt  }
0x57: {  	_ =	shalt  }
0x58: {  	_ =	shalt  }
0x59: {  	_ =	shalt  }
0x5a: {  	_ =	shalt  }
0x5b: {  	_ =	shalt  }
0x5c: {  	_ =	shalt  }
0x5d: {  	_ =	shalt  }
0x5e: {  	_ =	shalt  }
0x5f: {  	_ =	shalt  }
0x60: {  	_ =	shalt  }
0x61: {  	_ =	shalt  }
0x62: {  	_ =	shalt  }
0x63: {  	_ =	shalt  }
0x64: {  	_ =	shalt  }
0x65: {  	_ =	shalt  }
0x66: {  	_ =	shalt  }
0x67: {  	_ =	shalt  }
0x68: {  	_ =	shalt  }
0x69: {  	_ =	shalt  }
0x6a: {  	_ =	shalt  }
0x6b: {  	_ =	shalt  }
0x6c: {  	_ =	shalt  }
0x6d: {  	_ =	shalt  }
0x6e: {  	_ =	shalt  }
0x6f: {  	_ =	shalt  }
0x70: {  	_ =	shalt  }
0x71: {  	_ =	shalt  }
0x72: {  	_ =	shalt  }
0x73: {  	_ =	shalt  }
0x74: {  	_ =	shalt  }
0x75: {  	_ =	shalt  }
0x76: {  	_ =	shalt  }
0x77: {  	_ =	shalt  }
0x78: {  	_ =	shalt  }
0x79: {  	_ =	shalt  }
0x7a: {  	_ =	shalt  }
0x7b: {  	_ =	shalt  }
0x7c: {  	_ =	shalt  }
0x7d: {  	_ =	shalt  }
0x7e: {  	_ =	shalt  }
0x7f: {  	_ =	shalt  }
0x80: {  	_ =	shalt  }
0x81: {  	_ =	shalt  }
0x82: {  	_ =	shalt  }
0x83: {  	_ =	shalt  }
0x84: {  	_ =	shalt  }
0x85: {  	_ =	shalt  }
0x86: {  	_ =	shalt  }
0x87: {  	_ =	shalt  }
.Lfunc_end0:
.L_simem_size_0:
called_computation_lowered:
.L_overlay_start_0:
0x88: {  	s2 =	sld [smem:$0x3FD9]  }
0x89: {  	s3 =	sld [smem:$0x3FFE];
	_ =	sdelay $0x1  }
0x8a: {  	s1 =	srdreg.scid  }
0x8b: {  	s0 =	sand.u32 $0x1, s1  }
0x8c: {  	s17 =	sshll.u32 s0, $0xA;
	s2 =	sadd.s32 s3, s2  }
0x8d: {  	s2 =	sadd.s32 s2, s17  }
0x8e: {  	[smem:$0x3FBF] =	sst s2  }
0x8f: {  	_ = 	snop  }
0x90: {  	s2 =	sld [smem:$0x3FD0];
	(tm) =	ssettm $0x1  }
0x91: {  	s18 =	sld [smem:$0x3FFB];
	_ =	sdelay $0x3  }
0x92: {  	_ =	strace s18  }
0x93: {  	s3 =	sld [smem:$0x3FFC];
	_ =	sdelay $0x3  }
0x94: {  	_ =	strace s3  }
0x95: {  	s3 =	sld [smem:$0x3FFD];
	_ =	sdelay $0x3  }
0x96: {  	_ =	strace s3  }
0x97: {  	_ =	strace $0x8FFFFFFF  }
0x98: {  	s19 =	sld [smem:$0x3FDB];
	_ =	sdelay $0x1  }
0x99: {  	s4 =	simm.s32 $_scs_section_size  }
0x9a: {  	s5 =	simm.s32 $_size__tile_overlayer_lowered;
	s6 =	simm.s32 $_tile_overlayer_lowered  }
0x9b: {  	s22 =	simm.s32 $0x1BFF;
	s21 =	sshll.u32 s6, $0x1;
	s3 =	sadd.s32 s4, s19  }
0x9c: {  	s7 =	simm.s32 $0x0;
	s20 =	sshll.u32 s5, $0x1;
	s5 =	sadd.s32 s21, s3  }
0x9d: {  	[timem:s7], [sflag:s22] =	dma.local [hbm:s5], s20  }
0x9e: {  	_ =	swait.ge [sflag:s22], s20  }
0x9f: {  	s4 =	ssub.s32 $0x0, s20;
	[sflag:s22] =	ssyncset.done $0x0  }
0xa0: {  	[sflag:s22] =	ssyncadd.s32 s4;
	_ =	sdelay $0x1  }
0xa1: {  	s23 =	simm.s32 $0x1B8B  }
0xa2: {  	_ =	swait.ge [sflag:s23], $0x1  }
0xa3: {  	[sflag:s23] =	ssyncset.done $0x0  }
0xa4: {  	s25 =	simm.s32 $0x1B8E;
	s24 =	sld [smem:$0x3FFE];
	[sflag:s23] =	ssyncadd.s32 $0xFFFFFFFF  }
0xa5: {  	s26 =	simm.s32 $execute0_lowered;
	[smem:$0x3FD2] =	sst s25  }
0xa6: {  	s5 =	sshll.u32 s26, $0x1;
	_ =	strace $0x80000046;
	[dreg:$0x1] =	wrdreg $0xFFFFFFFF  }
0xa7: {  	s28 =	simm.s32 $_size_execute0_lowered;
	s3 =	sadd.s32 s3, s5;
	[dreg:$0x0] =	wrdreg $0x0  }
0xa8: {  	s5 =	sshll.u32 s28, $0x1;
	[dreg:$0x2] =	wrdreg s3  }
0xa9: {  	[dreg:$0x3] =	wrdreg s5  }
0xaa: {  	[dreg:$0x4] =	wrdreg $0xC0  }
0xab: {  	_ =	task [dreg:s7], $0x5FFFF  }
0xac: {  	[dreg:$0x1] =	wrdreg $0xFFFFFFFF  }
0xad: {  	[dreg:$0x0] =	wrdreg $0x60  }
0xae: {  	[dreg:$0x2] =	wrdreg s24  }
0xaf: {  	[dreg:$0x3] =	wrdreg s2  }
0xb0: {  	[dreg:$0x4] =	wrdreg $0x30000  }
0xb1: {  	[dreg:$0x5] =	wrdreg $0x9  }
0xb2: {  	_ =	task.clear_ibuf [dreg:s7], $0x6FFFF;
	_ =	strace $0x90000046  }
0xb3: {  	s29 =	simm.s32 $0x9;
	_ =	strace $0x80000048  }
0xb4: {  	_ =	swait.ge [sflag:s29], $0x1  }
0xb5: {  	[sflag:s29] =	ssyncadd.s32 $0xFFFFFFFF  }
0xb6: {  	_ =	strace $0x90000048  }
0xb7: {  	_ =	sfence  }
0xb8: {  	s30 =	sld [smem:$0x0];
	_ =	sdelay $0x2  }
0xb9: {  	s31 =	sshll.u32 s1, $0xD;
	s1 =	sshrl.u32 s1, $0x2  }
0xba: {  	s3 =	sand.u32 $0x4000, s31;
	s1 =	sadd.s32 s1, s30  }
0xbb: {  	s0 =	sor.u32 s3, s0;
	s1 =	sshll.u32 s1, $0x11  }
0xbc: {  	s0 =	sor.u32 s1, s0  }
0xbd: {  	s0 =	sadd.s32 $0x8F2B, s0  }
0xbe: {  	[sflag:s0] =	ssyncadd.remote.s32 $0x1  }
0xbf: {  	_ =	sfence.sel $0xFFFF  }
0xc0: {  	[dreg:$0x0] =	wrdreg $0xFFFFFFFF;
	(pc) =	sbr.abs _section_cstart, $3  }
0xc1: {  	[dreg:$0x1] =	wrdreg $0xFFFFFFFF  }
0xc2: {  	_ =	task.clear_ibuf [dreg:s7], $0x2FFFF;
	_ =	strace $0x9FFFFFFF  }
0xc3: {  	(tm) =	ssettm $0x7FFFFFFF  }
tec
execute0_lowered:
.L_overlay_start_1:
0x0: {  	(tag) =	ssettag $0x1  }
0x1: {  	s6 =	rddreg [dreg:$0x0]  }
0x2: {  	s2 =	rddreg [dreg:$0x1]  }
0x3: {  	s0 =	srdreg.scid;
	s3 =	rddreg [dreg:$0x2]  }
0x4: {  	s1 =	rddreg [dreg:$0x3];
	s4 =	simm.s32 $0x0;
	s13 =	simm.s32 $0x80  }
0x5: {  	s14 =	simm.s32 $0x1;
	s5 =	sand.u32 $0x1, s0;
	s0 =	stileid.u32  }
0x6: {  	s15 =	simm.s32 $0x0;
	[smem:$0x7FF] =	sst s4;
	s7 =	smul.u32 $0x28000, s5  }
0x7: {  	s8 =	smul.u32 $0x2800, s0;
	s9 =	ssub.s32 $0x2, s5;
	_ =	strace $0x80000047  }
0x8: {  	s5 =	sadd.s32 $0xBC00, s6;
	s11 =	sshll.u32 s0, $0x6;
	s10 =	sshrl.u32 s9, $0x1  }
0x9: {  	s11 =	sor.u32 $0x1C02, s11;
	s7 =	sadd.s32 s8, s7;
	s9 =	ssub.s32 s9, s10  }
0xa: {  	s12 =	sadd.s32 s8, s3;
	s10 =	simm.s32 $0x2800;
	s7 =	sshrl.u32 s7, $0x3  }
0xb: {  	s8 =	smax.u32 s9, $0x1;
	s9 =	simm.s32 $0x2;
	s7 =	sadd.s32 s7, s6  }
0xc: {  	s12 =	sshrl.u32 s12, $0x3;
	s6 =	sadd.s32 $0x1C00, s7;
	s7 =	sadd.s32 $0xC200, s7  }
.LBB2_1:
0xd: {  	[tilespmem:s4], [sflag:$0x2] =	stream.linear.gather [hbm4b:s6+s4], $0x2800, $0x38;
	[tilespmem:$0x5800] =	vst v63  }
0xe: {  	_ =	swait.ge [sflag:s9], $0x2800  }
0xf: {  	[sflag:s9] =	ssyncset.done $0x0  }
0x10: {  	[sflag:s9] =	ssyncadd.s32 $0xFFFFD800  }
0x11: {  	[tilespmem:s10], [sflag:$0x2] =	stream.linear.gather [hbm4b:s2+s4], $0x800, $0x38;
	[tilespmem:$0x5800] =	vst v63  }
0x12: {  	_ =	swait.ge [sflag:s9], $0x800  }
0x13: {  	[sflag:s9] =	ssyncset.done $0x0  }
0x14: {  	[sflag:s9] =	ssyncadd.s32 $0xFFFFF800  }
0x15: {  	[spmem:s12], [sflag:s11] =	dma.local [hbm:s5], $0x500  }
0x16: {  	_ =	swait.ge [sflag:s9], $0x500  }
0x17: {  	[sflag:s9] =	ssyncset.done $0x0  }
0x18: {  	[sflag:s9] =	ssyncadd.s32 $0xFFFFFB00  }
0x19: {  	s16 =	simm.s32 $0x0;
	[bflag:$0x0] =	sbarrier.arrive $0xFFFF  }
0x1a: {  	[spmem:s3] =	stream.indirect.scatter.add.f32 [tilespmem:s10], [sflag:$0x1], $0x10, s16, s13, $0xb8;
	[tilespmem:$0x5800] =	vst v63  }
0x1b: {  	s24 =	simm.s32 $0x80  }
0x1c: {  	[spmem:s3] =	stream.indirect.scatter.add.f32 [tilespmem:s10], [sflag:$0x1], $0x10, s24, s13, $0xb8;
	[tilespmem:$0x5800] =	vst v63  }
0x1d: {  	s25 =	simm.s32 $0x100  }
0x1e: {  	[spmem:s3] =	stream.indirect.scatter.add.f32 [tilespmem:s10], [sflag:$0x1], $0x10, s25, s13, $0xb8;
	[tilespmem:$0x5800] =	vst v63  }
0x1f: {  	s26 =	simm.s32 $0x180  }
0x20: {  	[spmem:s3] =	stream.indirect.scatter.add.f32 [tilespmem:s10], [sflag:$0x1], $0x10, s26, s13, $0xb8;
	[tilespmem:$0x5800] =	vst v63  }
0x21: {  	s28 =	simm.s32 $0x200  }
0x22: {  	[spmem:s3] =	stream.indirect.scatter.add.f32 [tilespmem:s10], [sflag:$0x1], $0x10, s28, s13, $0xb8;
	[tilespmem:$0x5800] =	vst v63  }
0x23: {  	s29 =	simm.s32 $0x280  }
0x24: {  	[spmem:s3] =	stream.indirect.scatter.add.f32 [tilespmem:s10], [sflag:$0x1], $0x10, s29, s13, $0xb8;
	[tilespmem:$0x5800] =	vst v63  }
0x25: {  	s30 =	simm.s32 $0x300  }
0x26: {  	[spmem:s3] =	stream.indirect.scatter.add.f32 [tilespmem:s10], [sflag:$0x1], $0x10, s30, s13, $0xb8;
	[tilespmem:$0x5800] =	vst v63  }
0x27: {  	s31 =	simm.s32 $0x380  }
0x28: {  	[spmem:s3] =	stream.indirect.scatter.add.f32 [tilespmem:s10], [sflag:$0x1], $0x10, s31, s13, $0xb8;
	[tilespmem:$0x5800] =	vst v63  }
0x29: {  	_ =	swait.ge [sflag:s14], $0x800  }
0x2a: {  	[sflag:s14] =	ssyncset.done $0x0  }
0x2b: {  	[sflag:s14] =	ssyncadd.s32 $0xFFFFF800  }
0x2c: {  	_ =	swait.ge [sflag:s14], $0x800  }
0x2d: {  	[sflag:s14] =	ssyncset.done $0x0  }
0x2e: {  	[sflag:s14] =	ssyncadd.s32 $0xFFFFF800  }
0x2f: {  	_ =	swait.ge [sflag:s14], $0x800  }
0x30: {  	[sflag:s14] =	ssyncset.done $0x0  }
0x31: {  	[sflag:s14] =	ssyncadd.s32 $0xFFFFF800  }
0x32: {  	_ =	swait.ge [sflag:s14], $0x800  }
0x33: {  	[sflag:s14] =	ssyncset.done $0x0  }
0x34: {  	[sflag:s14] =	ssyncadd.s32 $0xFFFFF800  }
0x35: {  	_ =	swait.ge [sflag:s14], $0x800  }
0x36: {  	[sflag:s14] =	ssyncset.done $0x0  }
0x37: {  	[sflag:s14] =	ssyncadd.s32 $0xFFFFF800  }
0x38: {  	_ =	swait.ge [sflag:s14], $0x800  }
0x39: {  	[sflag:s14] =	ssyncset.done $0x0  }
0x3a: {  	[sflag:s14] =	ssyncadd.s32 $0xFFFFF800  }
0x3b: {  	_ =	swait.ge [sflag:s14], $0x800  }
0x3c: {  	[sflag:s14] =	ssyncset.done $0x0  }
0x3d: {  	[sflag:s14] =	ssyncadd.s32 $0xFFFFF800  }
0x3e: {  	_ =	swait.ge [sflag:s14], $0x800  }
0x3f: {  	s18 =	simm.s32 $0x2000;
	s16 =	simm.s32 $0x1000;
	[sflag:s14] =	ssyncset.done $0x0  }
.LBB2_2:
0x40: {  	s19 =	sshra.s32 s16, $0x2  }
0x41: {  	[sflag:s14] =	ssyncadd.s32 $0xFFFFF800;
	s16 =	smov.u32 s18;
	s17 =	sadd.s32 $0x1000, s18  }
0x42: {  	[spmem:s3] =	stream.indirect.scatter.add.f32 [tilespmem:s10], [sflag:$0x1], $0x10, s19, s13, $0xb8;
	[tilespmem:$0x5800] =	vst v63  }
0x43: {  	p0 =	sne.s32 s18, $0x9000;
	s18 =	sadd.s32 $0x80, s19  }
0x44: {  	[spmem:s3] =	stream.indirect.scatter.add.f32 [tilespmem:s10], [sflag:$0x1], $0x10, s18, s13, $0xb8;
	[tilespmem:$0x5800] =	vst v63  }
0x45: {  	s18 =	sadd.s32 $0x100, s19  }
0x46: {  	[spmem:s3] =	stream.indirect.scatter.add.f32 [tilespmem:s10], [sflag:$0x1], $0x10, s18, s13, $0xb8;
	[tilespmem:$0x5800] =	vst v63  }
0x47: {  	s18 =	sadd.s32 $0x180, s19  }
0x48: {  	[spmem:s3] =	stream.indirect.scatter.add.f32 [tilespmem:s10], [sflag:$0x1], $0x10, s18, s13, $0xb8;
	[tilespmem:$0x5800] =	vst v63  }
0x49: {  	s18 =	sadd.s32 $0x200, s19  }
0x4a: {  	[spmem:s3] =	stream.indirect.scatter.add.f32 [tilespmem:s10], [sflag:$0x1], $0x10, s18, s13, $0xb8;
	[tilespmem:$0x5800] =	vst v63  }
0x4b: {  	s18 =	sadd.s32 $0x280, s19  }
0x4c: {  	[spmem:s3] =	stream.indirect.scatter.add.f32 [tilespmem:s10], [sflag:$0x1], $0x10, s18, s13, $0xb8;
	[tilespmem:$0x5800] =	vst v63  }
0x4d: {  	s18 =	sadd.s32 $0x300, s19  }
0x4e: {  	[spmem:s3] =	stream.indirect.scatter.add.f32 [tilespmem:s10], [sflag:$0x1], $0x10, s18, s13, $0xb8;
	[tilespmem:$0x5800] =	vst v63  }
0x4f: {  	s18 =	sadd.s32 $0x380, s19  }
0x50: {  	[spmem:s3] =	stream.indirect.scatter.add.f32 [tilespmem:s10], [sflag:$0x1], $0x10, s18, s13, $0xb8;
	[tilespmem:$0x5800] =	vst v63  }
0x51: {  	_ =	swait.ge [sflag:s14], $0x800  }
0x52: {  	[sflag:s14] =	ssyncset.done $0x0  }
0x53: {  	[sflag:s14] =	ssyncadd.s32 $0xFFFFF800  }
0x54: {  	_ =	swait.ge [sflag:s14], $0x800  }
0x55: {  	[sflag:s14] =	ssyncset.done $0x0  }
0x56: {  	[sflag:s14] =	ssyncadd.s32 $0xFFFFF800  }
0x57: {  	_ =	swait.ge [sflag:s14], $0x800  }
0x58: {  	[sflag:s14] =	ssyncset.done $0x0  }
0x59: {  	[sflag:s14] =	ssyncadd.s32 $0xFFFFF800  }
0x5a: {  	_ =	swait.ge [sflag:s14], $0x800  }
0x5b: {  	[sflag:s14] =	ssyncset.done $0x0  }
0x5c: {  	[sflag:s14] =	ssyncadd.s32 $0xFFFFF800  }
0x5d: {  	_ =	swait.ge [sflag:s14], $0x800  }
0x5e: {  	[sflag:s14] =	ssyncset.done $0x0  }
0x5f: {  	[sflag:s14] =	ssyncadd.s32 $0xFFFFF800  }
0x60: {  	_ =	swait.ge [sflag:s14], $0x800  }
0x61: {  	[sflag:s14] =	ssyncset.done $0x0  }
0x62: {  	[sflag:s14] =	ssyncadd.s32 $0xFFFFF800  }
.Ltmp0:
0x63: {  	_ =	swait.ge [sflag:s14], $0x800;
	(pc) =	sbr.rel @p0 .LBB2_2-.Ltmp0, $4  }
0x64: {  	[sflag:s14] =	ssyncset.done $0x0  }
0x65: {  	[sflag:s14] =	ssyncadd.s32 $0xFFFFF800  }
0x66: {  	_ =	swait.ge [sflag:s14], $0x800  }
0x67: {  	s18 =	smov.u32 s17;
	[sflag:s14] =	ssyncset.done $0x0  }
0x68: {  	s16 =	sshra.s32 s16, $0x2;
	[sflag:s14] =	ssyncadd.s32 $0xFFFFF800  }
0x69: {  	[spmem:s3] =	stream.indirect.scatter.add.f32 [tilespmem:s10], [sflag:$0x1], $0x10, s16, s13, $0xb8;
	[tilespmem:$0x5800] =	vst v63  }
0x6a: {  	s17 =	sadd.s32 $0x80, s16  }
0x6b: {  	[spmem:s3] =	stream.indirect.scatter.add.f32 [tilespmem:s10], [sflag:$0x1], $0x10, s17, s13, $0xb8;
	[tilespmem:$0x5800] =	vst v63  }
0x6c: {  	s26 =	sadd.s32 $0x100, s16  }
0x6d: {  	[spmem:s3] =	stream.indirect.scatter.add.f32 [tilespmem:s10], [sflag:$0x1], $0x10, s26, s13, $0xb8;
	[tilespmem:$0x5800] =	vst v63  }
0x6e: {  	s28 =	sadd.s32 $0x180, s16  }
0x6f: {  	[spmem:s3] =	stream.indirect.scatter.add.f32 [tilespmem:s10], [sflag:$0x1], $0x10, s28, s13, $0xb8;
	[tilespmem:$0x5800] =	vst v63  }
0x70: {  	s29 =	sadd.s32 $0x200, s16  }
0x71: {  	[spmem:s3] =	stream.indirect.scatter.add.f32 [tilespmem:s10], [sflag:$0x1], $0x10, s29, s13, $0xb8;
	[tilespmem:$0x5800] =	vst v63  }
0x72: {  	s30 =	sadd.s32 $0x280, s16  }
0x73: {  	[spmem:s3] =	stream.indirect.scatter.add.f32 [tilespmem:s10], [sflag:$0x1], $0x10, s30, s13, $0xb8;
	[tilespmem:$0x5800] =	vst v63  }
0x74: {  	s31 =	sadd.s32 $0x300, s16  }
0x75: {  	[spmem:s3] =	stream.indirect.scatter.add.f32 [tilespmem:s10], [sflag:$0x1], $0x10, s31, s13, $0xb8;
	[tilespmem:$0x5800] =	vst v63  }
0x76: {  	s16 =	sadd.s32 $0x380, s16  }
0x77: {  	[spmem:s3] =	stream.indirect.scatter.add.f32 [tilespmem:s10], [sflag:$0x1], $0x10, s16, s13, $0xb8;
	[tilespmem:$0x5800] =	vst v63  }
0x78: {  	_ =	swait.ge [sflag:s14], $0x800  }
0x79: {  	[sflag:s14] =	ssyncset.done $0x0  }
0x7a: {  	[sflag:s14] =	ssyncadd.s32 $0xFFFFF800  }
0x7b: {  	_ =	swait.ge [sflag:s14], $0x800  }
0x7c: {  	[sflag:s14] =	ssyncset.done $0x0  }
0x7d: {  	[sflag:s14] =	ssyncadd.s32 $0xFFFFF800  }
0x7e: {  	_ =	swait.ge [sflag:s14], $0x800  }
0x7f: {  	[sflag:s14] =	ssyncset.done $0x0  }
0x80: {  	[sflag:s14] =	ssyncadd.s32 $0xFFFFF800  }
0x81: {  	_ =	swait.ge [sflag:s14], $0x800  }
0x82: {  	[sflag:s14] =	ssyncset.done $0x0  }
0x83: {  	[sflag:s14] =	ssyncadd.s32 $0xFFFFF800  }
0x84: {  	_ =	swait.ge [sflag:s14], $0x800  }
0x85: {  	[sflag:s14] =	ssyncset.done $0x0  }
0x86: {  	[sflag:s14] =	ssyncadd.s32 $0xFFFFF800  }
0x87: {  	_ =	swait.ge [sflag:s14], $0x800  }
0x88: {  	[sflag:s14] =	ssyncset.done $0x0  }
0x89: {  	[sflag:s14] =	ssyncadd.s32 $0xFFFFF800  }
0x8a: {  	_ =	swait.ge [sflag:s14], $0x800  }
0x8b: {  	[sflag:s14] =	ssyncset.done $0x0  }
0x8c: {  	[sflag:s14] =	ssyncadd.s32 $0xFFFFF800  }
0x8d: {  	_ =	swait.ge [sflag:s14], $0x800  }
0x8e: {  	s15 =	sadd.s32 $0x1, s15;
	[sflag:s14] =	ssyncset.done $0x0  }
0x8f: {  	p0 =	sne.s32 s15, s8;
	[sflag:s14] =	ssyncadd.s32 $0xFFFFF800  }
.Ltmp1:
0x90: {  	[bflag:$0x0] =	sbarrier.arrive $0xFFFF;
	(pc) =	sbr.rel @p0 .LBB2_1-.Ltmp1, $4  }
0x91: {  	[hbm:s7], [sflag:s11] =	dma.local [spmem:s12], $0x500  }
0x92: {  	_ =	swait.ge [sflag:s9], $0x500  }
0x93: {  	[sflag:s9] =	ssyncset.done $0x0  }
0x94: {  	[sflag:s9] =	ssyncadd.s32 $0xFFFFFB00  }
0x95: {  	_ =	sfence.sel $0x180000  }
0x96: {  	[bflag:$0x0] =	sbarrier.arrive $0xFFFF  }
0x97: {  	p0 =	sne.s32 s0, $0x0;
	_ =	strace $0x90000047  }
0x98: {  	s0 =	sadd.s32 @!p0 $0x100000, s1;
	[bflag:$0x2] =	sbarrier.arrive $0xFFFF  }
0x99: {  	[sflag:s0] =	ssyncadd.tile.s32 @!p0 $0x1;
	_ =	shalt  }
.Lfunc_end2:
_tile_overlayer_lowered:
.L_overlay_start_2:
0x9a: {  	(tag) =	ssettag $0x2  }
0x9b: {  	s0 =	rddreg [dreg:$0x0];
	s2 =	stileid.u32  }
0x9c: {  	s1 =	rddreg [dreg:$0x1];
	p0 =	sne.s32 s2, $0x0  }
0x9d: {  	s3 =	rddreg [dreg:$0x2];
	[bflag:$0x3] =	sbarrier.arrive $0xFFFF;
	s2 =	simm.s32 @!p0 $0x1C02  }
0x9e: {  	[timem:s3], [sflag:s2] =	dma.local @!p0 [hbm:s0], s1  }
0x9f: {  	s0 =	simm.s32 @!p0 $0x2  }
0xa0: {  	_ =	swait.ge @!p0 [sflag:s0], s1  }
0xa1: {  	s1 =	ssub.s32 @!p0 $0x0, s1;
	[sflag:s0] =	ssyncset.done @!p0 $0x0  }
0xa2: {  	[sflag:s0] =	ssyncadd.s32 @!p0 s1  }
0xa3: {  	[bflag:$0x3] =	sbarrier.arrive $0xFFFF  }
0xa4: {  	_ =	shalt  }

</sc_bundles>
